<compile_context>
chip_gen: v7x
topology: tpu7x:2x2x1
jax: 0.10.2.dev20260603
libtpu: 0.0.44.dev20260713+nightly
codegen_flags: <defaults>
</compile_context>

<pallas_src>
import jax
import jax.numpy as jnp
from jax import lax
from jax.experimental import pallas as pl
from jax.experimental.pallas import tpu as pltpu
from jax.experimental.pallas import tpu_sc as plsc

B = 16384
N2 = 361
PADN = 368
NGRP = PADN // 16
TBL = 512
NBKT = 8192
BSH = 18
NW = 32
GPT = B // NW
CH = 32
NCHUNK = GPT // CH
I32MAX = 2147483647


def _sc_body(hist_hbm, sd_hbm, rank_hbm, off_hbm, cur_hbm, pl_hbm,
             mc_hbm, out_hbm, sd_v, rank_v, off_v, cur_v, pl_v, mc_v,
             present_v, hist0, hist1, out_buf, sem0, sem1):
    wid = lax.axis_index("s") * 2 + lax.axis_index("c")
    base = wid * GPT

    pltpu.sync_copy(sd_hbm, sd_v)
    pltpu.sync_copy(rank_hbm, rank_v)
    pltpu.sync_copy(off_hbm, off_v)
    pltpu.sync_copy(cur_hbm.at[pl.ds(base, GPT)], cur_v.at[pl.ds(0, GPT)])
    pltpu.sync_copy(pl_hbm.at[pl.ds(base, GPT)], pl_v.at[pl.ds(0, GPT)])
    pltpu.sync_copy(mc_hbm.at[pl.ds(base, GPT)], mc_v.at[pl.ds(0, GPT)])

    lanes = lax.iota(jnp.int32, 16)
    for k in range(TBL // 16):
        present_v[pl.ds(k * 16, 16)] = jnp.full((16,), -1, jnp.int32)

    bufs = ((hist0, sem0), (hist1, sem1))

    def in_copies(cc, hist_s, sem):
        rows = pl.ds(base + cc * CH, CH)
        return (pltpu.make_async_copy(hist_hbm.at[rows], hist_s, sem),)

    for s in range(2):
        for cp in in_copies(s, *bufs[s]):
            cp.start()

    def chunk_compute(cc, hist_s):
        def game_body(gi, _):
            g = cc * CH + gi
            cur = cur_v[pl.ds(g, 16)][0]
            player = lax.bitwise_and(pl_v[pl.ds(g, 16)][0], 1)
            L = lax.min(mc_v[pl.ds(g, 16)][0], N2)
            gvec = jnp.full((16,), g, jnp.int32)
            sd_base = jnp.full((16,), player * TBL, jnp.int32)
            off_base = jnp.full((16,), player * NBKT, jnp.int32)
            ngrp = (L + 15) // 16
            zero16 = jnp.zeros((16,), jnp.int32)

            @plsc.parallel_loop(0, ngrp, unroll=4, carry=zero16)
            def probe_fast(jg, acc):
                jbase = jg * 16
                valid = (jbase + lanes) < L
                t = hist_s[gi, pl.ds(jbase, 16)] ^ cur
                r = lax.shift_right_logical(t, BSH) & (NBKT - 1)
                pos = plsc.load_gather(off_v, [off_base + r])
                v = plsc.load_gather(sd_v, [sd_base + pos])
                pos = pos + jnp.where(v < t, 1, 0).astype(jnp.int32)
                v = plsc.load_gather(sd_v, [sd_base + pos])
                pos = pos + jnp.where(v < t, 1, 0).astype(jnp.int32)
                v = plsc.load_gather(sd_v, [sd_base + pos])
                found = (v == t) & valid
                plsc.store_scatter(present_v, [pos], gvec, mask=found)
                acc = acc | jnp.where(valid & (v < t), 1, 0).astype(jnp.int32)
                return acc | jnp.where(found, 2, 0).astype(jnp.int32)

            acc_m = jnp.max(probe_fast)
            need_slow = (acc_m & 1) > 0

            def probe_slow(jg, _):
                jbase = jg * 16
                valid = (jbase + lanes) < L
                t = hist_s[gi, pl.ds(jbase, 16)] ^ cur
                r = lax.shift_right_logical(t, BSH) & (NBKT - 1)
                pos = plsc.load_gather(off_v, [off_base + r])
                v = plsc.load_gather(sd_v, [sd_base + pos])

                def scan_cond(c):
                    _, vv = c
                    return jnp.any(vv < t)

                def scan_step(c):
                    pp, vv = c
                    pp = pp + jnp.where(vv < t, 1, 0).astype(jnp.int32)
                    return pp, plsc.load_gather(sd_v, [sd_base + pp])

                pos, v = lax.while_loop(scan_cond, scan_step, (pos, v))
                found = (v == t) & valid
                plsc.store_scatter(present_v, [pos], gvec, mask=found)
                return 0

            @pl.when(need_slow)
            def _():
                lax.fori_loop(0, ngrp, probe_slow, 0)

            game_hit = (acc_m >= 2) | need_slow
            rk0 = player * PADN
            zf = jnp.zeros((16,), jnp.float32)

            @pl.when(game_hit)
            def _():
                for pg in range(NGRP):
                    r = rank_v[pl.ds(rk0 + pg * 16, 16)]
                    rep = plsc.load_gather(present_v, [r]) == gvec
                    out_buf[gi, pl.ds(pg * 16, 16)] = jnp.where(
                        rep, jnp.float32(1), jnp.float32(0))

            @pl.when(jnp.logical_not(game_hit))
            def _():
                for pg in range(NGRP):
                    out_buf[gi, pl.ds(pg * 16, 16)] = zf
            return 0

        lax.fori_loop(0, CH, game_body, 0)

    def pair_body(cpair, _):
        for s in range(2):
            cc = cpair * 2 + s
            hist_s, sem = bufs[s]
            for cp in in_copies(cc, hist_s, sem):
                cp.wait()
            chunk_compute(cc, hist_s)

            @pl.when(cc + 2 < NCHUNK)
            def _():
                for cp in in_copies(cc + 2, hist_s, sem):
                    cp.start()

            pltpu.sync_copy(out_buf, out_hbm.at[pl.ds(base + cc * CH, CH)])
        return 0

    lax.fori_loop(0, NCHUNK // 2, pair_body, 0)


def kernel(legal_mask, Zpos, current_player, current_hash, hash_history,
           move_count):
    b, h, w = legal_mask.shape
    d = Zpos[:, 0][None, :] ^ jnp.stack([Zpos[:, 1], Zpos[:, 2]])
    sd = jnp.sort(d, axis=1)
    sd_pad = jnp.concatenate(
        [sd, jnp.full((2, TBL - N2), I32MAX, jnp.int32)], axis=1)
    rank = jnp.sum(d[:, None, :] < d[:, :, None], axis=2,
                   dtype=jnp.int32)
    rank_pad = jnp.concatenate(
        [rank, jnp.zeros((2, PADN - N2), jnp.int32)], axis=1)
    buck = lax.shift_right_logical(d, BSH)
    off = jnp.sum(
        buck[:, None, :] < jnp.arange(NBKT, dtype=jnp.int32)[None, :, None],
        axis=2, dtype=jnp.int32)

    hist_pad = jnp.pad(hash_history, ((0, 0), (0, PADN - N2)))

    mesh = plsc.VectorSubcoreMesh(core_axis_name="c", subcore_axis_name="s")
    kfn = pl.kernel(
        _sc_body,
        mesh=mesh,
        out_type=jax.ShapeDtypeStruct((B, PADN), jnp.float32),
        compiler_params=pltpu.CompilerParams(needs_layout_passes=False),
        scratch_types=[
            pltpu.VMEM((2 * TBL,), jnp.int32),
            pltpu.VMEM((2 * PADN,), jnp.int32),
            pltpu.VMEM((2 * NBKT,), jnp.int32),
            pltpu.VMEM((GPT + 16,), jnp.int32),
            pltpu.VMEM((GPT + 16,), jnp.int32),
            pltpu.VMEM((GPT + 16,), jnp.int32),
            pltpu.VMEM((TBL,), jnp.int32),
            pltpu.VMEM((CH, PADN), jnp.int32),
            pltpu.VMEM((CH, PADN), jnp.int32),
            pltpu.VMEM((CH, PADN), jnp.float32),
            pltpu.SemaphoreType.DMA,
            pltpu.SemaphoreType.DMA,
        ],
    )
    mask = kfn(hist_pad, sd_pad.reshape(-1), rank_pad.reshape(-1),
               off.reshape(-1), current_hash, current_player, move_count)
    return legal_mask * (1.0 - mask[:, :N2].reshape(b, h, w))

# --- scband reference (transcript-rebuilt; emitter-appended) ---
"""Pipeline reference for scband-tensor-board-4423816315107 (READ-ONLY COPY).

The authoritative reference and input builder live on the scoring server;
editing this copy changes nothing except your own understanding.
"""

import jax, jax.numpy as jnp
import numpy as np

B = 16384
S = 19
N2 = S * S
M = N2
INT32_MIN = np.iinfo(np.int32).min


def setup_inputs(seed: int = 0) -> dict:
    key = jax.random.key(seed)
    ks = jax.random.split(key, 6)
    legal_mask = jax.random.uniform(ks[0], (B, S, S), dtype=jnp.float32)
    Zpos = jax.random.randint(ks[1], (N2, 3), 0, 2147483647, dtype=jnp.int32)
    current_player = jax.random.randint(ks[2], (B,), 0, 2, dtype=jnp.int32)
    current_hash = jax.random.randint(ks[3], (B,), 0, 2147483647, dtype=jnp.int32)
    hash_history = jax.random.randint(ks[4], (B, M), 0, 2147483647, dtype=jnp.int32)
    move_count = jax.random.randint(ks[5], (B,), 0, M, dtype=jnp.int32)
    return {"legal_mask": legal_mask, "Zpos": Zpos, "current_player": current_player,
            "current_hash": current_hash, "hash_history": hash_history, "move_count": move_count}


def _super_ko_filter(legal_mask, Zpos, current_player, current_hash, hash_history, move_count):
    b, h, w = legal_mask.shape
    n2 = h * w
    legal_flat = legal_mask.reshape(b, n2)
    cand_mask = legal_flat > 0
    # Zobrist delta for placing current player's stone on an empty point
    lin = jnp.arange(n2, dtype=jnp.int32)
    place_old = Zpos[:, 0][None, :]                               # [1, N2] broadcast -> [B, N2]
    player_col = (current_player + 1)[:, None]                    # [B, 1]
    place_new = Zpos[lin[None, :], player_col]                    # [B, N2]
    place_delta = jnp.bitwise_xor(place_old, place_new)
    # R == 0 / K == 0 branch of _filter_super_ko_vectorized: cap_delta = 0
    new_hash = jnp.bitwise_xor(current_hash[:, None], place_delta)  # [B, N2]
    m = hash_history.shape[1]
    L = jnp.minimum(move_count, m)
    valid_cols = jnp.arange(m, dtype=jnp.int32)[None, :] < L[:, None]
    hist_masked = jnp.where(valid_cols, hash_history, jnp.full_like(hash_history, INT32_MIN))
    h_sorted = jnp.sort(hist_masked, axis=1)
    start_valid = (m - L)[:, None]
    idx = jax.vmap(lambda a, v: jnp.searchsorted(a, v, side='right'))(h_sorted, new_hash) - 1
    idx_clamped = jnp.clip(idx, 0, None)
    val = jnp.take_along_axis(h_sorted, idx_clamped, axis=1)
    in_valid = idx >= start_valid
    is_repeat_flat = in_valid & (val == new_hash) & cand_mask
    repeat_mask = is_repeat_flat.reshape(b, h, w)
    return repeat_mask


def reference(legal_mask, Zpos, current_player, current_hash, hash_history, move_count):
    repeat_mask = _super_ko_filter(legal_mask, Zpos, current_player, current_hash, hash_history, move_count)
    # legal_mask & ~repeat_mask (float-valued legality weights)
    out = legal_mask * (~repeat_mask).astype(legal_mask.dtype)
    return out

if __name__ == "__main__":
    import jax
    _d = setup_inputs()
    print(jax.jit(kernel)(*tuple(_d.values())))

</pallas_src>

<mosaic_0001>
#map = affine_map<(d0, d1) -> (0, 0)>
#map1 = affine_map<(d0, d1) -> (0)>
module attributes {stable_mosaic.version = 14 : i64} {
  func.func @_sc_body(%arg0: i32, %arg1: i32, %arg2: memref<16384x368xi32, #tpu.memory_space<hbm>>, %arg3: memref<1024xi32, #tpu.memory_space<hbm>>, %arg4: memref<736xi32, #tpu.memory_space<hbm>>, %arg5: memref<16384xi32, #tpu.memory_space<hbm>>, %arg6: memref<16384xi32, #tpu.memory_space<hbm>>, %arg7: memref<16384xi32, #tpu.memory_space<hbm>>, %arg8: memref<16384xi32, #tpu.memory_space<hbm>>, %arg9: memref<16384x368xf32, #tpu.memory_space<hbm>>, %arg10: memref<1024xi32, #tpu.memory_space<vmem>>, %arg11: memref<736xi32, #tpu.memory_space<vmem>>, %arg12: memref<16384xi32, #tpu.memory_space<vmem>>, %arg13: memref<528xi32, #tpu.memory_space<vmem>>, %arg14: memref<528xi32, #tpu.memory_space<vmem>>, %arg15: memref<528xi32, #tpu.memory_space<vmem>>, %arg16: memref<512xi32, #tpu.memory_space<vmem>>, %arg17: memref<32x368xi32, #tpu.memory_space<vmem>>, %arg18: memref<32x368xi32, #tpu.memory_space<vmem>>, %arg19: memref<32x368xf32, #tpu.memory_space<vmem>>, %arg20: memref<!tpu.dma_semaphore, #tpu.memory_space<semaphore_mem>>, %arg21: memref<!tpu.dma_semaphore, #tpu.memory_space<semaphore_mem>>) attributes {dimension_semantics = [#tpu.dimension_semantics<core_parallel>, #tpu.dimension_semantics<subcore_parallel>], iteration_bounds = array<i64: 2, 16>, scalar_prefetch = 0 : i64, scratch_operands = 12 : i64, tpu.core_type = #tpu.core_type<sc_vector_subcore>, window_params = [{transform_indices = #map}, {transform_indices = #map1}, {transform_indices = #map1}, {transform_indices = #map1}, {transform_indices = #map1}, {transform_indices = #map1}, {transform_indices = #map1}, {transform_indices = #map}]} {
    %mul3A = arith.constant 2 : i32
    %mul3A_0 = arith.muli %arg1, %mul3A : i32
    %add3A = arith.addi %mul3A_0, %arg0 : i32
    %mul3A_1 = arith.constant 512 : i32
    %mul3A_2 = arith.muli %add3A, %mul3A_1 : i32
    "tpu.region"() ({
      %run_scoped3A = tpu.sem_alloc : memref<!tpu.dma_semaphore, #tpu.memory_space<semaphore_mem>>
      tpu.enqueue_dma source(%arg3 : memref<1024xi32, #tpu.memory_space<hbm>>) target(%arg10 : memref<1024xi32, #tpu.memory_space<vmem>>) target_semaphore(%run_scoped3A : memref<!tpu.dma_semaphore, #tpu.memory_space<semaphore_mem>>)
      tpu.wait_dma2 semaphore(%run_scoped3A : memref<!tpu.dma_semaphore, #tpu.memory_space<semaphore_mem>>) src(%arg3 : memref<1024xi32, #tpu.memory_space<hbm>>) dst(%arg10 : memref<1024xi32, #tpu.memory_space<vmem>>)
      tpu.yield
    }) : () -> ()
    "tpu.region"() ({
      %run_scoped3A = tpu.sem_alloc : memref<!tpu.dma_semaphore, #tpu.memory_space<semaphore_mem>>
      tpu.enqueue_dma source(%arg4 : memref<736xi32, #tpu.memory_space<hbm>>) target(%arg11 : memref<736xi32, #tpu.memory_space<vmem>>) target_semaphore(%run_scoped3A : memref<!tpu.dma_semaphore, #tpu.memory_space<semaphore_mem>>)
      tpu.wait_dma2 semaphore(%run_scoped3A : memref<!tpu.dma_semaphore, #tpu.memory_space<semaphore_mem>>) src(%arg4 : memref<736xi32, #tpu.memory_space<hbm>>) dst(%arg11 : memref<736xi32, #tpu.memory_space<vmem>>)
      tpu.yield
    }) : () -> ()
    "tpu.region"() ({
      %run_scoped3A = tpu.sem_alloc : memref<!tpu.dma_semaphore, #tpu.memory_space<semaphore_mem>>
      tpu.enqueue_dma source(%arg5 : memref<16384xi32, #tpu.memory_space<hbm>>) target(%arg12 : memref<16384xi32, #tpu.memory_space<vmem>>) target_semaphore(%run_scoped3A : memref<!tpu.dma_semaphore, #tpu.memory_space<semaphore_mem>>)
      tpu.wait_dma2 semaphore(%run_scoped3A : memref<!tpu.dma_semaphore, #tpu.memory_space<semaphore_mem>>) src(%arg5 : memref<16384xi32, #tpu.memory_space<hbm>>) dst(%arg12 : memref<16384xi32, #tpu.memory_space<vmem>>)
      tpu.yield
    }) : () -> ()
    "tpu.region"() ({
      %run_scoped3A = tpu.sem_alloc : memref<!tpu.dma_semaphore, #tpu.memory_space<semaphore_mem>>
      %dma_start3A_146 = arith.constant 0 : i32
      %dma_start3A_147 = tpu.memref_slice %arg13[%dma_start3A_146] : memref<528xi32, #tpu.memory_space<vmem>> -> memref<512xi32, #tpu.memory_space<vmem>>
      %dma_start3A_148 = tpu.memref_slice %arg6[%mul3A_2] : memref<16384xi32, #tpu.memory_space<hbm>> -> memref<512xi32, #tpu.memory_space<hbm>>
      %dma_start3A_149 = arith.constant 0 : i32
      %dma_start3A_150 = tpu.memref_slice %arg13[%dma_start3A_149] : memref<528xi32, #tpu.memory_space<vmem>> -> memref<512xi32, #tpu.memory_space<vmem>>
      %dma_start3A_151 = tpu.memref_slice %arg6[%mul3A_2] : memref<16384xi32, #tpu.memory_space<hbm>> -> memref<512xi32, #tpu.memory_space<hbm>>
      tpu.enqueue_dma source(%dma_start3A_151 : memref<512xi32, #tpu.memory_space<hbm>>) target(%dma_start3A_150 : memref<512xi32, #tpu.memory_space<vmem>>) target_semaphore(%run_scoped3A : memref<!tpu.dma_semaphore, #tpu.memory_space<semaphore_mem>>)
      %dma_wait3A = arith.constant 0 : i32
      %dma_wait3A_152 = tpu.memref_slice %arg13[%dma_wait3A] : memref<528xi32, #tpu.memory_space<vmem>> -> memref<512xi32, #tpu.memory_space<vmem>>
      %dma_wait3A_153 = tpu.memref_slice %arg6[%mul3A_2] : memref<16384xi32, #tpu.memory_space<hbm>> -> memref<512xi32, #tpu.memory_space<hbm>>
      %dma_wait3A_154 = arith.constant 0 : i32
      %dma_wait3A_155 = tpu.memref_slice %arg13[%dma_wait3A_154] : memref<528xi32, #tpu.memory_space<vmem>> -> memref<512xi32, #tpu.memory_space<vmem>>
      %dma_wait3A_156 = tpu.memref_slice %arg6[%mul3A_2] : memref<16384xi32, #tpu.memory_space<hbm>> -> memref<512xi32, #tpu.memory_space<hbm>>
      tpu.wait_dma2 semaphore(%run_scoped3A : memref<!tpu.dma_semaphore, #tpu.memory_space<semaphore_mem>>) src(%dma_wait3A_156 : memref<512xi32, #tpu.memory_space<hbm>>) dst(%dma_wait3A_155 : memref<512xi32, #tpu.memory_space<vmem>>)
      tpu.yield
    }) : () -> ()
    "tpu.region"() ({
      %run_scoped3A = tpu.sem_alloc : memref<!tpu.dma_semaphore, #tpu.memory_space<semaphore_mem>>
      %dma_start3A_146 = arith.constant 0 : i32
      %dma_start3A_147 = tpu.memref_slice %arg14[%dma_start3A_146] : memref<528xi32, #tpu.memory_space<vmem>> -> memref<512xi32, #tpu.memory_space<vmem>>
      %dma_start3A_148 = tpu.memref_slice %arg7[%mul3A_2] : memref<16384xi32, #tpu.memory_space<hbm>> -> memref<512xi32, #tpu.memory_space<hbm>>
      %dma_start3A_149 = arith.constant 0 : i32
      %dma_start3A_150 = tpu.memref_slice %arg14[%dma_start3A_149] : memref<528xi32, #tpu.memory_space<vmem>> -> memref<512xi32, #tpu.memory_space<vmem>>
      %dma_start3A_151 = tpu.memref_slice %arg7[%mul3A_2] : memref<16384xi32, #tpu.memory_space<hbm>> -> memref<512xi32, #tpu.memory_space<hbm>>
      tpu.enqueue_dma source(%dma_start3A_151 : memref<512xi32, #tpu.memory_space<hbm>>) target(%dma_start3A_150 : memref<512xi32, #tpu.memory_space<vmem>>) target_semaphore(%run_scoped3A : memref<!tpu.dma_semaphore, #tpu.memory_space<semaphore_mem>>)
      %dma_wait3A = arith.constant 0 : i32
      %dma_wait3A_152 = tpu.memref_slice %arg14[%dma_wait3A] : memref<528xi32, #tpu.memory_space<vmem>> -> memref<512xi32, #tpu.memory_space<vmem>>
      %dma_wait3A_153 = tpu.memref_slice %arg7[%mul3A_2] : memref<16384xi32, #tpu.memory_space<hbm>> -> memref<512xi32, #tpu.memory_space<hbm>>
      %dma_wait3A_154 = arith.constant 0 : i32
      %dma_wait3A_155 = tpu.memref_slice %arg14[%dma_wait3A_154] : memref<528xi32, #tpu.memory_space<vmem>> -> memref<512xi32, #tpu.memory_space<vmem>>
      %dma_wait3A_156 = tpu.memref_slice %arg7[%mul3A_2] : memref<16384xi32, #tpu.memory_space<hbm>> -> memref<512xi32, #tpu.memory_space<hbm>>
      tpu.wait_dma2 semaphore(%run_scoped3A : memref<!tpu.dma_semaphore, #tpu.memory_space<semaphore_mem>>) src(%dma_wait3A_156 : memref<512xi32, #tpu.memory_space<hbm>>) dst(%dma_wait3A_155 : memref<512xi32, #tpu.memory_space<vmem>>)
      tpu.yield
    }) : () -> ()
    "tpu.region"() ({
      %run_scoped3A = tpu.sem_alloc : memref<!tpu.dma_semaphore, #tpu.memory_space<semaphore_mem>>
      %dma_start3A_146 = arith.constant 0 : i32
      %dma_start3A_147 = tpu.memref_slice %arg15[%dma_start3A_146] : memref<528xi32, #tpu.memory_space<vmem>> -> memref<512xi32, #tpu.memory_space<vmem>>
      %dma_start3A_148 = tpu.memref_slice %arg8[%mul3A_2] : memref<16384xi32, #tpu.memory_space<hbm>> -> memref<512xi32, #tpu.memory_space<hbm>>
      %dma_start3A_149 = arith.constant 0 : i32
      %dma_start3A_150 = tpu.memref_slice %arg15[%dma_start3A_149] : memref<528xi32, #tpu.memory_space<vmem>> -> memref<512xi32, #tpu.memory_space<vmem>>
      %dma_start3A_151 = tpu.memref_slice %arg8[%mul3A_2] : memref<16384xi32, #tpu.memory_space<hbm>> -> memref<512xi32, #tpu.memory_space<hbm>>
      tpu.enqueue_dma source(%dma_start3A_151 : memref<512xi32, #tpu.memory_space<hbm>>) target(%dma_start3A_150 : memref<512xi32, #tpu.memory_space<vmem>>) target_semaphore(%run_scoped3A : memref<!tpu.dma_semaphore, #tpu.memory_space<semaphore_mem>>)
      %dma_wait3A = arith.constant 0 : i32
      %dma_wait3A_152 = tpu.memref_slice %arg15[%dma_wait3A] : memref<528xi32, #tpu.memory_space<vmem>> -> memref<512xi32, #tpu.memory_space<vmem>>
      %dma_wait3A_153 = tpu.memref_slice %arg8[%mul3A_2] : memref<16384xi32, #tpu.memory_space<hbm>> -> memref<512xi32, #tpu.memory_space<hbm>>
      %dma_wait3A_154 = arith.constant 0 : i32
      %dma_wait3A_155 = tpu.memref_slice %arg15[%dma_wait3A_154] : memref<528xi32, #tpu.memory_space<vmem>> -> memref<512xi32, #tpu.memory_space<vmem>>
      %dma_wait3A_156 = tpu.memref_slice %arg8[%mul3A_2] : memref<16384xi32, #tpu.memory_space<hbm>> -> memref<512xi32, #tpu.memory_space<hbm>>
      tpu.wait_dma2 semaphore(%run_scoped3A : memref<!tpu.dma_semaphore, #tpu.memory_space<semaphore_mem>>) src(%dma_wait3A_156 : memref<512xi32, #tpu.memory_space<hbm>>) dst(%dma_wait3A_155 : memref<512xi32, #tpu.memory_space<vmem>>)
      tpu.yield
    }) : () -> ()
    %iota3A = tpu.iota {dimensions = array<i32: 0>} : vector<16xi32>
    %broadcast_in_dim3A = arith.constant -1 : i32
    %broadcast_in_dim3A_3 = vector.broadcast %broadcast_in_dim3A : i32 to vector<16xi32>
    %swap3A = arith.constant 0 : index
    %swap3A_4 = tpu.vector_load %arg16[%swap3A] {strides = array<i32>} : memref<512xi32, #tpu.memory_space<vmem>>, vector<16xi32>,
    tpu.vector_store %arg16[%swap3A], %broadcast_in_dim3A_3 {strides = array<i32>} : memref<512xi32, #tpu.memory_space<vmem>>, vector<16xi32>,
    %broadcast_in_dim3A_5 = arith.constant -1 : i32
    %broadcast_in_dim3A_6 = vector.broadcast %broadcast_in_dim3A_5 : i32 to vector<16xi32>
    %swap3A_7 = arith.constant 16 : index
    %swap3A_8 = tpu.vector_load %arg16[%swap3A_7] {strides = array<i32>} : memref<512xi32, #tpu.memory_space<vmem>>, vector<16xi32>,
    tpu.vector_store %arg16[%swap3A_7], %broadcast_in_dim3A_6 {strides = array<i32>} : memref<512xi32, #tpu.memory_space<vmem>>, vector<16xi32>,
    %broadcast_in_dim3A_9 = arith.constant -1 : i32
    %broadcast_in_dim3A_10 = vector.broadcast %broadcast_in_dim3A_9 : i32 to vector<16xi32>
    %swap3A_11 = arith.constant 32 : index
    %swap3A_12 = tpu.vector_load %arg16[%swap3A_11] {strides = array<i32>} : memref<512xi32, #tpu.memory_space<vmem>>, vector<16xi32>,
    tpu.vector_store %arg16[%swap3A_11], %broadcast_in_dim3A_10 {strides = array<i32>} : memref<512xi32, #tpu.memory_space<vmem>>, vector<16xi32>,
    %broadcast_in_dim3A_13 = arith.constant -1 : i32
    %broadcast_in_dim3A_14 = vector.broadcast %broadcast_in_dim3A_13 : i32 to vector<16xi32>
    %swap3A_15 = arith.constant 48 : index
    %swap3A_16 = tpu.vector_load %arg16[%swap3A_15] {strides = array<i32>} : memref<512xi32, #tpu.memory_space<vmem>>, vector<16xi32>,
    tpu.vector_store %arg16[%swap3A_15], %broadcast_in_dim3A_14 {strides = array<i32>} : memref<512xi32, #tpu.memory_space<vmem>>, vector<16xi32>,
    %broadcast_in_dim3A_17 = arith.constant -1 : i32
    %broadcast_in_dim3A_18 = vector.broadcast %broadcast_in_dim3A_17 : i32 to vector<16xi32>
    %swap3A_19 = arith.constant 64 : index
    %swap3A_20 = tpu.vector_load %arg16[%swap3A_19] {strides = array<i32>} : memref<512xi32, #tpu.memory_space<vmem>>, vector<16xi32>,
    tpu.vector_store %arg16[%swap3A_19], %broadcast_in_dim3A_18 {strides = array<i32>} : memref<512xi32, #tpu.memory_space<vmem>>, vector<16xi32>,
    %broadcast_in_dim3A_21 = arith.constant -1 : i32
    %broadcast_in_dim3A_22 = vector.broadcast %broadcast_in_dim3A_21 : i32 to vector<16xi32>
    %swap3A_23 = arith.constant 80 : index
    %swap3A_24 = tpu.vector_load %arg16[%swap3A_23] {strides = array<i32>} : memref<512xi32, #tpu.memory_space<vmem>>, vector<16xi32>,
    tpu.vector_store %arg16[%swap3A_23], %broadcast_in_dim3A_22 {strides = array<i32>} : memref<512xi32, #tpu.memory_space<vmem>>, vector<16xi32>,
    %broadcast_in_dim3A_25 = arith.constant -1 : i32
    %broadcast_in_dim3A_26 = vector.broadcast %broadcast_in_dim3A_25 : i32 to vector<16xi32>
    %swap3A_27 = arith.constant 96 : index
    %swap3A_28 = tpu.vector_load %arg16[%swap3A_27] {strides = array<i32>} : memref<512xi32, #tpu.memory_space<vmem>>, vector<16xi32>,
    tpu.vector_store %arg16[%swap3A_27], %broadcast_in_dim3A_26 {strides = array<i32>} : memref<512xi32, #tpu.memory_space<vmem>>, vector<16xi32>,
    %broadcast_in_dim3A_29 = arith.constant -1 : i32
    %broadcast_in_dim3A_30 = vector.broadcast %broadcast_in_dim3A_29 : i32 to vector<16xi32>
    %swap3A_31 = arith.constant 112 : index
    %swap3A_32 = tpu.vector_load %arg16[%swap3A_31] {strides = array<i32>} : memref<512xi32, #tpu.memory_space<vmem>>, vector<16xi32>,
    tpu.vector_store %arg16[%swap3A_31], %broadcast_in_dim3A_30 {strides = array<i32>} : memref<512xi32, #tpu.memory_space<vmem>>, vector<16xi32>,
    %broadcast_in_dim3A_33 = arith.constant -1 : i32
    %broadcast_in_dim3A_34 = vector.broadcast %broadcast_in_dim3A_33 : i32 to vector<16xi32>
    %swap3A_35 = arith.constant 128 : index
    %swap3A_36 = tpu.vector_load %arg16[%swap3A_35] {strides = array<i32>} : memref<512xi32, #tpu.memory_space<vmem>>, vector<16xi32>,
    tpu.vector_store %arg16[%swap3A_35], %broadcast_in_dim3A_34 {strides = array<i32>} : memref<512xi32, #tpu.memory_space<vmem>>, vector<16xi32>,
    %broadcast_in_dim3A_37 = arith.constant -1 : i32
    %broadcast_in_dim3A_38 = vector.broadcast %broadcast_in_dim3A_37 : i32 to vector<16xi32>
    %swap3A_39 = arith.constant 144 : index
    %swap3A_40 = tpu.vector_load %arg16[%swap3A_39] {strides = array<i32>} : memref<512xi32, #tpu.memory_space<vmem>>, vector<16xi32>,
    tpu.vector_store %arg16[%swap3A_39], %broadcast_in_dim3A_38 {strides = array<i32>} : memref<512xi32, #tpu.memory_space<vmem>>, vector<16xi32>,
    %broadcast_in_dim3A_41 = arith.constant -1 : i32
    %broadcast_in_dim3A_42 = vector.broadcast %broadcast_in_dim3A_41 : i32 to vector<16xi32>
    %swap3A_43 = arith.constant 160 : index
    %swap3A_44 = tpu.vector_load %arg16[%swap3A_43] {strides = array<i32>} : memref<512xi32, #tpu.memory_space<vmem>>, vector<16xi32>,
    tpu.vector_store %arg16[%swap3A_43], %broadcast_in_dim3A_42 {strides = array<i32>} : memref<512xi32, #tpu.memory_space<vmem>>, vector<16xi32>,
    %broadcast_in_dim3A_45 = arith.constant -1 : i32
    %broadcast_in_dim3A_46 = vector.broadcast %broadcast_in_dim3A_45 : i32 to vector<16xi32>
    %swap3A_47 = arith.constant 176 : index
    %swap3A_48 = tpu.vector_load %arg16[%swap3A_47] {strides = array<i32>} : memref<512xi32, #tpu.memory_space<vmem>>, vector<16xi32>,
    tpu.vector_store %arg16[%swap3A_47], %broadcast_in_dim3A_46 {strides = array<i32>} : memref<512xi32, #tpu.memory_space<vmem>>, vector<16xi32>,
    %broadcast_in_dim3A_49 = arith.constant -1 : i32
    %broadcast_in_dim3A_50 = vector.broadcast %broadcast_in_dim3A_49 : i32 to vector<16xi32>
    %swap3A_51 = arith.constant 192 : index
    %swap3A_52 = tpu.vector_load %arg16[%swap3A_51] {strides = array<i32>} : memref<512xi32, #tpu.memory_space<vmem>>, vector<16xi32>,
    tpu.vector_store %arg16[%swap3A_51], %broadcast_in_dim3A_50 {strides = array<i32>} : memref<512xi32, #tpu.memory_space<vmem>>, vector<16xi32>,
    %broadcast_in_dim3A_53 = arith.constant -1 : i32
    %broadcast_in_dim3A_54 = vector.broadcast %broadcast_in_dim3A_53 : i32 to vector<16xi32>
    %swap3A_55 = arith.constant 208 : index
    %swap3A_56 = tpu.vector_load %arg16[%swap3A_55] {strides = array<i32>} : memref<512xi32, #tpu.memory_space<vmem>>, vector<16xi32>,
    tpu.vector_store %arg16[%swap3A_55], %broadcast_in_dim3A_54 {strides = array<i32>} : memref<512xi32, #tpu.memory_space<vmem>>, vector<16xi32>,
    %broadcast_in_dim3A_57 = arith.constant -1 : i32
    %broadcast_in_dim3A_58 = vector.broadcast %broadcast_in_dim3A_57 : i32 to vector<16xi32>
    %swap3A_59 = arith.constant 224 : index
    %swap3A_60 = tpu.vector_load %arg16[%swap3A_59] {strides = array<i32>} : memref<512xi32, #tpu.memory_space<vmem>>, vector<16xi32>,
    tpu.vector_store %arg16[%swap3A_59], %broadcast_in_dim3A_58 {strides = array<i32>} : memref<512xi32, #tpu.memory_space<vmem>>, vector<16xi32>,
    %broadcast_in_dim3A_61 = arith.constant -1 : i32
    %broadcast_in_dim3A_62 = vector.broadcast %broadcast_in_dim3A_61 : i32 to vector<16xi32>
    %swap3A_63 = arith.constant 240 : index
    %swap3A_64 = tpu.vector_load %arg16[%swap3A_63] {strides = array<i32>} : memref<512xi32, #tpu.memory_space<vmem>>, vector<16xi32>,
    tpu.vector_store %arg16[%swap3A_63], %broadcast_in_dim3A_62 {strides = array<i32>} : memref<512xi32, #tpu.memory_space<vmem>>, vector<16xi32>,
    %broadcast_in_dim3A_65 = arith.constant -1 : i32
    %broadcast_in_dim3A_66 = vector.broadcast %broadcast_in_dim3A_65 : i32 to vector<16xi32>
    %swap3A_67 = arith.constant 256 : index
    %swap3A_68 = tpu.vector_load %arg16[%swap3A_67] {strides = array<i32>} : memref<512xi32, #tpu.memory_space<vmem>>, vector<16xi32>,
    tpu.vector_store %arg16[%swap3A_67], %broadcast_in_dim3A_66 {strides = array<i32>} : memref<512xi32, #tpu.memory_space<vmem>>, vector<16xi32>,
    %broadcast_in_dim3A_69 = arith.constant -1 : i32
    %broadcast_in_dim3A_70 = vector.broadcast %broadcast_in_dim3A_69 : i32 to vector<16xi32>
    %swap3A_71 = arith.constant 272 : index
    %swap3A_72 = tpu.vector_load %arg16[%swap3A_71] {strides = array<i32>} : memref<512xi32, #tpu.memory_space<vmem>>, vector<16xi32>,
    tpu.vector_store %arg16[%swap3A_71], %broadcast_in_dim3A_70 {strides = array<i32>} : memref<512xi32, #tpu.memory_space<vmem>>, vector<16xi32>,
    %broadcast_in_dim3A_73 = arith.constant -1 : i32
    %broadcast_in_dim3A_74 = vector.broadcast %broadcast_in_dim3A_73 : i32 to vector<16xi32>
    %swap3A_75 = arith.constant 288 : index
    %swap3A_76 = tpu.vector_load %arg16[%swap3A_75] {strides = array<i32>} : memref<512xi32, #tpu.memory_space<vmem>>, vector<16xi32>,
    tpu.vector_store %arg16[%swap3A_75], %broadcast_in_dim3A_74 {strides = array<i32>} : memref<512xi32, #tpu.memory_space<vmem>>, vector<16xi32>,
    %broadcast_in_dim3A_77 = arith.constant -1 : i32
    %broadcast_in_dim3A_78 = vector.broadcast %broadcast_in_dim3A_77 : i32 to vector<16xi32>
    %swap3A_79 = arith.constant 304 : index
    %swap3A_80 = tpu.vector_load %arg16[%swap3A_79] {strides = array<i32>} : memref<512xi32, #tpu.memory_space<vmem>>, vector<16xi32>,
    tpu.vector_store %arg16[%swap3A_79], %broadcast_in_dim3A_78 {strides = array<i32>} : memref<512xi32, #tpu.memory_space<vmem>>, vector<16xi32>,
    %broadcast_in_dim3A_81 = arith.constant -1 : i32
    %broadcast_in_dim3A_82 = vector.broadcast %broadcast_in_dim3A_81 : i32 to vector<16xi32>
    %swap3A_83 = arith.constant 320 : index
    %swap3A_84 = tpu.vector_load %arg16[%swap3A_83] {strides = array<i32>} : memref<512xi32, #tpu.memory_space<vmem>>, vector<16xi32>,
    tpu.vector_store %arg16[%swap3A_83], %broadcast_in_dim3A_82 {strides = array<i32>} : memref<512xi32, #tpu.memory_space<vmem>>, vector<16xi32>,
    %broadcast_in_dim3A_85 = arith.constant -1 : i32
    %broadcast_in_dim3A_86 = vector.broadcast %broadcast_in_dim3A_85 : i32 to vector<16xi32>
    %swap3A_87 = arith.constant 336 : index
    %swap3A_88 = tpu.vector_load %arg16[%swap3A_87] {strides = array<i32>} : memref<512xi32, #tpu.memory_space<vmem>>, vector<16xi32>,
    tpu.vector_store %arg16[%swap3A_87], %broadcast_in_dim3A_86 {strides = array<i32>} : memref<512xi32, #tpu.memory_space<vmem>>, vector<16xi32>,
    %broadcast_in_dim3A_89 = arith.constant -1 : i32
    %broadcast_in_dim3A_90 = vector.broadcast %broadcast_in_dim3A_89 : i32 to vector<16xi32>
    %swap3A_91 = arith.constant 352 : index
    %swap3A_92 = tpu.vector_load %arg16[%swap3A_91] {strides = array<i32>} : memref<512xi32, #tpu.memory_space<vmem>>, vector<16xi32>,
    tpu.vector_store %arg16[%swap3A_91], %broadcast_in_dim3A_90 {strides = array<i32>} : memref<512xi32, #tpu.memory_space<vmem>>, vector<16xi32>,
    %broadcast_in_dim3A_93 = arith.constant -1 : i32
    %broadcast_in_dim3A_94 = vector.broadcast %broadcast_in_dim3A_93 : i32 to vector<16xi32>
    %swap3A_95 = arith.constant 368 : index
    %swap3A_96 = tpu.vector_load %arg16[%swap3A_95] {strides = array<i32>} : memref<512xi32, #tpu.memory_space<vmem>>, vector<16xi32>,
    tpu.vector_store %arg16[%swap3A_95], %broadcast_in_dim3A_94 {strides = array<i32>} : memref<512xi32, #tpu.memory_space<vmem>>, vector<16xi32>,
    %broadcast_in_dim3A_97 = arith.constant -1 : i32
    %broadcast_in_dim3A_98 = vector.broadcast %broadcast_in_dim3A_97 : i32 to vector<16xi32>
    %swap3A_99 = arith.constant 384 : index
    %swap3A_100 = tpu.vector_load %arg16[%swap3A_99] {strides = array<i32>} : memref<512xi32, #tpu.memory_space<vmem>>, vector<16xi32>,
    tpu.vector_store %arg16[%swap3A_99], %broadcast_in_dim3A_98 {strides = array<i32>} : memref<512xi32, #tpu.memory_space<vmem>>, vector<16xi32>,
    %broadcast_in_dim3A_101 = arith.constant -1 : i32
    %broadcast_in_dim3A_102 = vector.broadcast %broadcast_in_dim3A_101 : i32 to vector<16xi32>
    %swap3A_103 = arith.constant 400 : index
    %swap3A_104 = tpu.vector_load %arg16[%swap3A_103] {strides = array<i32>} : memref<512xi32, #tpu.memory_space<vmem>>, vector<16xi32>,
    tpu.vector_store %arg16[%swap3A_103], %broadcast_in_dim3A_102 {strides = array<i32>} : memref<512xi32, #tpu.memory_space<vmem>>, vector<16xi32>,
    %broadcast_in_dim3A_105 = arith.constant -1 : i32
    %broadcast_in_dim3A_106 = vector.broadcast %broadcast_in_dim3A_105 : i32 to vector<16xi32>
    %swap3A_107 = arith.constant 416 : index
    %swap3A_108 = tpu.vector_load %arg16[%swap3A_107] {strides = array<i32>} : memref<512xi32, #tpu.memory_space<vmem>>, vector<16xi32>,
    tpu.vector_store %arg16[%swap3A_107], %broadcast_in_dim3A_106 {strides = array<i32>} : memref<512xi32, #tpu.memory_space<vmem>>, vector<16xi32>,
    %broadcast_in_dim3A_109 = arith.constant -1 : i32
    %broadcast_in_dim3A_110 = vector.broadcast %broadcast_in_dim3A_109 : i32 to vector<16xi32>
    %swap3A_111 = arith.constant 432 : index
    %swap3A_112 = tpu.vector_load %arg16[%swap3A_111] {strides = array<i32>} : memref<512xi32, #tpu.memory_space<vmem>>, vector<16xi32>,
    tpu.vector_store %arg16[%swap3A_111], %broadcast_in_dim3A_110 {strides = array<i32>} : memref<512xi32, #tpu.memory_space<vmem>>, vector<16xi32>,
    %broadcast_in_dim3A_113 = arith.constant -1 : i32
    %broadcast_in_dim3A_114 = vector.broadcast %broadcast_in_dim3A_113 : i32 to vector<16xi32>
    %swap3A_115 = arith.constant 448 : index
    %swap3A_116 = tpu.vector_load %arg16[%swap3A_115] {strides = array<i32>} : memref<512xi32, #tpu.memory_space<vmem>>, vector<16xi32>,
    tpu.vector_store %arg16[%swap3A_115], %broadcast_in_dim3A_114 {strides = array<i32>} : memref<512xi32, #tpu.memory_space<vmem>>, vector<16xi32>,
    %broadcast_in_dim3A_117 = arith.constant -1 : i32
    %broadcast_in_dim3A_118 = vector.broadcast %broadcast_in_dim3A_117 : i32 to vector<16xi32>
    %swap3A_119 = arith.constant 464 : index
    %swap3A_120 = tpu.vector_load %arg16[%swap3A_119] {strides = array<i32>} : memref<512xi32, #tpu.memory_space<vmem>>, vector<16xi32>,
    tpu.vector_store %arg16[%swap3A_119], %broadcast_in_dim3A_118 {strides = array<i32>} : memref<512xi32, #tpu.memory_space<vmem>>, vector<16xi32>,
    %broadcast_in_dim3A_121 = arith.constant -1 : i32
    %broadcast_in_dim3A_122 = vector.broadcast %broadcast_in_dim3A_121 : i32 to vector<16xi32>
    %swap3A_123 = arith.constant 480 : index
    %swap3A_124 = tpu.vector_load %arg16[%swap3A_123] {strides = array<i32>} : memref<512xi32, #tpu.memory_space<vmem>>, vector<16xi32>,
    tpu.vector_store %arg16[%swap3A_123], %broadcast_in_dim3A_122 {strides = array<i32>} : memref<512xi32, #tpu.memory_space<vmem>>, vector<16xi32>,
    %broadcast_in_dim3A_125 = arith.constant -1 : i32
    %broadcast_in_dim3A_126 = vector.broadcast %broadcast_in_dim3A_125 : i32 to vector<16xi32>
    %swap3A_127 = arith.constant 496 : index
    %swap3A_128 = tpu.vector_load %arg16[%swap3A_127] {strides = array<i32>} : memref<512xi32, #tpu.memory_space<vmem>>, vector<16xi32>,
    tpu.vector_store %arg16[%swap3A_127], %broadcast_in_dim3A_126 {strides = array<i32>} : memref<512xi32, #tpu.memory_space<vmem>>, vector<16xi32>,
    %add3A_129 = arith.constant 0 : i32
    %add3A_130 = arith.addi %mul3A_2, %add3A_129 : i32
    %dma_start3A = arith.constant 0 : i32
    %dma_start3A_131 = tpu.memref_slice %arg2[%add3A_130, %dma_start3A] : memref<16384x368xi32, #tpu.memory_space<hbm>> -> memref<32x368xi32, #tpu.memory_space<hbm>>
    %dma_start3A_132 = arith.constant 0 : i32
    %dma_start3A_133 = tpu.memref_slice %arg2[%add3A_130, %dma_start3A_132] : memref<16384x368xi32, #tpu.memory_space<hbm>> -> memref<32x368xi32, #tpu.memory_space<hbm>>
    tpu.enqueue_dma source(%dma_start3A_133 : memref<32x368xi32, #tpu.memory_space<hbm>>) target(%arg17 : memref<32x368xi32, #tpu.memory_space<vmem>>) target_semaphore(%arg20 : memref<!tpu.dma_semaphore, #tpu.memory_space<semaphore_mem>>)
    %add3A_134 = arith.constant 32 : i32
    %add3A_135 = arith.addi %mul3A_2, %add3A_134 : i32
    %dma_start3A_136 = arith.constant 0 : i32
    %dma_start3A_137 = tpu.memref_slice %arg2[%add3A_135, %dma_start3A_136] : memref<16384x368xi32, #tpu.memory_space<hbm>> -> memref<32x368xi32, #tpu.memory_space<hbm>>
    %dma_start3A_138 = arith.constant 0 : i32
    %dma_start3A_139 = tpu.memref_slice %arg2[%add3A_135, %dma_start3A_138] : memref<16384x368xi32, #tpu.memory_space<hbm>> -> memref<32x368xi32, #tpu.memory_space<hbm>>
    tpu.enqueue_dma source(%dma_start3A_139 : memref<32x368xi32, #tpu.memory_space<hbm>>) target(%arg18 : memref<32x368xi32, #tpu.memory_space<vmem>>) target_semaphore(%arg21 : memref<!tpu.dma_semaphore, #tpu.memory_space<semaphore_mem>>)
    %scan3A = arith.constant 0 : i32
    %scan3A_140 = arith.constant 0 : i32
    %scan3A_141 = arith.constant 8 : i32
    %scan3A_142 = arith.addi %scan3A_140, %scan3A_141 : i32
    %scan3A_143 = arith.constant 1 : i32
    %scan3A_144 = scf.for %scan3A_146 = %scan3A_140 to %scan3A_142 step %scan3A_143 iter_args(%scan3A_147 = %scan3A) -> (i32)  : i32 {
      %mul3A_148 = arith.constant 2 : i32
      %mul3A_149 = arith.muli %scan3A_146, %mul3A_148 : i32
      %add3A_150 = arith.constant 0 : i32
      %add3A_151 = arith.addi %mul3A_149, %add3A_150 : i32
      %mul3A_152 = arith.constant 32 : i32
      %mul3A_153 = arith.muli %add3A_151, %mul3A_152 : i32
      %add3A_154 = arith.addi %mul3A_2, %mul3A_153 : i32
      %dma_wait3A = arith.constant 0 : i32
      %dma_wait3A_155 = tpu.memref_slice %arg2[%add3A_154, %dma_wait3A] : memref<16384x368xi32, #tpu.memory_space<hbm>> -> memref<32x368xi32, #tpu.memory_space<hbm>>
      %dma_wait3A_156 = arith.constant 0 : i32
      %dma_wait3A_157 = tpu.memref_slice %arg2[%add3A_154, %dma_wait3A_156] : memref<16384x368xi32, #tpu.memory_space<hbm>> -> memref<32x368xi32, #tpu.memory_space<hbm>>
      tpu.wait_dma2 semaphore(%arg20 : memref<!tpu.dma_semaphore, #tpu.memory_space<semaphore_mem>>) src(%dma_wait3A_157 : memref<32x368xi32, #tpu.memory_space<hbm>>) dst(%arg17 : memref<32x368xi32, #tpu.memory_space<vmem>>)
      %scan3A_158 = arith.constant 0 : i32
      %scan3A_159 = arith.constant 0 : i32
      %scan3A_160 = arith.constant 32 : i32
      %scan3A_161 = arith.addi %scan3A_159, %scan3A_160 : i32
      %scan3A_162 = arith.constant 1 : i32
      %scan3A_163 = scf.for %scan3A_201 = %scan3A_159 to %scan3A_161 step %scan3A_162 iter_args(%scan3A_202 = %scan3A_158) -> (i32)  : i32 {
        %mul3A_203 = arith.constant 32 : i32
        %mul3A_204 = arith.muli %add3A_151, %mul3A_203 : i32
        %add3A_205 = arith.addi %mul3A_204, %scan3A_201 : i32
        %get3A = arith.index_cast %add3A_205 : i32 to index
        %get3A_206 = tpu.vector_load %arg13[%get3A] {strides = array<i32>} : memref<528xi32, #tpu.memory_space<vmem>>, vector<16xi32>,
        %slice3A = vector.extract_strided_slice %get3A_206 {offsets = [0], sizes = [1], strides = [1]} : vector<16xi32> to vector<1xi32>
        %squeeze3A = vector.extract %slice3A[0] : i32 from vector<1xi32>
        %get3A_207 = arith.index_cast %add3A_205 : i32 to index
        %get3A_208 = tpu.vector_load %arg14[%get3A_207] {strides = array<i32>} : memref<528xi32, #tpu.memory_space<vmem>>, vector<16xi32>,
        %slice3A_209 = vector.extract_strided_slice %get3A_208 {offsets = [0], sizes = [1], strides = [1]} : vector<16xi32> to vector<1xi32>
        %squeeze3A_210 = vector.extract %slice3A_209[0] : i32 from vector<1xi32>
        %and3A = arith.constant 1 : i32
        %and3A_211 = arith.andi %squeeze3A_210, %and3A : i32
        %get3A_212 = arith.index_cast %add3A_205 : i32 to index
        %get3A_213 = tpu.vector_load %arg15[%get3A_212] {strides = array<i32>} : memref<528xi32, #tpu.memory_space<vmem>>, vector<16xi32>,
        %slice3A_214 = vector.extract_strided_slice %get3A_213 {offsets = [0], sizes = [1], strides = [1]} : vector<16xi32> to vector<1xi32>
        %squeeze3A_215 = vector.extract %slice3A_214[0] : i32 from vector<1xi32>
        %min3A = arith.constant 361 : i32
        %min3A_216 = arith.minsi %squeeze3A_215, %min3A : i32
        %broadcast_in_dim3A_217 = vector.broadcast %add3A_205 : i32 to vector<16xi32>
        %mul3A_218 = arith.constant 512 : i32
        %mul3A_219 = arith.muli %and3A_211, %mul3A_218 : i32
        %broadcast_in_dim3A_220 = vector.broadcast %mul3A_219 : i32 to vector<16xi32>
        %mul3A_221 = arith.constant 8192 : i32
        %mul3A_222 = arith.muli %and3A_211, %mul3A_221 : i32
        %broadcast_in_dim3A_223 = vector.broadcast %mul3A_222 : i32 to vector<16xi32>
        %add3A_224 = arith.constant 15 : i32
        %add3A_225 = arith.addi %min3A_216, %add3A_224 : i32
        %jit3A = arith.constant 16 : i32
        %div3A = arith.divsi %add3A_225, %jit3A : i32
        %sign3A = arith.constant 0 : i32
        %sign3A_226 = arith.cmpi sgt, %add3A_225, %sign3A : i32
        %sign3A_227 = arith.extui %sign3A_226 : i1 to i32
        %sign3A_228 = arith.constant 0 : i32
        %sign3A_229 = arith.cmpi slt, %add3A_225, %sign3A_228 : i32
        %sign3A_230 = arith.extui %sign3A_229 : i1 to i32
        %sign3A_231 = arith.subi %sign3A_227, %sign3A_230 : i32
        %sign3A_232 = arith.constant 0 : i32
        %sign3A_233 = arith.cmpi sgt, %jit3A, %sign3A_232 : i32
        %sign3A_234 = arith.extui %sign3A_233 : i1 to i32
        %sign3A_235 = arith.constant 0 : i32
        %sign3A_236 = arith.cmpi slt, %jit3A, %sign3A_235 : i32
        %sign3A_237 = arith.extui %sign3A_236 : i1 to i32
        %sign3A_238 = arith.subi %sign3A_234, %sign3A_237 : i32
        %ne3A = arith.cmpi ne, %sign3A_231, %sign3A_238 : i32
        %rem3A = arith.remsi %add3A_225, %jit3A : i32
        %ne3A_239 = arith.constant 0 : i32
        %ne3A_240 = arith.cmpi ne, %rem3A, %ne3A_239 : i32
        %and3A_241 = arith.andi %ne3A, %ne3A_240 : i1
        %sub3A = arith.constant 1 : i32
        %sub3A_242 = arith.subi %div3A, %sub3A : i32
        %select_n3A = arith.select %and3A_241, %sub3A_242, %div3A : i32
        %broadcast_in_dim3A_243 = arith.constant 0 : i32
        %broadcast_in_dim3A_244 = vector.broadcast %broadcast_in_dim3A_243 : i32 to vector<16xi32>
        %parallel_loop3A = arith.constant 0 : i32
        %parallel_loop3A_245 = arith.constant 1 : i32
        %parallel_loop3A_246 = scf.for %parallel_loop3A_273 = %parallel_loop3A to %select_n3A step %parallel_loop3A_245 iter_args(%parallel_loop3A_274 = %broadcast_in_dim3A_244) -> (vector<16xi32>)  : i32 {
          %parallel_loop3A_275 = arith.constant 16 : i32
          %parallel_loop3A_276 = arith.muli %parallel_loop3A_273, %parallel_loop3A_275 : i32
          %parallel_loop3A_277 = vector.broadcast %parallel_loop3A_276 : i32 to vector<16xi32>
          %parallel_loop3A_278 = arith.addi %parallel_loop3A_277, %iota3A : vector<16xi32>
          %parallel_loop3A_279 = vector.broadcast %min3A_216 : i32 to vector<16xi32>
          %parallel_loop3A_280 = arith.cmpi slt, %parallel_loop3A_278, %parallel_loop3A_279 : vector<16xi32>
          %parallel_loop3A_281 = arith.index_cast %scan3A_201 : i32 to index
          %parallel_loop3A_282 = arith.index_cast %parallel_loop3A_276 : i32 to index
          %parallel_loop3A_283 = tpu.vector_load %arg17[%parallel_loop3A_281, %parallel_loop3A_282] {strides = array<i32>} : memref<32x368xi32, #tpu.memory_space<vmem>>, vector<16xi32>,
          %parallel_loop3A_284 = vector.broadcast %squeeze3A : i32 to vector<16xi32>
          %parallel_loop3A_285 = arith.xori %parallel_loop3A_283, %parallel_loop3A_284 : vector<16xi32>
          %parallel_loop3A_286 = arith.constant 18 : i32
          %parallel_loop3A_287 = vector.broadcast %parallel_loop3A_286 : i32 to vector<16xi32>
          %parallel_loop3A_288 = arith.shrui %parallel_loop3A_285, %parallel_loop3A_287 : vector<16xi32>
          %parallel_loop3A_289 = arith.constant 8191 : i32
          %parallel_loop3A_290 = vector.broadcast %parallel_loop3A_289 : i32 to vector<16xi32>
          %parallel_loop3A_291 = arith.andi %parallel_loop3A_288, %parallel_loop3A_290 : vector<16xi32>
          %parallel_loop3A_292 = arith.addi %broadcast_in_dim3A_223, %parallel_loop3A_291 : vector<16xi32>
          %parallel_loop3A_293 = tpu.vector_load_idx %arg12[%parallel_loop3A_292] : memref<16384xi32, #tpu.memory_space<vmem>>[vector<16xi32>], vector<16xi32>,
          %parallel_loop3A_294 = arith.addi %broadcast_in_dim3A_220, %parallel_loop3A_293 : vector<16xi32>
          %parallel_loop3A_295 = tpu.vector_load_idx %arg10[%parallel_loop3A_294] : memref<1024xi32, #tpu.memory_space<vmem>>[vector<16xi32>], vector<16xi32>,
          %parallel_loop3A_296 = arith.cmpi slt, %parallel_loop3A_295, %parallel_loop3A_285 : vector<16xi32>
          %parallel_loop3A_297 = arith.constant 1 : i32
          %parallel_loop3A_298 = arith.constant 0 : i32
          %parallel_loop3A_299 = vector.broadcast %parallel_loop3A_297 : i32 to vector<16xi32>
          %parallel_loop3A_300 = vector.broadcast %parallel_loop3A_298 : i32 to vector<16xi32>
          %parallel_loop3A_301 = arith.select %parallel_loop3A_296, %parallel_loop3A_299, %parallel_loop3A_300 : vector<16xi1>, vector<16xi32>
          %parallel_loop3A_302 = arith.addi %parallel_loop3A_293, %parallel_loop3A_301 : vector<16xi32>
          %parallel_loop3A_303 = arith.addi %broadcast_in_dim3A_220, %parallel_loop3A_302 : vector<16xi32>
          %parallel_loop3A_304 = tpu.vector_load_idx %arg10[%parallel_loop3A_303] : memref<1024xi32, #tpu.memory_space<vmem>>[vector<16xi32>], vector<16xi32>,
          %parallel_loop3A_305 = arith.cmpi slt, %parallel_loop3A_304, %parallel_loop3A_285 : vector<16xi32>
          %parallel_loop3A_306 = arith.constant 1 : i32
          %parallel_loop3A_307 = arith.constant 0 : i32
          %parallel_loop3A_308 = vector.broadcast %parallel_loop3A_306 : i32 to vector<16xi32>
          %parallel_loop3A_309 = vector.broadcast %parallel_loop3A_307 : i32 to vector<16xi32>
          %parallel_loop3A_310 = arith.select %parallel_loop3A_305, %parallel_loop3A_308, %parallel_loop3A_309 : vector<16xi1>, vector<16xi32>
          %parallel_loop3A_311 = arith.addi %parallel_loop3A_302, %parallel_loop3A_310 : vector<16xi32>
          %parallel_loop3A_312 = arith.addi %broadcast_in_dim3A_220, %parallel_loop3A_311 : vector<16xi32>
          %parallel_loop3A_313 = tpu.vector_load_idx %arg10[%parallel_loop3A_312] : memref<1024xi32, #tpu.memory_space<vmem>>[vector<16xi32>], vector<16xi32>,
          %parallel_loop3A_314 = arith.cmpi eq, %parallel_loop3A_313, %parallel_loop3A_285 : vector<16xi32>
          %parallel_loop3A_315 = arith.andi %parallel_loop3A_314, %parallel_loop3A_280 : vector<16xi1>
          tpu.vector_store_idx %arg16[%parallel_loop3A_311], %broadcast_in_dim3A_217 masked %parallel_loop3A_315 : memref<512xi32, #tpu.memory_space<vmem>>[vector<16xi32>], vector<16xi32>, vector<16xi1>
          %parallel_loop3A_316 = arith.cmpi slt, %parallel_loop3A_313, %parallel_loop3A_285 : vector<16xi32>
          %parallel_loop3A_317 = arith.andi %parallel_loop3A_280, %parallel_loop3A_316 : vector<16xi1>
          %parallel_loop3A_318 = arith.constant 1 : i32
          %parallel_loop3A_319 = arith.constant 0 : i32
          %parallel_loop3A_320 = vector.broadcast %parallel_loop3A_318 : i32 to vector<16xi32>
          %parallel_loop3A_321 = vector.broadcast %parallel_loop3A_319 : i32 to vector<16xi32>
          %parallel_loop3A_322 = arith.select %parallel_loop3A_317, %parallel_loop3A_320, %parallel_loop3A_321 : vector<16xi1>, vector<16xi32>
          %parallel_loop3A_323 = arith.ori %parallel_loop3A_274, %parallel_loop3A_322 : vector<16xi32>
          %parallel_loop3A_324 = arith.constant 2 : i32
          %parallel_loop3A_325 = arith.constant 0 : i32
          %parallel_loop3A_326 = vector.broadcast %parallel_loop3A_324 : i32 to vector<16xi32>
          %parallel_loop3A_327 = vector.broadcast %parallel_loop3A_325 : i32 to vector<16xi32>
          %parallel_loop3A_328 = arith.select %parallel_loop3A_315, %parallel_loop3A_326, %parallel_loop3A_327 : vector<16xi1>, vector<16xi32>
          %parallel_loop3A_329 = arith.ori %parallel_loop3A_323, %parallel_loop3A_328 : vector<16xi32>
          scf.yield %parallel_loop3A_329 : vector<16xi32>
        } {sc.loop_unroll_factor = 4 : i64, sc.parallel_access}
        %reduce_max3A = arith.constant true
        %reduce_max3A_247 = vector.broadcast %reduce_max3A : i1 to vector<16xi1>
        %reduce_max3A_248 = arith.constant -2147483648 : i32
        %reduce_max3A_249 = vector.broadcast %reduce_max3A_248 : i32 to vector<16xi32>
        %reduce_max3A_250 = arith.xori %parallel_loop3A_246, %reduce_max3A_249 : vector<16xi32>
        %reduce_max3A_251 = tpu.scan <max>, %reduce_max3A_250 masked %reduce_max3A_247 : vector<16xi32>, vector<16xi1> -> vector<16xi32>
        %reduce_max3A_252 = arith.xori %reduce_max3A_251, %reduce_max3A_249 : vector<16xi32>
        %reduce_max3A_253 = vector.extract %reduce_max3A_252[15] : i32 from vector<16xi32>
        %and3A_254 = arith.constant 1 : i32
        %and3A_255 = arith.andi %reduce_max3A_253, %and3A_254 : i32
        %gt3A = arith.constant 0 : i32
        %gt3A_256 = arith.cmpi sgt, %and3A_255, %gt3A : i32
        %convert_element_type3A_257 = arith.extui %gt3A_256 : i1 to i32
        %cond3A_258 = arith.constant 0 : i32
        %cond3A_259 = arith.cmpi ne, %convert_element_type3A_257, %cond3A_258 : i32
        scf.if %cond3A_259 {
          %while3A = arith.constant 0 : i32
          %while3A_273 = arith.constant 0 : i32
          %while3A_274 = arith.subi %select_n3A, %while3A : i32
          %while3A_275 = arith.addi %while3A, %while3A_274 : i32
          %while3A_276 = arith.constant 1 : i32
          %while3A_277 = arith.divsi %while3A_274, %while3A_276 : i32
          %while3A_278 = arith.muli %while3A_277, %while3A_276 : i32
          %while3A_279 = arith.addi %while3A, %while3A_278 : i32
          %while3A_280 = arith.constant 1 : i32
          %while3A_281 = scf.for %while3A_284 = %while3A to %while3A_279 step %while3A_280 iter_args(%while3A_285 = %while3A_273) -> (i32)  : i32 {
            %mul3A_286 = arith.constant 16 : i32
            %mul3A_287 = arith.muli %while3A_284, %mul3A_286 : i32
            %add3A_288 = vector.broadcast %mul3A_287 : i32 to vector<16xi32>
            %add3A_289 = arith.addi %add3A_288, %iota3A : vector<16xi32>
            %lt3A_290 = vector.broadcast %min3A_216 : i32 to vector<16xi32>
            %lt3A_291 = arith.cmpi slt, %add3A_289, %lt3A_290 : vector<16xi32>
            %get3A_292 = arith.index_cast %scan3A_201 : i32 to index
            %get3A_293 = arith.index_cast %mul3A_287 : i32 to index
            %get3A_294 = tpu.vector_load %arg17[%get3A_292, %get3A_293] {strides = array<i32>} : memref<32x368xi32, #tpu.memory_space<vmem>>, vector<16xi32>,
            %xor3A = vector.broadcast %squeeze3A : i32 to vector<16xi32>
            %xor3A_295 = arith.xori %get3A_294, %xor3A : vector<16xi32>
            %shift_right_logical3A = arith.constant 18 : i32
            %shift_right_logical3A_296 = vector.broadcast %shift_right_logical3A : i32 to vector<16xi32>
            %shift_right_logical3A_297 = arith.shrui %xor3A_295, %shift_right_logical3A_296 : vector<16xi32>
            %and3A_298 = arith.constant 8191 : i32
            %and3A_299 = vector.broadcast %and3A_298 : i32 to vector<16xi32>
            %and3A_300 = arith.andi %shift_right_logical3A_297, %and3A_299 : vector<16xi32>
            %add3A_301 = arith.addi %broadcast_in_dim3A_223, %and3A_300 : vector<16xi32>
            %gather3A = tpu.vector_load_idx %arg12[%add3A_301] : memref<16384xi32, #tpu.memory_space<vmem>>[vector<16xi32>], vector<16xi32>,
            %add3A_302 = arith.addi %broadcast_in_dim3A_220, %gather3A : vector<16xi32>
            %gather3A_303 = tpu.vector_load_idx %arg10[%add3A_302] : memref<1024xi32, #tpu.memory_space<vmem>>[vector<16xi32>], vector<16xi32>,
            %while3A_304:2 = scf.while (%while3A_307 = %gather3A, %while3A_308 = %gather3A_303) : (vector<16xi32>, vector<16xi32>) -> (vector<16xi32>, vector<16xi32>) {
              %lt3A_309 = arith.cmpi slt, %while3A_308, %xor3A_295 : vector<16xi32>
              %reduce_or3A = arith.constant 1.000000e+00 : f32
              %reduce_or3A_310 = arith.constant 0.000000e+00 : f32
              %reduce_or3A_311 = vector.broadcast %reduce_or3A : f32 to vector<16xf32>
              %reduce_or3A_312 = vector.broadcast %reduce_or3A_310 : f32 to vector<16xf32>
              %reduce_or3A_313 = arith.select %lt3A_309, %reduce_or3A_311, %reduce_or3A_312 : vector<16xi1>, vector<16xf32>
              %reduce_or3A_314 = arith.constant true
              %reduce_or3A_315 = vector.broadcast %reduce_or3A_314 : i1 to vector<16xi1>
              %reduce_or3A_316 = tpu.scan <max>, %reduce_or3A_313 masked %reduce_or3A_315 : vector<16xf32>, vector<16xi1> -> vector<16xf32>
              %reduce_or3A_317 = vector.extract %reduce_or3A_316[15] : f32 from vector<16xf32>
              %reduce_or3A_318 = arith.constant 0.000000e+00 : f32
              %reduce_or3A_319 = arith.cmpf ogt, %reduce_or3A_317, %reduce_or3A_318 : f32
              scf.condition(%reduce_or3A_319) %while3A_307, %while3A_308 : vector<16xi32>, vector<16xi32>
            } do {
            ^bb0(%while3A_307: vector<16xi32>, %while3A_308: vector<16xi32>):
              %lt3A_309 = arith.cmpi slt, %while3A_308, %xor3A_295 : vector<16xi32>
              %jit3A_310 = arith.constant 1 : i32
              %jit3A_311 = arith.constant 0 : i32
              %broadcast_in_dim3A_312 = vector.broadcast %jit3A_310 : i32 to vector<16xi32>
              %broadcast_in_dim3A_313 = vector.broadcast %jit3A_311 : i32 to vector<16xi32>
              %select_n3A_314 = arith.select %lt3A_309, %broadcast_in_dim3A_312, %broadcast_in_dim3A_313 : vector<16xi1>, vector<16xi32>
              %add3A_315 = arith.addi %while3A_307, %select_n3A_314 : vector<16xi32>
              %add3A_316 = arith.addi %broadcast_in_dim3A_220, %add3A_315 : vector<16xi32>
              %gather3A_317 = tpu.vector_load_idx %arg10[%add3A_316] : memref<1024xi32, #tpu.memory_space<vmem>>[vector<16xi32>], vector<16xi32>,
              scf.yield %add3A_315, %gather3A_317 : vector<16xi32>, vector<16xi32>
            }
            %eq3A = arith.cmpi eq, %while3A_304#1, %xor3A_295 : vector<16xi32>
            %and3A_305 = arith.andi %eq3A, %lt3A_291 : vector<16xi1>
            tpu.vector_store_idx %arg16[%while3A_304#0], %broadcast_in_dim3A_217 masked %and3A_305 : memref<512xi32, #tpu.memory_space<vmem>>[vector<16xi32>], vector<16xi32>, vector<16xi1>
            %while3A_306 = arith.constant 0 : i32
            scf.yield %while3A_306 : i32
          }
          %while3A_282 = arith.constant 1 : i32
          %while3A_283 = scf.for %while3A_284 = %while3A_279 to %while3A_275 step %while3A_282 iter_args(%while3A_285 = %while3A_281) -> (i32)  : i32 {
            %mul3A_286 = arith.constant 16 : i32
            %mul3A_287 = arith.muli %while3A_284, %mul3A_286 : i32
            %add3A_288 = vector.broadcast %mul3A_287 : i32 to vector<16xi32>
            %add3A_289 = arith.addi %add3A_288, %iota3A : vector<16xi32>
            %lt3A_290 = vector.broadcast %min3A_216 : i32 to vector<16xi32>
            %lt3A_291 = arith.cmpi slt, %add3A_289, %lt3A_290 : vector<16xi32>
            %get3A_292 = arith.index_cast %scan3A_201 : i32 to index
            %get3A_293 = arith.index_cast %mul3A_287 : i32 to index
            %get3A_294 = tpu.vector_load %arg17[%get3A_292, %get3A_293] {strides = array<i32>} : memref<32x368xi32, #tpu.memory_space<vmem>>, vector<16xi32>,
            %xor3A = vector.broadcast %squeeze3A : i32 to vector<16xi32>
            %xor3A_295 = arith.xori %get3A_294, %xor3A : vector<16xi32>
            %shift_right_logical3A = arith.constant 18 : i32
            %shift_right_logical3A_296 = vector.broadcast %shift_right_logical3A : i32 to vector<16xi32>
            %shift_right_logical3A_297 = arith.shrui %xor3A_295, %shift_right_logical3A_296 : vector<16xi32>
            %and3A_298 = arith.constant 8191 : i32
            %and3A_299 = vector.broadcast %and3A_298 : i32 to vector<16xi32>
            %and3A_300 = arith.andi %shift_right_logical3A_297, %and3A_299 : vector<16xi32>
            %add3A_301 = arith.addi %broadcast_in_dim3A_223, %and3A_300 : vector<16xi32>
            %gather3A = tpu.vector_load_idx %arg12[%add3A_301] : memref<16384xi32, #tpu.memory_space<vmem>>[vector<16xi32>], vector<16xi32>,
            %add3A_302 = arith.addi %broadcast_in_dim3A_220, %gather3A : vector<16xi32>
            %gather3A_303 = tpu.vector_load_idx %arg10[%add3A_302] : memref<1024xi32, #tpu.memory_space<vmem>>[vector<16xi32>], vector<16xi32>,
            %while3A_304:2 = scf.while (%while3A_307 = %gather3A, %while3A_308 = %gather3A_303) : (vector<16xi32>, vector<16xi32>) -> (vector<16xi32>, vector<16xi32>) {
              %lt3A_309 = arith.cmpi slt, %while3A_308, %xor3A_295 : vector<16xi32>
              %reduce_or3A = arith.constant 1.000000e+00 : f32
              %reduce_or3A_310 = arith.constant 0.000000e+00 : f32
              %reduce_or3A_311 = vector.broadcast %reduce_or3A : f32 to vector<16xf32>
              %reduce_or3A_312 = vector.broadcast %reduce_or3A_310 : f32 to vector<16xf32>
              %reduce_or3A_313 = arith.select %lt3A_309, %reduce_or3A_311, %reduce_or3A_312 : vector<16xi1>, vector<16xf32>
              %reduce_or3A_314 = arith.constant true
              %reduce_or3A_315 = vector.broadcast %reduce_or3A_314 : i1 to vector<16xi1>
              %reduce_or3A_316 = tpu.scan <max>, %reduce_or3A_313 masked %reduce_or3A_315 : vector<16xf32>, vector<16xi1> -> vector<16xf32>
              %reduce_or3A_317 = vector.extract %reduce_or3A_316[15] : f32 from vector<16xf32>
              %reduce_or3A_318 = arith.constant 0.000000e+00 : f32
              %reduce_or3A_319 = arith.cmpf ogt, %reduce_or3A_317, %reduce_or3A_318 : f32
              scf.condition(%reduce_or3A_319) %while3A_307, %while3A_308 : vector<16xi32>, vector<16xi32>
            } do {
            ^bb0(%while3A_307: vector<16xi32>, %while3A_308: vector<16xi32>):
              %lt3A_309 = arith.cmpi slt, %while3A_308, %xor3A_295 : vector<16xi32>
              %jit3A_310 = arith.constant 1 : i32
              %jit3A_311 = arith.constant 0 : i32
              %broadcast_in_dim3A_312 = vector.broadcast %jit3A_310 : i32 to vector<16xi32>
              %broadcast_in_dim3A_313 = vector.broadcast %jit3A_311 : i32 to vector<16xi32>
              %select_n3A_314 = arith.select %lt3A_309, %broadcast_in_dim3A_312, %broadcast_in_dim3A_313 : vector<16xi1>, vector<16xi32>
              %add3A_315 = arith.addi %while3A_307, %select_n3A_314 : vector<16xi32>
              %add3A_316 = arith.addi %broadcast_in_dim3A_220, %add3A_315 : vector<16xi32>
              %gather3A_317 = tpu.vector_load_idx %arg10[%add3A_316] : memref<1024xi32, #tpu.memory_space<vmem>>[vector<16xi32>], vector<16xi32>,
              scf.yield %add3A_315, %gather3A_317 : vector<16xi32>, vector<16xi32>
            }
            %eq3A = arith.cmpi eq, %while3A_304#1, %xor3A_295 : vector<16xi32>
            %and3A_305 = arith.andi %eq3A, %lt3A_291 : vector<16xi1>
            tpu.vector_store_idx %arg16[%while3A_304#0], %broadcast_in_dim3A_217 masked %and3A_305 : memref<512xi32, #tpu.memory_space<vmem>>[vector<16xi32>], vector<16xi32>, vector<16xi1>
            %while3A_306 = arith.constant 0 : i32
            scf.yield %while3A_306 : i32
          }
        } else {
        }
        %ge3A = arith.constant 2 : i32
        %ge3A_260 = arith.cmpi sge, %reduce_max3A_253, %ge3A : i32
        %or3A = arith.ori %ge3A_260, %gt3A_256 : i1
        %mul3A_261 = arith.constant 368 : i32
        %mul3A_262 = arith.muli %and3A_211, %mul3A_261 : i32
        %broadcast_in_dim3A_263 = arith.constant 0.000000e+00 : f32
        %broadcast_in_dim3A_264 = vector.broadcast %broadcast_in_dim3A_263 : f32 to vector<16xf32>
        %convert_element_type3A_265 = arith.extui %or3A : i1 to i32
        %cond3A_266 = arith.constant 0 : i32
        %cond3A_267 = arith.cmpi ne, %convert_element_type3A_265, %cond3A_266 : i32
        scf.if %cond3A_267 {
          %add3A_273 = arith.constant 0 : i32
          %add3A_274 = arith.addi %mul3A_262, %add3A_273 : i32
          %get3A_275 = arith.index_cast %add3A_274 : i32 to index
          %get3A_276 = tpu.vector_load %arg11[%get3A_275] {strides = array<i32>} : memref<736xi32, #tpu.memory_space<vmem>>, vector<16xi32>,
          %gather3A = tpu.vector_load_idx %arg16[%get3A_276] : memref<512xi32, #tpu.memory_space<vmem>>[vector<16xi32>], vector<16xi32>,
          %eq3A = arith.cmpi eq, %gather3A, %broadcast_in_dim3A_217 : vector<16xi32>
          %jit3A_277 = arith.constant 1.000000e+00 : f32
          %jit3A_278 = arith.constant 0.000000e+00 : f32
          %broadcast_in_dim3A_279 = vector.broadcast %jit3A_277 : f32 to vector<16xf32>
          %broadcast_in_dim3A_280 = vector.broadcast %jit3A_278 : f32 to vector<16xf32>
          %select_n3A_281 = arith.select %eq3A, %broadcast_in_dim3A_279, %broadcast_in_dim3A_280 : vector<16xi1>, vector<16xf32>
          %swap3A_282 = arith.index_cast %scan3A_201 : i32 to index
          %swap3A_283 = arith.constant 0 : index
          %swap3A_284 = tpu.vector_load %arg19[%swap3A_282, %swap3A_283] {strides = array<i32>} : memref<32x368xf32, #tpu.memory_space<vmem>>, vector<16xf32>,
          tpu.vector_store %arg19[%swap3A_282, %swap3A_283], %select_n3A_281 {strides = array<i32>} : memref<32x368xf32, #tpu.memory_space<vmem>>, vector<16xf32>,
          %add3A_285 = arith.constant 16 : i32
          %add3A_286 = arith.addi %mul3A_262, %add3A_285 : i32
          %get3A_287 = arith.index_cast %add3A_286 : i32 to index
          %get3A_288 = tpu.vector_load %arg11[%get3A_287] {strides = array<i32>} : memref<736xi32, #tpu.memory_space<vmem>>, vector<16xi32>,
          %gather3A_289 = tpu.vector_load_idx %arg16[%get3A_288] : memref<512xi32, #tpu.memory_space<vmem>>[vector<16xi32>], vector<16xi32>,
          %eq3A_290 = arith.cmpi eq, %gather3A_289, %broadcast_in_dim3A_217 : vector<16xi32>
          %jit3A_291 = arith.constant 1.000000e+00 : f32
          %jit3A_292 = arith.constant 0.000000e+00 : f32
          %broadcast_in_dim3A_293 = vector.broadcast %jit3A_291 : f32 to vector<16xf32>
          %broadcast_in_dim3A_294 = vector.broadcast %jit3A_292 : f32 to vector<16xf32>
          %select_n3A_295 = arith.select %eq3A_290, %broadcast_in_dim3A_293, %broadcast_in_dim3A_294 : vector<16xi1>, vector<16xf32>
          %swap3A_296 = arith.index_cast %scan3A_201 : i32 to index
          %swap3A_297 = arith.constant 16 : index
          %swap3A_298 = tpu.vector_load %arg19[%swap3A_296, %swap3A_297] {strides = array<i32>} : memref<32x368xf32, #tpu.memory_space<vmem>>, vector<16xf32>,
          tpu.vector_store %arg19[%swap3A_296, %swap3A_297], %select_n3A_295 {strides = array<i32>} : memref<32x368xf32, #tpu.memory_space<vmem>>, vector<16xf32>,
          %add3A_299 = arith.constant 32 : i32
          %add3A_300 = arith.addi %mul3A_262, %add3A_299 : i32
          %get3A_301 = arith.index_cast %add3A_300 : i32 to index
          %get3A_302 = tpu.vector_load %arg11[%get3A_301] {strides = array<i32>} : memref<736xi32, #tpu.memory_space<vmem>>, vector<16xi32>,
          %gather3A_303 = tpu.vector_load_idx %arg16[%get3A_302] : memref<512xi32, #tpu.memory_space<vmem>>[vector<16xi32>], vector<16xi32>,
          %eq3A_304 = arith.cmpi eq, %gather3A_303, %broadcast_in_dim3A_217 : vector<16xi32>
          %jit3A_305 = arith.constant 1.000000e+00 : f32
          %jit3A_306 = arith.constant 0.000000e+00 : f32
          %broadcast_in_dim3A_307 = vector.broadcast %jit3A_305 : f32 to vector<16xf32>
          %broadcast_in_dim3A_308 = vector.broadcast %jit3A_306 : f32 to vector<16xf32>
          %select_n3A_309 = arith.select %eq3A_304, %broadcast_in_dim3A_307, %broadcast_in_dim3A_308 : vector<16xi1>, vector<16xf32>
          %swap3A_310 = arith.index_cast %scan3A_201 : i32 to index
          %swap3A_311 = arith.constant 32 : index
          %swap3A_312 = tpu.vector_load %arg19[%swap3A_310, %swap3A_311] {strides = array<i32>} : memref<32x368xf32, #tpu.memory_space<vmem>>, vector<16xf32>,
          tpu.vector_store %arg19[%swap3A_310, %swap3A_311], %select_n3A_309 {strides = array<i32>} : memref<32x368xf32, #tpu.memory_space<vmem>>, vector<16xf32>,
          %add3A_313 = arith.constant 48 : i32
          %add3A_314 = arith.addi %mul3A_262, %add3A_313 : i32
          %get3A_315 = arith.index_cast %add3A_314 : i32 to index
          %get3A_316 = tpu.vector_load %arg11[%get3A_315] {strides = array<i32>} : memref<736xi32, #tpu.memory_space<vmem>>, vector<16xi32>,
          %gather3A_317 = tpu.vector_load_idx %arg16[%get3A_316] : memref<512xi32, #tpu.memory_space<vmem>>[vector<16xi32>], vector<16xi32>,
          %eq3A_318 = arith.cmpi eq, %gather3A_317, %broadcast_in_dim3A_217 : vector<16xi32>
          %jit3A_319 = arith.constant 1.000000e+00 : f32
          %jit3A_320 = arith.constant 0.000000e+00 : f32
          %broadcast_in_dim3A_321 = vector.broadcast %jit3A_319 : f32 to vector<16xf32>
          %broadcast_in_dim3A_322 = vector.broadcast %jit3A_320 : f32 to vector<16xf32>
          %select_n3A_323 = arith.select %eq3A_318, %broadcast_in_dim3A_321, %broadcast_in_dim3A_322 : vector<16xi1>, vector<16xf32>
          %swap3A_324 = arith.index_cast %scan3A_201 : i32 to index
          %swap3A_325 = arith.constant 48 : index
          %swap3A_326 = tpu.vector_load %arg19[%swap3A_324, %swap3A_325] {strides = array<i32>} : memref<32x368xf32, #tpu.memory_space<vmem>>, vector<16xf32>,
          tpu.vector_store %arg19[%swap3A_324, %swap3A_325], %select_n3A_323 {strides = array<i32>} : memref<32x368xf32, #tpu.memory_space<vmem>>, vector<16xf32>,
          %add3A_327 = arith.constant 64 : i32
          %add3A_328 = arith.addi %mul3A_262, %add3A_327 : i32
          %get3A_329 = arith.index_cast %add3A_328 : i32 to index
          %get3A_330 = tpu.vector_load %arg11[%get3A_329] {strides = array<i32>} : memref<736xi32, #tpu.memory_space<vmem>>, vector<16xi32>,
          %gather3A_331 = tpu.vector_load_idx %arg16[%get3A_330] : memref<512xi32, #tpu.memory_space<vmem>>[vector<16xi32>], vector<16xi32>,
          %eq3A_332 = arith.cmpi eq, %gather3A_331, %broadcast_in_dim3A_217 : vector<16xi32>
          %jit3A_333 = arith.constant 1.000000e+00 : f32
          %jit3A_334 = arith.constant 0.000000e+00 : f32
          %broadcast_in_dim3A_335 = vector.broadcast %jit3A_333 : f32 to vector<16xf32>
          %broadcast_in_dim3A_336 = vector.broadcast %jit3A_334 : f32 to vector<16xf32>
          %select_n3A_337 = arith.select %eq3A_332, %broadcast_in_dim3A_335, %broadcast_in_dim3A_336 : vector<16xi1>, vector<16xf32>
          %swap3A_338 = arith.index_cast %scan3A_201 : i32 to index
          %swap3A_339 = arith.constant 64 : index
          %swap3A_340 = tpu.vector_load %arg19[%swap3A_338, %swap3A_339] {strides = array<i32>} : memref<32x368xf32, #tpu.memory_space<vmem>>, vector<16xf32>,
          tpu.vector_store %arg19[%swap3A_338, %swap3A_339], %select_n3A_337 {strides = array<i32>} : memref<32x368xf32, #tpu.memory_space<vmem>>, vector<16xf32>,
          %add3A_341 = arith.constant 80 : i32
          %add3A_342 = arith.addi %mul3A_262, %add3A_341 : i32
          %get3A_343 = arith.index_cast %add3A_342 : i32 to index
          %get3A_344 = tpu.vector_load %arg11[%get3A_343] {strides = array<i32>} : memref<736xi32, #tpu.memory_space<vmem>>, vector<16xi32>,
          %gather3A_345 = tpu.vector_load_idx %arg16[%get3A_344] : memref<512xi32, #tpu.memory_space<vmem>>[vector<16xi32>], vector<16xi32>,
          %eq3A_346 = arith.cmpi eq, %gather3A_345, %broadcast_in_dim3A_217 : vector<16xi32>
          %jit3A_347 = arith.constant 1.000000e+00 : f32
          %jit3A_348 = arith.constant 0.000000e+00 : f32
          %broadcast_in_dim3A_349 = vector.broadcast %jit3A_347 : f32 to vector<16xf32>
          %broadcast_in_dim3A_350 = vector.broadcast %jit3A_348 : f32 to vector<16xf32>
          %select_n3A_351 = arith.select %eq3A_346, %broadcast_in_dim3A_349, %broadcast_in_dim3A_350 : vector<16xi1>, vector<16xf32>
          %swap3A_352 = arith.index_cast %scan3A_201 : i32 to index
          %swap3A_353 = arith.constant 80 : index
          %swap3A_354 = tpu.vector_load %arg19[%swap3A_352, %swap3A_353] {strides = array<i32>} : memref<32x368xf32, #tpu.memory_space<vmem>>, vector<16xf32>,
          tpu.vector_store %arg19[%swap3A_352, %swap3A_353], %select_n3A_351 {strides = array<i32>} : memref<32x368xf32, #tpu.memory_space<vmem>>, vector<16xf32>,
          %add3A_355 = arith.constant 96 : i32
          %add3A_356 = arith.addi %mul3A_262, %add3A_355 : i32
          %get3A_357 = arith.index_cast %add3A_356 : i32 to index
          %get3A_358 = tpu.vector_load %arg11[%get3A_357] {strides = array<i32>} : memref<736xi32, #tpu.memory_space<vmem>>, vector<16xi32>,
          %gather3A_359 = tpu.vector_load_idx %arg16[%get3A_358] : memref<512xi32, #tpu.memory_space<vmem>>[vector<16xi32>], vector<16xi32>,
          %eq3A_360 = arith.cmpi eq, %gather3A_359, %broadcast_in_dim3A_217 : vector<16xi32>
          %jit3A_361 = arith.constant 1.000000e+00 : f32
          %jit3A_362 = arith.constant 0.000000e+00 : f32
          %broadcast_in_dim3A_363 = vector.broadcast %jit3A_361 : f32 to vector<16xf32>
          %broadcast_in_dim3A_364 = vector.broadcast %jit3A_362 : f32 to vector<16xf32>
          %select_n3A_365 = arith.select %eq3A_360, %broadcast_in_dim3A_363, %broadcast_in_dim3A_364 : vector<16xi1>, vector<16xf32>
          %swap3A_366 = arith.index_cast %scan3A_201 : i32 to index
          %swap3A_367 = arith.constant 96 : index
          %swap3A_368 = tpu.vector_load %arg19[%swap3A_366, %swap3A_367] {strides = array<i32>} : memref<32x368xf32, #tpu.memory_space<vmem>>, vector<16xf32>,
          tpu.vector_store %arg19[%swap3A_366, %swap3A_367], %select_n3A_365 {strides = array<i32>} : memref<32x368xf32, #tpu.memory_space<vmem>>, vector<16xf32>,
          %add3A_369 = arith.constant 112 : i32
          %add3A_370 = arith.addi %mul3A_262, %add3A_369 : i32
          %get3A_371 = arith.index_cast %add3A_370 : i32 to index
          %get3A_372 = tpu.vector_load %arg11[%get3A_371] {strides = array<i32>} : memref<736xi32, #tpu.memory_space<vmem>>, vector<16xi32>,
          %gather3A_373 = tpu.vector_load_idx %arg16[%get3A_372] : memref<512xi32, #tpu.memory_space<vmem>>[vector<16xi32>], vector<16xi32>,
          %eq3A_374 = arith.cmpi eq, %gather3A_373, %broadcast_in_dim3A_217 : vector<16xi32>
          %jit3A_375 = arith.constant 1.000000e+00 : f32
          %jit3A_376 = arith.constant 0.000000e+00 : f32
          %broadcast_in_dim3A_377 = vector.broadcast %jit3A_375 : f32 to vector<16xf32>
          %broadcast_in_dim3A_378 = vector.broadcast %jit3A_376 : f32 to vector<16xf32>
          %select_n3A_379 = arith.select %eq3A_374, %broadcast_in_dim3A_377, %broadcast_in_dim3A_378 : vector<16xi1>, vector<16xf32>
          %swap3A_380 = arith.index_cast %scan3A_201 : i32 to index
          %swap3A_381 = arith.constant 112 : index
          %swap3A_382 = tpu.vector_load %arg19[%swap3A_380, %swap3A_381] {strides = array<i32>} : memref<32x368xf32, #tpu.memory_space<vmem>>, vector<16xf32>,
          tpu.vector_store %arg19[%swap3A_380, %swap3A_381], %select_n3A_379 {strides = array<i32>} : memref<32x368xf32, #tpu.memory_space<vmem>>, vector<16xf32>,
          %add3A_383 = arith.constant 128 : i32
          %add3A_384 = arith.addi %mul3A_262, %add3A_383 : i32
          %get3A_385 = arith.index_cast %add3A_384 : i32 to index
          %get3A_386 = tpu.vector_load %arg11[%get3A_385] {strides = array<i32>} : memref<736xi32, #tpu.memory_space<vmem>>, vector<16xi32>,
          %gather3A_387 = tpu.vector_load_idx %arg16[%get3A_386] : memref<512xi32, #tpu.memory_space<vmem>>[vector<16xi32>], vector<16xi32>,
          %eq3A_388 = arith.cmpi eq, %gather3A_387, %broadcast_in_dim3A_217 : vector<16xi32>
          %jit3A_389 = arith.constant 1.000000e+00 : f32
          %jit3A_390 = arith.constant 0.000000e+00 : f32
          %broadcast_in_dim3A_391 = vector.broadcast %jit3A_389 : f32 to vector<16xf32>
          %broadcast_in_dim3A_392 = vector.broadcast %jit3A_390 : f32 to vector<16xf32>
          %select_n3A_393 = arith.select %eq3A_388, %broadcast_in_dim3A_391, %broadcast_in_dim3A_392 : vector<16xi1>, vector<16xf32>
          %swap3A_394 = arith.index_cast %scan3A_201 : i32 to index
          %swap3A_395 = arith.constant 128 : index
          %swap3A_396 = tpu.vector_load %arg19[%swap3A_394, %swap3A_395] {strides = array<i32>} : memref<32x368xf32, #tpu.memory_space<vmem>>, vector<16xf32>,
          tpu.vector_store %arg19[%swap3A_394, %swap3A_395], %select_n3A_393 {strides = array<i32>} : memref<32x368xf32, #tpu.memory_space<vmem>>, vector<16xf32>,
          %add3A_397 = arith.constant 144 : i32
          %add3A_398 = arith.addi %mul3A_262, %add3A_397 : i32
          %get3A_399 = arith.index_cast %add3A_398 : i32 to index
          %get3A_400 = tpu.vector_load %arg11[%get3A_399] {strides = array<i32>} : memref<736xi32, #tpu.memory_space<vmem>>, vector<16xi32>,
          %gather3A_401 = tpu.vector_load_idx %arg16[%get3A_400] : memref<512xi32, #tpu.memory_space<vmem>>[vector<16xi32>], vector<16xi32>,
          %eq3A_402 = arith.cmpi eq, %gather3A_401, %broadcast_in_dim3A_217 : vector<16xi32>
          %jit3A_403 = arith.constant 1.000000e+00 : f32
          %jit3A_404 = arith.constant 0.000000e+00 : f32
          %broadcast_in_dim3A_405 = vector.broadcast %jit3A_403 : f32 to vector<16xf32>
          %broadcast_in_dim3A_406 = vector.broadcast %jit3A_404 : f32 to vector<16xf32>
          %select_n3A_407 = arith.select %eq3A_402, %broadcast_in_dim3A_405, %broadcast_in_dim3A_406 : vector<16xi1>, vector<16xf32>
          %swap3A_408 = arith.index_cast %scan3A_201 : i32 to index
          %swap3A_409 = arith.constant 144 : index
          %swap3A_410 = tpu.vector_load %arg19[%swap3A_408, %swap3A_409] {strides = array<i32>} : memref<32x368xf32, #tpu.memory_space<vmem>>, vector<16xf32>,
          tpu.vector_store %arg19[%swap3A_408, %swap3A_409], %select_n3A_407 {strides = array<i32>} : memref<32x368xf32, #tpu.memory_space<vmem>>, vector<16xf32>,
          %add3A_411 = arith.constant 160 : i32
          %add3A_412 = arith.addi %mul3A_262, %add3A_411 : i32
          %get3A_413 = arith.index_cast %add3A_412 : i32 to index
          %get3A_414 = tpu.vector_load %arg11[%get3A_413] {strides = array<i32>} : memref<736xi32, #tpu.memory_space<vmem>>, vector<16xi32>,
          %gather3A_415 = tpu.vector_load_idx %arg16[%get3A_414] : memref<512xi32, #tpu.memory_space<vmem>>[vector<16xi32>], vector<16xi32>,
          %eq3A_416 = arith.cmpi eq, %gather3A_415, %broadcast_in_dim3A_217 : vector<16xi32>
          %jit3A_417 = arith.constant 1.000000e+00 : f32
          %jit3A_418 = arith.constant 0.000000e+00 : f32
          %broadcast_in_dim3A_419 = vector.broadcast %jit3A_417 : f32 to vector<16xf32>
          %broadcast_in_dim3A_420 = vector.broadcast %jit3A_418 : f32 to vector<16xf32>
          %select_n3A_421 = arith.select %eq3A_416, %broadcast_in_dim3A_419, %broadcast_in_dim3A_420 : vector<16xi1>, vector<16xf32>
          %swap3A_422 = arith.index_cast %scan3A_201 : i32 to index
          %swap3A_423 = arith.constant 160 : index
          %swap3A_424 = tpu.vector_load %arg19[%swap3A_422, %swap3A_423] {strides = array<i32>} : memref<32x368xf32, #tpu.memory_space<vmem>>, vector<16xf32>,
          tpu.vector_store %arg19[%swap3A_422, %swap3A_423], %select_n3A_421 {strides = array<i32>} : memref<32x368xf32, #tpu.memory_space<vmem>>, vector<16xf32>,
          %add3A_425 = arith.constant 176 : i32
          %add3A_426 = arith.addi %mul3A_262, %add3A_425 : i32
          %get3A_427 = arith.index_cast %add3A_426 : i32 to index
          %get3A_428 = tpu.vector_load %arg11[%get3A_427] {strides = array<i32>} : memref<736xi32, #tpu.memory_space<vmem>>, vector<16xi32>,
          %gather3A_429 = tpu.vector_load_idx %arg16[%get3A_428] : memref<512xi32, #tpu.memory_space<vmem>>[vector<16xi32>], vector<16xi32>,
          %eq3A_430 = arith.cmpi eq, %gather3A_429, %broadcast_in_dim3A_217 : vector<16xi32>
          %jit3A_431 = arith.constant 1.000000e+00 : f32
          %jit3A_432 = arith.constant 0.000000e+00 : f32
          %broadcast_in_dim3A_433 = vector.broadcast %jit3A_431 : f32 to vector<16xf32>
          %broadcast_in_dim3A_434 = vector.broadcast %jit3A_432 : f32 to vector<16xf32>
          %select_n3A_435 = arith.select %eq3A_430, %broadcast_in_dim3A_433, %broadcast_in_dim3A_434 : vector<16xi1>, vector<16xf32>
          %swap3A_436 = arith.index_cast %scan3A_201 : i32 to index
          %swap3A_437 = arith.constant 176 : index
          %swap3A_438 = tpu.vector_load %arg19[%swap3A_436, %swap3A_437] {strides = array<i32>} : memref<32x368xf32, #tpu.memory_space<vmem>>, vector<16xf32>,
          tpu.vector_store %arg19[%swap3A_436, %swap3A_437], %select_n3A_435 {strides = array<i32>} : memref<32x368xf32, #tpu.memory_space<vmem>>, vector<16xf32>,
          %add3A_439 = arith.constant 192 : i32
          %add3A_440 = arith.addi %mul3A_262, %add3A_439 : i32
          %get3A_441 = arith.index_cast %add3A_440 : i32 to index
          %get3A_442 = tpu.vector_load %arg11[%get3A_441] {strides = array<i32>} : memref<736xi32, #tpu.memory_space<vmem>>, vector<16xi32>,
          %gather3A_443 = tpu.vector_load_idx %arg16[%get3A_442] : memref<512xi32, #tpu.memory_space<vmem>>[vector<16xi32>], vector<16xi32>,
          %eq3A_444 = arith.cmpi eq, %gather3A_443, %broadcast_in_dim3A_217 : vector<16xi32>
          %jit3A_445 = arith.constant 1.000000e+00 : f32
          %jit3A_446 = arith.constant 0.000000e+00 : f32
          %broadcast_in_dim3A_447 = vector.broadcast %jit3A_445 : f32 to vector<16xf32>
          %broadcast_in_dim3A_448 = vector.broadcast %jit3A_446 : f32 to vector<16xf32>
          %select_n3A_449 = arith.select %eq3A_444, %broadcast_in_dim3A_447, %broadcast_in_dim3A_448 : vector<16xi1>, vector<16xf32>
          %swap3A_450 = arith.index_cast %scan3A_201 : i32 to index
          %swap3A_451 = arith.constant 192 : index
          %swap3A_452 = tpu.vector_load %arg19[%swap3A_450, %swap3A_451] {strides = array<i32>} : memref<32x368xf32, #tpu.memory_space<vmem>>, vector<16xf32>,
          tpu.vector_store %arg19[%swap3A_450, %swap3A_451], %select_n3A_449 {strides = array<i32>} : memref<32x368xf32, #tpu.memory_space<vmem>>, vector<16xf32>,
          %add3A_453 = arith.constant 208 : i32
          %add3A_454 = arith.addi %mul3A_262, %add3A_453 : i32
          %get3A_455 = arith.index_cast %add3A_454 : i32 to index
          %get3A_456 = tpu.vector_load %arg11[%get3A_455] {strides = array<i32>} : memref<736xi32, #tpu.memory_space<vmem>>, vector<16xi32>,
          %gather3A_457 = tpu.vector_load_idx %arg16[%get3A_456] : memref<512xi32, #tpu.memory_space<vmem>>[vector<16xi32>], vector<16xi32>,
          %eq3A_458 = arith.cmpi eq, %gather3A_457, %broadcast_in_dim3A_217 : vector<16xi32>
          %jit3A_459 = arith.constant 1.000000e+00 : f32
          %jit3A_460 = arith.constant 0.000000e+00 : f32
          %broadcast_in_dim3A_461 = vector.broadcast %jit3A_459 : f32 to vector<16xf32>
          %broadcast_in_dim3A_462 = vector.broadcast %jit3A_460 : f32 to vector<16xf32>
          %select_n3A_463 = arith.select %eq3A_458, %broadcast_in_dim3A_461, %broadcast_in_dim3A_462 : vector<16xi1>, vector<16xf32>
          %swap3A_464 = arith.index_cast %scan3A_201 : i32 to index
          %swap3A_465 = arith.constant 208 : index
          %swap3A_466 = tpu.vector_load %arg19[%swap3A_464, %swap3A_465] {strides = array<i32>} : memref<32x368xf32, #tpu.memory_space<vmem>>, vector<16xf32>,
          tpu.vector_store %arg19[%swap3A_464, %swap3A_465], %select_n3A_463 {strides = array<i32>} : memref<32x368xf32, #tpu.memory_space<vmem>>, vector<16xf32>,
          %add3A_467 = arith.constant 224 : i32
          %add3A_468 = arith.addi %mul3A_262, %add3A_467 : i32
          %get3A_469 = arith.index_cast %add3A_468 : i32 to index
          %get3A_470 = tpu.vector_load %arg11[%get3A_469] {strides = array<i32>} : memref<736xi32, #tpu.memory_space<vmem>>, vector<16xi32>,
          %gather3A_471 = tpu.vector_load_idx %arg16[%get3A_470] : memref<512xi32, #tpu.memory_space<vmem>>[vector<16xi32>], vector<16xi32>,
          %eq3A_472 = arith.cmpi eq, %gather3A_471, %broadcast_in_dim3A_217 : vector<16xi32>
          %jit3A_473 = arith.constant 1.000000e+00 : f32
          %jit3A_474 = arith.constant 0.000000e+00 : f32
          %broadcast_in_dim3A_475 = vector.broadcast %jit3A_473 : f32 to vector<16xf32>
          %broadcast_in_dim3A_476 = vector.broadcast %jit3A_474 : f32 to vector<16xf32>
          %select_n3A_477 = arith.select %eq3A_472, %broadcast_in_dim3A_475, %broadcast_in_dim3A_476 : vector<16xi1>, vector<16xf32>
          %swap3A_478 = arith.index_cast %scan3A_201 : i32 to index
          %swap3A_479 = arith.constant 224 : index
          %swap3A_480 = tpu.vector_load %arg19[%swap3A_478, %swap3A_479] {strides = array<i32>} : memref<32x368xf32, #tpu.memory_space<vmem>>, vector<16xf32>,
          tpu.vector_store %arg19[%swap3A_478, %swap3A_479], %select_n3A_477 {strides = array<i32>} : memref<32x368xf32, #tpu.memory_space<vmem>>, vector<16xf32>,
          %add3A_481 = arith.constant 240 : i32
          %add3A_482 = arith.addi %mul3A_262, %add3A_481 : i32
          %get3A_483 = arith.index_cast %add3A_482 : i32 to index
          %get3A_484 = tpu.vector_load %arg11[%get3A_483] {strides = array<i32>} : memref<736xi32, #tpu.memory_space<vmem>>, vector<16xi32>,
          %gather3A_485 = tpu.vector_load_idx %arg16[%get3A_484] : memref<512xi32, #tpu.memory_space<vmem>>[vector<16xi32>], vector<16xi32>,
          %eq3A_486 = arith.cmpi eq, %gather3A_485, %broadcast_in_dim3A_217 : vector<16xi32>
          %jit3A_487 = arith.constant 1.000000e+00 : f32
          %jit3A_488 = arith.constant 0.000000e+00 : f32
          %broadcast_in_dim3A_489 = vector.broadcast %jit3A_487 : f32 to vector<16xf32>
          %broadcast_in_dim3A_490 = vector.broadcast %jit3A_488 : f32 to vector<16xf32>
          %select_n3A_491 = arith.select %eq3A_486, %broadcast_in_dim3A_489, %broadcast_in_dim3A_490 : vector<16xi1>, vector<16xf32>
          %swap3A_492 = arith.index_cast %scan3A_201 : i32 to index
          %swap3A_493 = arith.constant 240 : index
          %swap3A_494 = tpu.vector_load %arg19[%swap3A_492, %swap3A_493] {strides = array<i32>} : memref<32x368xf32, #tpu.memory_space<vmem>>, vector<16xf32>,
          tpu.vector_store %arg19[%swap3A_492, %swap3A_493], %select_n3A_491 {strides = array<i32>} : memref<32x368xf32, #tpu.memory_space<vmem>>, vector<16xf32>,
          %add3A_495 = arith.constant 256 : i32
          %add3A_496 = arith.addi %mul3A_262, %add3A_495 : i32
          %get3A_497 = arith.index_cast %add3A_496 : i32 to index
          %get3A_498 = tpu.vector_load %arg11[%get3A_497] {strides = array<i32>} : memref<736xi32, #tpu.memory_space<vmem>>, vector<16xi32>,
          %gather3A_499 = tpu.vector_load_idx %arg16[%get3A_498] : memref<512xi32, #tpu.memory_space<vmem>>[vector<16xi32>], vector<16xi32>,
          %eq3A_500 = arith.cmpi eq, %gather3A_499, %broadcast_in_dim3A_217 : vector<16xi32>
          %jit3A_501 = arith.constant 1.000000e+00 : f32
          %jit3A_502 = arith.constant 0.000000e+00 : f32
          %broadcast_in_dim3A_503 = vector.broadcast %jit3A_501 : f32 to vector<16xf32>
          %broadcast_in_dim3A_504 = vector.broadcast %jit3A_502 : f32 to vector<16xf32>
          %select_n3A_505 = arith.select %eq3A_500, %broadcast_in_dim3A_503, %broadcast_in_dim3A_504 : vector<16xi1>, vector<16xf32>
          %swap3A_506 = arith.index_cast %scan3A_201 : i32 to index
          %swap3A_507 = arith.constant 256 : index
          %swap3A_508 = tpu.vector_load %arg19[%swap3A_506, %swap3A_507] {strides = array<i32>} : memref<32x368xf32, #tpu.memory_space<vmem>>, vector<16xf32>,
          tpu.vector_store %arg19[%swap3A_506, %swap3A_507], %select_n3A_505 {strides = array<i32>} : memref<32x368xf32, #tpu.memory_space<vmem>>, vector<16xf32>,
          %add3A_509 = arith.constant 272 : i32
          %add3A_510 = arith.addi %mul3A_262, %add3A_509 : i32
          %get3A_511 = arith.index_cast %add3A_510 : i32 to index
          %get3A_512 = tpu.vector_load %arg11[%get3A_511] {strides = array<i32>} : memref<736xi32, #tpu.memory_space<vmem>>, vector<16xi32>,
          %gather3A_513 = tpu.vector_load_idx %arg16[%get3A_512] : memref<512xi32, #tpu.memory_space<vmem>>[vector<16xi32>], vector<16xi32>,
          %eq3A_514 = arith.cmpi eq, %gather3A_513, %broadcast_in_dim3A_217 : vector<16xi32>
          %jit3A_515 = arith.constant 1.000000e+00 : f32
          %jit3A_516 = arith.constant 0.000000e+00 : f32
          %broadcast_in_dim3A_517 = vector.broadcast %jit3A_515 : f32 to vector<16xf32>
          %broadcast_in_dim3A_518 = vector.broadcast %jit3A_516 : f32 to vector<16xf32>
          %select_n3A_519 = arith.select %eq3A_514, %broadcast_in_dim3A_517, %broadcast_in_dim3A_518 : vector<16xi1>, vector<16xf32>
          %swap3A_520 = arith.index_cast %scan3A_201 : i32 to index
          %swap3A_521 = arith.constant 272 : index
          %swap3A_522 = tpu.vector_load %arg19[%swap3A_520, %swap3A_521] {strides = array<i32>} : memref<32x368xf32, #tpu.memory_space<vmem>>, vector<16xf32>,
          tpu.vector_store %arg19[%swap3A_520, %swap3A_521], %select_n3A_519 {strides = array<i32>} : memref<32x368xf32, #tpu.memory_space<vmem>>, vector<16xf32>,
          %add3A_523 = arith.constant 288 : i32
          %add3A_524 = arith.addi %mul3A_262, %add3A_523 : i32
          %get3A_525 = arith.index_cast %add3A_524 : i32 to index
          %get3A_526 = tpu.vector_load %arg11[%get3A_525] {strides = array<i32>} : memref<736xi32, #tpu.memory_space<vmem>>, vector<16xi32>,
          %gather3A_527 = tpu.vector_load_idx %arg16[%get3A_526] : memref<512xi32, #tpu.memory_space<vmem>>[vector<16xi32>], vector<16xi32>,
          %eq3A_528 = arith.cmpi eq, %gather3A_527, %broadcast_in_dim3A_217 : vector<16xi32>
          %jit3A_529 = arith.constant 1.000000e+00 : f32
          %jit3A_530 = arith.constant 0.000000e+00 : f32
          %broadcast_in_dim3A_531 = vector.broadcast %jit3A_529 : f32 to vector<16xf32>
          %broadcast_in_dim3A_532 = vector.broadcast %jit3A_530 : f32 to vector<16xf32>
          %select_n3A_533 = arith.select %eq3A_528, %broadcast_in_dim3A_531, %broadcast_in_dim3A_532 : vector<16xi1>, vector<16xf32>
          %swap3A_534 = arith.index_cast %scan3A_201 : i32 to index
          %swap3A_535 = arith.constant 288 : index
          %swap3A_536 = tpu.vector_load %arg19[%swap3A_534, %swap3A_535] {strides = array<i32>} : memref<32x368xf32, #tpu.memory_space<vmem>>, vector<16xf32>,
          tpu.vector_store %arg19[%swap3A_534, %swap3A_535], %select_n3A_533 {strides = array<i32>} : memref<32x368xf32, #tpu.memory_space<vmem>>, vector<16xf32>,
          %add3A_537 = arith.constant 304 : i32
          %add3A_538 = arith.addi %mul3A_262, %add3A_537 : i32
          %get3A_539 = arith.index_cast %add3A_538 : i32 to index
          %get3A_540 = tpu.vector_load %arg11[%get3A_539] {strides = array<i32>} : memref<736xi32, #tpu.memory_space<vmem>>, vector<16xi32>,
          %gather3A_541 = tpu.vector_load_idx %arg16[%get3A_540] : memref<512xi32, #tpu.memory_space<vmem>>[vector<16xi32>], vector<16xi32>,
          %eq3A_542 = arith.cmpi eq, %gather3A_541, %broadcast_in_dim3A_217 : vector<16xi32>
          %jit3A_543 = arith.constant 1.000000e+00 : f32
          %jit3A_544 = arith.constant 0.000000e+00 : f32
          %broadcast_in_dim3A_545 = vector.broadcast %jit3A_543 : f32 to vector<16xf32>
          %broadcast_in_dim3A_546 = vector.broadcast %jit3A_544 : f32 to vector<16xf32>
          %select_n3A_547 = arith.select %eq3A_542, %broadcast_in_dim3A_545, %broadcast_in_dim3A_546 : vector<16xi1>, vector<16xf32>
          %swap3A_548 = arith.index_cast %scan3A_201 : i32 to index
          %swap3A_549 = arith.constant 304 : index
          %swap3A_550 = tpu.vector_load %arg19[%swap3A_548, %swap3A_549] {strides = array<i32>} : memref<32x368xf32, #tpu.memory_space<vmem>>, vector<16xf32>,
          tpu.vector_store %arg19[%swap3A_548, %swap3A_549], %select_n3A_547 {strides = array<i32>} : memref<32x368xf32, #tpu.memory_space<vmem>>, vector<16xf32>,
          %add3A_551 = arith.constant 320 : i32
          %add3A_552 = arith.addi %mul3A_262, %add3A_551 : i32
          %get3A_553 = arith.index_cast %add3A_552 : i32 to index
          %get3A_554 = tpu.vector_load %arg11[%get3A_553] {strides = array<i32>} : memref<736xi32, #tpu.memory_space<vmem>>, vector<16xi32>,
          %gather3A_555 = tpu.vector_load_idx %arg16[%get3A_554] : memref<512xi32, #tpu.memory_space<vmem>>[vector<16xi32>], vector<16xi32>,
          %eq3A_556 = arith.cmpi eq, %gather3A_555, %broadcast_in_dim3A_217 : vector<16xi32>
          %jit3A_557 = arith.constant 1.000000e+00 : f32
          %jit3A_558 = arith.constant 0.000000e+00 : f32
          %broadcast_in_dim3A_559 = vector.broadcast %jit3A_557 : f32 to vector<16xf32>
          %broadcast_in_dim3A_560 = vector.broadcast %jit3A_558 : f32 to vector<16xf32>
          %select_n3A_561 = arith.select %eq3A_556, %broadcast_in_dim3A_559, %broadcast_in_dim3A_560 : vector<16xi1>, vector<16xf32>
          %swap3A_562 = arith.index_cast %scan3A_201 : i32 to index
          %swap3A_563 = arith.constant 320 : index
          %swap3A_564 = tpu.vector_load %arg19[%swap3A_562, %swap3A_563] {strides = array<i32>} : memref<32x368xf32, #tpu.memory_space<vmem>>, vector<16xf32>,
          tpu.vector_store %arg19[%swap3A_562, %swap3A_563], %select_n3A_561 {strides = array<i32>} : memref<32x368xf32, #tpu.memory_space<vmem>>, vector<16xf32>,
          %add3A_565 = arith.constant 336 : i32
          %add3A_566 = arith.addi %mul3A_262, %add3A_565 : i32
          %get3A_567 = arith.index_cast %add3A_566 : i32 to index
          %get3A_568 = tpu.vector_load %arg11[%get3A_567] {strides = array<i32>} : memref<736xi32, #tpu.memory_space<vmem>>, vector<16xi32>,
          %gather3A_569 = tpu.vector_load_idx %arg16[%get3A_568] : memref<512xi32, #tpu.memory_space<vmem>>[vector<16xi32>], vector<16xi32>,
          %eq3A_570 = arith.cmpi eq, %gather3A_569, %broadcast_in_dim3A_217 : vector<16xi32>
          %jit3A_571 = arith.constant 1.000000e+00 : f32
          %jit3A_572 = arith.constant 0.000000e+00 : f32
          %broadcast_in_dim3A_573 = vector.broadcast %jit3A_571 : f32 to vector<16xf32>
          %broadcast_in_dim3A_574 = vector.broadcast %jit3A_572 : f32 to vector<16xf32>
          %select_n3A_575 = arith.select %eq3A_570, %broadcast_in_dim3A_573, %broadcast_in_dim3A_574 : vector<16xi1>, vector<16xf32>
          %swap3A_576 = arith.index_cast %scan3A_201 : i32 to index
          %swap3A_577 = arith.constant 336 : index
          %swap3A_578 = tpu.vector_load %arg19[%swap3A_576, %swap3A_577] {strides = array<i32>} : memref<32x368xf32, #tpu.memory_space<vmem>>, vector<16xf32>,
          tpu.vector_store %arg19[%swap3A_576, %swap3A_577], %select_n3A_575 {strides = array<i32>} : memref<32x368xf32, #tpu.memory_space<vmem>>, vector<16xf32>,
          %add3A_579 = arith.constant 352 : i32
          %add3A_580 = arith.addi %mul3A_262, %add3A_579 : i32
          %get3A_581 = arith.index_cast %add3A_580 : i32 to index
          %get3A_582 = tpu.vector_load %arg11[%get3A_581] {strides = array<i32>} : memref<736xi32, #tpu.memory_space<vmem>>, vector<16xi32>,
          %gather3A_583 = tpu.vector_load_idx %arg16[%get3A_582] : memref<512xi32, #tpu.memory_space<vmem>>[vector<16xi32>], vector<16xi32>,
          %eq3A_584 = arith.cmpi eq, %gather3A_583, %broadcast_in_dim3A_217 : vector<16xi32>
          %jit3A_585 = arith.constant 1.000000e+00 : f32
          %jit3A_586 = arith.constant 0.000000e+00 : f32
          %broadcast_in_dim3A_587 = vector.broadcast %jit3A_585 : f32 to vector<16xf32>
          %broadcast_in_dim3A_588 = vector.broadcast %jit3A_586 : f32 to vector<16xf32>
          %select_n3A_589 = arith.select %eq3A_584, %broadcast_in_dim3A_587, %broadcast_in_dim3A_588 : vector<16xi1>, vector<16xf32>
          %swap3A_590 = arith.index_cast %scan3A_201 : i32 to index
          %swap3A_591 = arith.constant 352 : index
          %swap3A_592 = tpu.vector_load %arg19[%swap3A_590, %swap3A_591] {strides = array<i32>} : memref<32x368xf32, #tpu.memory_space<vmem>>, vector<16xf32>,
          tpu.vector_store %arg19[%swap3A_590, %swap3A_591], %select_n3A_589 {strides = array<i32>} : memref<32x368xf32, #tpu.memory_space<vmem>>, vector<16xf32>,
        } else {
        }
        %not3A = arith.constant true
        %not3A_268 = arith.xori %or3A, %not3A : i1
        %convert_element_type3A_269 = arith.extui %not3A_268 : i1 to i32
        %cond3A_270 = arith.constant 0 : i32
        %cond3A_271 = arith.cmpi ne, %convert_element_type3A_269, %cond3A_270 : i32
        scf.if %cond3A_271 {
          %swap3A_273 = arith.index_cast %scan3A_201 : i32 to index
          %swap3A_274 = arith.constant 0 : index
          %swap3A_275 = tpu.vector_load %arg19[%swap3A_273, %swap3A_274] {strides = array<i32>} : memref<32x368xf32, #tpu.memory_space<vmem>>, vector<16xf32>,
          tpu.vector_store %arg19[%swap3A_273, %swap3A_274], %broadcast_in_dim3A_264 {strides = array<i32>} : memref<32x368xf32, #tpu.memory_space<vmem>>, vector<16xf32>,
          %swap3A_276 = arith.index_cast %scan3A_201 : i32 to index
          %swap3A_277 = arith.constant 16 : index
          %swap3A_278 = tpu.vector_load %arg19[%swap3A_276, %swap3A_277] {strides = array<i32>} : memref<32x368xf32, #tpu.memory_space<vmem>>, vector<16xf32>,
          tpu.vector_store %arg19[%swap3A_276, %swap3A_277], %broadcast_in_dim3A_264 {strides = array<i32>} : memref<32x368xf32, #tpu.memory_space<vmem>>, vector<16xf32>,
          %swap3A_279 = arith.index_cast %scan3A_201 : i32 to index
          %swap3A_280 = arith.constant 32 : index
          %swap3A_281 = tpu.vector_load %arg19[%swap3A_279, %swap3A_280] {strides = array<i32>} : memref<32x368xf32, #tpu.memory_space<vmem>>, vector<16xf32>,
          tpu.vector_store %arg19[%swap3A_279, %swap3A_280], %broadcast_in_dim3A_264 {strides = array<i32>} : memref<32x368xf32, #tpu.memory_space<vmem>>, vector<16xf32>,
          %swap3A_282 = arith.index_cast %scan3A_201 : i32 to index
          %swap3A_283 = arith.constant 48 : index
          %swap3A_284 = tpu.vector_load %arg19[%swap3A_282, %swap3A_283] {strides = array<i32>} : memref<32x368xf32, #tpu.memory_space<vmem>>, vector<16xf32>,
          tpu.vector_store %arg19[%swap3A_282, %swap3A_283], %broadcast_in_dim3A_264 {strides = array<i32>} : memref<32x368xf32, #tpu.memory_space<vmem>>, vector<16xf32>,
          %swap3A_285 = arith.index_cast %scan3A_201 : i32 to index
          %swap3A_286 = arith.constant 64 : index
          %swap3A_287 = tpu.vector_load %arg19[%swap3A_285, %swap3A_286] {strides = array<i32>} : memref<32x368xf32, #tpu.memory_space<vmem>>, vector<16xf32>,
          tpu.vector_store %arg19[%swap3A_285, %swap3A_286], %broadcast_in_dim3A_264 {strides = array<i32>} : memref<32x368xf32, #tpu.memory_space<vmem>>, vector<16xf32>,
          %swap3A_288 = arith.index_cast %scan3A_201 : i32 to index
          %swap3A_289 = arith.constant 80 : index
          %swap3A_290 = tpu.vector_load %arg19[%swap3A_288, %swap3A_289] {strides = array<i32>} : memref<32x368xf32, #tpu.memory_space<vmem>>, vector<16xf32>,
          tpu.vector_store %arg19[%swap3A_288, %swap3A_289], %broadcast_in_dim3A_264 {strides = array<i32>} : memref<32x368xf32, #tpu.memory_space<vmem>>, vector<16xf32>,
          %swap3A_291 = arith.index_cast %scan3A_201 : i32 to index
          %swap3A_292 = arith.constant 96 : index
          %swap3A_293 = tpu.vector_load %arg19[%swap3A_291, %swap3A_292] {strides = array<i32>} : memref<32x368xf32, #tpu.memory_space<vmem>>, vector<16xf32>,
          tpu.vector_store %arg19[%swap3A_291, %swap3A_292], %broadcast_in_dim3A_264 {strides = array<i32>} : memref<32x368xf32, #tpu.memory_space<vmem>>, vector<16xf32>,
          %swap3A_294 = arith.index_cast %scan3A_201 : i32 to index
          %swap3A_295 = arith.constant 112 : index
          %swap3A_296 = tpu.vector_load %arg19[%swap3A_294, %swap3A_295] {strides = array<i32>} : memref<32x368xf32, #tpu.memory_space<vmem>>, vector<16xf32>,
          tpu.vector_store %arg19[%swap3A_294, %swap3A_295], %broadcast_in_dim3A_264 {strides = array<i32>} : memref<32x368xf32, #tpu.memory_space<vmem>>, vector<16xf32>,
          %swap3A_297 = arith.index_cast %scan3A_201 : i32 to index
          %swap3A_298 = arith.constant 128 : index
          %swap3A_299 = tpu.vector_load %arg19[%swap3A_297, %swap3A_298] {strides = array<i32>} : memref<32x368xf32, #tpu.memory_space<vmem>>, vector<16xf32>,
          tpu.vector_store %arg19[%swap3A_297, %swap3A_298], %broadcast_in_dim3A_264 {strides = array<i32>} : memref<32x368xf32, #tpu.memory_space<vmem>>, vector<16xf32>,
          %swap3A_300 = arith.index_cast %scan3A_201 : i32 to index
          %swap3A_301 = arith.constant 144 : index
          %swap3A_302 = tpu.vector_load %arg19[%swap3A_300, %swap3A_301] {strides = array<i32>} : memref<32x368xf32, #tpu.memory_space<vmem>>, vector<16xf32>,
          tpu.vector_store %arg19[%swap3A_300, %swap3A_301], %broadcast_in_dim3A_264 {strides = array<i32>} : memref<32x368xf32, #tpu.memory_space<vmem>>, vector<16xf32>,
          %swap3A_303 = arith.index_cast %scan3A_201 : i32 to index
          %swap3A_304 = arith.constant 160 : index
          %swap3A_305 = tpu.vector_load %arg19[%swap3A_303, %swap3A_304] {strides = array<i32>} : memref<32x368xf32, #tpu.memory_space<vmem>>, vector<16xf32>,
          tpu.vector_store %arg19[%swap3A_303, %swap3A_304], %broadcast_in_dim3A_264 {strides = array<i32>} : memref<32x368xf32, #tpu.memory_space<vmem>>, vector<16xf32>,
          %swap3A_306 = arith.index_cast %scan3A_201 : i32 to index
          %swap3A_307 = arith.constant 176 : index
          %swap3A_308 = tpu.vector_load %arg19[%swap3A_306, %swap3A_307] {strides = array<i32>} : memref<32x368xf32, #tpu.memory_space<vmem>>, vector<16xf32>,
          tpu.vector_store %arg19[%swap3A_306, %swap3A_307], %broadcast_in_dim3A_264 {strides = array<i32>} : memref<32x368xf32, #tpu.memory_space<vmem>>, vector<16xf32>,
          %swap3A_309 = arith.index_cast %scan3A_201 : i32 to index
          %swap3A_310 = arith.constant 192 : index
          %swap3A_311 = tpu.vector_load %arg19[%swap3A_309, %swap3A_310] {strides = array<i32>} : memref<32x368xf32, #tpu.memory_space<vmem>>, vector<16xf32>,
          tpu.vector_store %arg19[%swap3A_309, %swap3A_310], %broadcast_in_dim3A_264 {strides = array<i32>} : memref<32x368xf32, #tpu.memory_space<vmem>>, vector<16xf32>,
          %swap3A_312 = arith.index_cast %scan3A_201 : i32 to index
          %swap3A_313 = arith.constant 208 : index
          %swap3A_314 = tpu.vector_load %arg19[%swap3A_312, %swap3A_313] {strides = array<i32>} : memref<32x368xf32, #tpu.memory_space<vmem>>, vector<16xf32>,
          tpu.vector_store %arg19[%swap3A_312, %swap3A_313], %broadcast_in_dim3A_264 {strides = array<i32>} : memref<32x368xf32, #tpu.memory_space<vmem>>, vector<16xf32>,
          %swap3A_315 = arith.index_cast %scan3A_201 : i32 to index
          %swap3A_316 = arith.constant 224 : index
          %swap3A_317 = tpu.vector_load %arg19[%swap3A_315, %swap3A_316] {strides = array<i32>} : memref<32x368xf32, #tpu.memory_space<vmem>>, vector<16xf32>,
          tpu.vector_store %arg19[%swap3A_315, %swap3A_316], %broadcast_in_dim3A_264 {strides = array<i32>} : memref<32x368xf32, #tpu.memory_space<vmem>>, vector<16xf32>,
          %swap3A_318 = arith.index_cast %scan3A_201 : i32 to index
          %swap3A_319 = arith.constant 240 : index
          %swap3A_320 = tpu.vector_load %arg19[%swap3A_318, %swap3A_319] {strides = array<i32>} : memref<32x368xf32, #tpu.memory_space<vmem>>, vector<16xf32>,
          tpu.vector_store %arg19[%swap3A_318, %swap3A_319], %broadcast_in_dim3A_264 {strides = array<i32>} : memref<32x368xf32, #tpu.memory_space<vmem>>, vector<16xf32>,
          %swap3A_321 = arith.index_cast %scan3A_201 : i32 to index
          %swap3A_322 = arith.constant 256 : index
          %swap3A_323 = tpu.vector_load %arg19[%swap3A_321, %swap3A_322] {strides = array<i32>} : memref<32x368xf32, #tpu.memory_space<vmem>>, vector<16xf32>,
          tpu.vector_store %arg19[%swap3A_321, %swap3A_322], %broadcast_in_dim3A_264 {strides = array<i32>} : memref<32x368xf32, #tpu.memory_space<vmem>>, vector<16xf32>,
          %swap3A_324 = arith.index_cast %scan3A_201 : i32 to index
          %swap3A_325 = arith.constant 272 : index
          %swap3A_326 = tpu.vector_load %arg19[%swap3A_324, %swap3A_325] {strides = array<i32>} : memref<32x368xf32, #tpu.memory_space<vmem>>, vector<16xf32>,
          tpu.vector_store %arg19[%swap3A_324, %swap3A_325], %broadcast_in_dim3A_264 {strides = array<i32>} : memref<32x368xf32, #tpu.memory_space<vmem>>, vector<16xf32>,
          %swap3A_327 = arith.index_cast %scan3A_201 : i32 to index
          %swap3A_328 = arith.constant 288 : index
          %swap3A_329 = tpu.vector_load %arg19[%swap3A_327, %swap3A_328] {strides = array<i32>} : memref<32x368xf32, #tpu.memory_space<vmem>>, vector<16xf32>,
          tpu.vector_store %arg19[%swap3A_327, %swap3A_328], %broadcast_in_dim3A_264 {strides = array<i32>} : memref<32x368xf32, #tpu.memory_space<vmem>>, vector<16xf32>,
          %swap3A_330 = arith.index_cast %scan3A_201 : i32 to index
          %swap3A_331 = arith.constant 304 : index
          %swap3A_332 = tpu.vector_load %arg19[%swap3A_330, %swap3A_331] {strides = array<i32>} : memref<32x368xf32, #tpu.memory_space<vmem>>, vector<16xf32>,
          tpu.vector_store %arg19[%swap3A_330, %swap3A_331], %broadcast_in_dim3A_264 {strides = array<i32>} : memref<32x368xf32, #tpu.memory_space<vmem>>, vector<16xf32>,
          %swap3A_333 = arith.index_cast %scan3A_201 : i32 to index
          %swap3A_334 = arith.constant 320 : index
          %swap3A_335 = tpu.vector_load %arg19[%swap3A_333, %swap3A_334] {strides = array<i32>} : memref<32x368xf32, #tpu.memory_space<vmem>>, vector<16xf32>,
          tpu.vector_store %arg19[%swap3A_333, %swap3A_334], %broadcast_in_dim3A_264 {strides = array<i32>} : memref<32x368xf32, #tpu.memory_space<vmem>>, vector<16xf32>,
          %swap3A_336 = arith.index_cast %scan3A_201 : i32 to index
          %swap3A_337 = arith.constant 336 : index
          %swap3A_338 = tpu.vector_load %arg19[%swap3A_336, %swap3A_337] {strides = array<i32>} : memref<32x368xf32, #tpu.memory_space<vmem>>, vector<16xf32>,
          tpu.vector_store %arg19[%swap3A_336, %swap3A_337], %broadcast_in_dim3A_264 {strides = array<i32>} : memref<32x368xf32, #tpu.memory_space<vmem>>, vector<16xf32>,
          %swap3A_339 = arith.index_cast %scan3A_201 : i32 to index
          %swap3A_340 = arith.constant 352 : index
          %swap3A_341 = tpu.vector_load %arg19[%swap3A_339, %swap3A_340] {strides = array<i32>} : memref<32x368xf32, #tpu.memory_space<vmem>>, vector<16xf32>,
          tpu.vector_store %arg19[%swap3A_339, %swap3A_340], %broadcast_in_dim3A_264 {strides = array<i32>} : memref<32x368xf32, #tpu.memory_space<vmem>>, vector<16xf32>,
        } else {
        }
        %scan3A_272 = arith.constant 0 : i32
        scf.yield %scan3A_272 : i32
      }
      %scan3A_164 = arith.constant 32 : i32
      %add3A_165 = arith.constant 2 : i32
      %add3A_166 = arith.addi %add3A_151, %add3A_165 : i32
      %lt3A = arith.constant 16 : i32
      %lt3A_167 = arith.cmpi slt, %add3A_166, %lt3A : i32
      %convert_element_type3A = arith.extui %lt3A_167 : i1 to i32
      %cond3A = arith.constant 0 : i32
      %cond3A_168 = arith.cmpi ne, %convert_element_type3A, %cond3A : i32
      scf.if %cond3A_168 {
        %add3A_201 = arith.constant 2 : i32
        %add3A_202 = arith.addi %add3A_151, %add3A_201 : i32
        %mul3A_203 = arith.constant 32 : i32
        %mul3A_204 = arith.muli %add3A_202, %mul3A_203 : i32
        %add3A_205 = arith.addi %mul3A_2, %mul3A_204 : i32
        %dma_start3A_206 = arith.constant 0 : i32
        %dma_start3A_207 = tpu.memref_slice %arg2[%add3A_205, %dma_start3A_206] : memref<16384x368xi32, #tpu.memory_space<hbm>> -> memref<32x368xi32, #tpu.memory_space<hbm>>
        %dma_start3A_208 = arith.constant 0 : i32
        %dma_start3A_209 = tpu.memref_slice %arg2[%add3A_205, %dma_start3A_208] : memref<16384x368xi32, #tpu.memory_space<hbm>> -> memref<32x368xi32, #tpu.memory_space<hbm>>
        tpu.enqueue_dma source(%dma_start3A_209 : memref<32x368xi32, #tpu.memory_space<hbm>>) target(%arg17 : memref<32x368xi32, #tpu.memory_space<vmem>>) target_semaphore(%arg20 : memref<!tpu.dma_semaphore, #tpu.memory_space<semaphore_mem>>)
      } else {
      }
      %mul3A_169 = arith.constant 32 : i32
      %mul3A_170 = arith.muli %add3A_151, %mul3A_169 : i32
      %add3A_171 = arith.addi %mul3A_2, %mul3A_170 : i32
      "tpu.region"() ({
        %run_scoped3A = tpu.sem_alloc : memref<!tpu.dma_semaphore, #tpu.memory_space<semaphore_mem>>
        %dma_start3A_201 = arith.constant 0 : i32
        %dma_start3A_202 = tpu.memref_slice %arg9[%add3A_171, %dma_start3A_201] : memref<16384x368xf32, #tpu.memory_space<hbm>> -> memref<32x368xf32, #tpu.memory_space<hbm>>
        %dma_start3A_203 = arith.constant 0 : i32
        %dma_start3A_204 = tpu.memref_slice %arg9[%add3A_171, %dma_start3A_203] : memref<16384x368xf32, #tpu.memory_space<hbm>> -> memref<32x368xf32, #tpu.memory_space<hbm>>
        tpu.enqueue_dma source(%arg19 : memref<32x368xf32, #tpu.memory_space<vmem>>) target(%dma_start3A_204 : memref<32x368xf32, #tpu.memory_space<hbm>>) target_semaphore(%run_scoped3A : memref<!tpu.dma_semaphore, #tpu.memory_space<semaphore_mem>>)
        %dma_wait3A_205 = arith.constant 0 : i32
        %dma_wait3A_206 = tpu.memref_slice %arg9[%add3A_171, %dma_wait3A_205] : memref<16384x368xf32, #tpu.memory_space<hbm>> -> memref<32x368xf32, #tpu.memory_space<hbm>>
        %dma_wait3A_207 = arith.constant 0 : i32
        %dma_wait3A_208 = tpu.memref_slice %arg9[%add3A_171, %dma_wait3A_207] : memref<16384x368xf32, #tpu.memory_space<hbm>> -> memref<32x368xf32, #tpu.memory_space<hbm>>
        tpu.wait_dma2 semaphore(%run_scoped3A : memref<!tpu.dma_semaphore, #tpu.memory_space<semaphore_mem>>) src(%arg19 : memref<32x368xf32, #tpu.memory_space<vmem>>) dst(%dma_wait3A_208 : memref<32x368xf32, #tpu.memory_space<hbm>>)
        tpu.yield
      }) : () -> ()
      %mul3A_172 = arith.constant 2 : i32
      %mul3A_173 = arith.muli %scan3A_146, %mul3A_172 : i32
      %add3A_174 = arith.constant 1 : i32
      %add3A_175 = arith.addi %mul3A_173, %add3A_174 : i32
      %mul3A_176 = arith.constant 32 : i32
      %mul3A_177 = arith.muli %add3A_175, %mul3A_176 : i32
      %add3A_178 = arith.addi %mul3A_2, %mul3A_177 : i32
      %dma_wait3A_179 = arith.constant 0 : i32
      %dma_wait3A_180 = tpu.memref_slice %arg2[%add3A_178, %dma_wait3A_179] : memref<16384x368xi32, #tpu.memory_space<hbm>> -> memref<32x368xi32, #tpu.memory_space<hbm>>
      %dma_wait3A_181 = arith.constant 0 : i32
      %dma_wait3A_182 = tpu.memref_slice %arg2[%add3A_178, %dma_wait3A_181] : memref<16384x368xi32, #tpu.memory_space<hbm>> -> memref<32x368xi32, #tpu.memory_space<hbm>>
      tpu.wait_dma2 semaphore(%arg21 : memref<!tpu.dma_semaphore, #tpu.memory_space<semaphore_mem>>) src(%dma_wait3A_182 : memref<32x368xi32, #tpu.memory_space<hbm>>) dst(%arg18 : memref<32x368xi32, #tpu.memory_space<vmem>>)
      %scan3A_183 = arith.constant 0 : i32
      %scan3A_184 = arith.constant 0 : i32
      %scan3A_185 = arith.constant 32 : i32
      %scan3A_186 = arith.addi %scan3A_184, %scan3A_185 : i32
      %scan3A_187 = arith.constant 1 : i32
      %scan3A_188 = scf.for %scan3A_201 = %scan3A_184 to %scan3A_186 step %scan3A_187 iter_args(%scan3A_202 = %scan3A_183) -> (i32)  : i32 {
        %mul3A_203 = arith.constant 32 : i32
        %mul3A_204 = arith.muli %add3A_175, %mul3A_203 : i32
        %add3A_205 = arith.addi %mul3A_204, %scan3A_201 : i32
        %get3A = arith.index_cast %add3A_205 : i32 to index
        %get3A_206 = tpu.vector_load %arg13[%get3A] {strides = array<i32>} : memref<528xi32, #tpu.memory_space<vmem>>, vector<16xi32>,
        %slice3A = vector.extract_strided_slice %get3A_206 {offsets = [0], sizes = [1], strides = [1]} : vector<16xi32> to vector<1xi32>
        %squeeze3A = vector.extract %slice3A[0] : i32 from vector<1xi32>
        %get3A_207 = arith.index_cast %add3A_205 : i32 to index
        %get3A_208 = tpu.vector_load %arg14[%get3A_207] {strides = array<i32>} : memref<528xi32, #tpu.memory_space<vmem>>, vector<16xi32>,
        %slice3A_209 = vector.extract_strided_slice %get3A_208 {offsets = [0], sizes = [1], strides = [1]} : vector<16xi32> to vector<1xi32>
        %squeeze3A_210 = vector.extract %slice3A_209[0] : i32 from vector<1xi32>
        %and3A = arith.constant 1 : i32
        %and3A_211 = arith.andi %squeeze3A_210, %and3A : i32
        %get3A_212 = arith.index_cast %add3A_205 : i32 to index
        %get3A_213 = tpu.vector_load %arg15[%get3A_212] {strides = array<i32>} : memref<528xi32, #tpu.memory_space<vmem>>, vector<16xi32>,
        %slice3A_214 = vector.extract_strided_slice %get3A_213 {offsets = [0], sizes = [1], strides = [1]} : vector<16xi32> to vector<1xi32>
        %squeeze3A_215 = vector.extract %slice3A_214[0] : i32 from vector<1xi32>
        %min3A = arith.constant 361 : i32
        %min3A_216 = arith.minsi %squeeze3A_215, %min3A : i32
        %broadcast_in_dim3A_217 = vector.broadcast %add3A_205 : i32 to vector<16xi32>
        %mul3A_218 = arith.constant 512 : i32
        %mul3A_219 = arith.muli %and3A_211, %mul3A_218 : i32
        %broadcast_in_dim3A_220 = vector.broadcast %mul3A_219 : i32 to vector<16xi32>
        %mul3A_221 = arith.constant 8192 : i32
        %mul3A_222 = arith.muli %and3A_211, %mul3A_221 : i32
        %broadcast_in_dim3A_223 = vector.broadcast %mul3A_222 : i32 to vector<16xi32>
        %add3A_224 = arith.constant 15 : i32
        %add3A_225 = arith.addi %min3A_216, %add3A_224 : i32
        %jit3A = arith.constant 16 : i32
        %div3A = arith.divsi %add3A_225, %jit3A : i32
        %sign3A = arith.constant 0 : i32
        %sign3A_226 = arith.cmpi sgt, %add3A_225, %sign3A : i32
        %sign3A_227 = arith.extui %sign3A_226 : i1 to i32
        %sign3A_228 = arith.constant 0 : i32
        %sign3A_229 = arith.cmpi slt, %add3A_225, %sign3A_228 : i32
        %sign3A_230 = arith.extui %sign3A_229 : i1 to i32
        %sign3A_231 = arith.subi %sign3A_227, %sign3A_230 : i32
        %sign3A_232 = arith.constant 0 : i32
        %sign3A_233 = arith.cmpi sgt, %jit3A, %sign3A_232 : i32
        %sign3A_234 = arith.extui %sign3A_233 : i1 to i32
        %sign3A_235 = arith.constant 0 : i32
        %sign3A_236 = arith.cmpi slt, %jit3A, %sign3A_235 : i32
        %sign3A_237 = arith.extui %sign3A_236 : i1 to i32
        %sign3A_238 = arith.subi %sign3A_234, %sign3A_237 : i32
        %ne3A = arith.cmpi ne, %sign3A_231, %sign3A_238 : i32
        %rem3A = arith.remsi %add3A_225, %jit3A : i32
        %ne3A_239 = arith.constant 0 : i32
        %ne3A_240 = arith.cmpi ne, %rem3A, %ne3A_239 : i32
        %and3A_241 = arith.andi %ne3A, %ne3A_240 : i1
        %sub3A = arith.constant 1 : i32
        %sub3A_242 = arith.subi %div3A, %sub3A : i32
        %select_n3A = arith.select %and3A_241, %sub3A_242, %div3A : i32
        %broadcast_in_dim3A_243 = arith.constant 0 : i32
        %broadcast_in_dim3A_244 = vector.broadcast %broadcast_in_dim3A_243 : i32 to vector<16xi32>
        %parallel_loop3A = arith.constant 0 : i32
        %parallel_loop3A_245 = arith.constant 1 : i32
        %parallel_loop3A_246 = scf.for %parallel_loop3A_273 = %parallel_loop3A to %select_n3A step %parallel_loop3A_245 iter_args(%parallel_loop3A_274 = %broadcast_in_dim3A_244) -> (vector<16xi32>)  : i32 {
          %parallel_loop3A_275 = arith.constant 16 : i32
          %parallel_loop3A_276 = arith.muli %parallel_loop3A_273, %parallel_loop3A_275 : i32
          %parallel_loop3A_277 = vector.broadcast %parallel_loop3A_276 : i32 to vector<16xi32>
          %parallel_loop3A_278 = arith.addi %parallel_loop3A_277, %iota3A : vector<16xi32>
          %parallel_loop3A_279 = vector.broadcast %min3A_216 : i32 to vector<16xi32>
          %parallel_loop3A_280 = arith.cmpi slt, %parallel_loop3A_278, %parallel_loop3A_279 : vector<16xi32>
          %parallel_loop3A_281 = arith.index_cast %scan3A_201 : i32 to index
          %parallel_loop3A_282 = arith.index_cast %parallel_loop3A_276 : i32 to index
          %parallel_loop3A_283 = tpu.vector_load %arg18[%parallel_loop3A_281, %parallel_loop3A_282] {strides = array<i32>} : memref<32x368xi32, #tpu.memory_space<vmem>>, vector<16xi32>,
          %parallel_loop3A_284 = vector.broadcast %squeeze3A : i32 to vector<16xi32>
          %parallel_loop3A_285 = arith.xori %parallel_loop3A_283, %parallel_loop3A_284 : vector<16xi32>
          %parallel_loop3A_286 = arith.constant 18 : i32
          %parallel_loop3A_287 = vector.broadcast %parallel_loop3A_286 : i32 to vector<16xi32>
          %parallel_loop3A_288 = arith.shrui %parallel_loop3A_285, %parallel_loop3A_287 : vector<16xi32>
          %parallel_loop3A_289 = arith.constant 8191 : i32
          %parallel_loop3A_290 = vector.broadcast %parallel_loop3A_289 : i32 to vector<16xi32>
          %parallel_loop3A_291 = arith.andi %parallel_loop3A_288, %parallel_loop3A_290 : vector<16xi32>
          %parallel_loop3A_292 = arith.addi %broadcast_in_dim3A_223, %parallel_loop3A_291 : vector<16xi32>
          %parallel_loop3A_293 = tpu.vector_load_idx %arg12[%parallel_loop3A_292] : memref<16384xi32, #tpu.memory_space<vmem>>[vector<16xi32>], vector<16xi32>,
          %parallel_loop3A_294 = arith.addi %broadcast_in_dim3A_220, %parallel_loop3A_293 : vector<16xi32>
          %parallel_loop3A_295 = tpu.vector_load_idx %arg10[%parallel_loop3A_294] : memref<1024xi32, #tpu.memory_space<vmem>>[vector<16xi32>], vector<16xi32>,
          %parallel_loop3A_296 = arith.cmpi slt, %parallel_loop3A_295, %parallel_loop3A_285 : vector<16xi32>
          %parallel_loop3A_297 = arith.constant 1 : i32
          %parallel_loop3A_298 = arith.constant 0 : i32
          %parallel_loop3A_299 = vector.broadcast %parallel_loop3A_297 : i32 to vector<16xi32>
          %parallel_loop3A_300 = vector.broadcast %parallel_loop3A_298 : i32 to vector<16xi32>
          %parallel_loop3A_301 = arith.select %parallel_loop3A_296, %parallel_loop3A_299, %parallel_loop3A_300 : vector<16xi1>, vector<16xi32>
          %parallel_loop3A_302 = arith.addi %parallel_loop3A_293, %parallel_loop3A_301 : vector<16xi32>
          %parallel_loop3A_303 = arith.addi %broadcast_in_dim3A_220, %parallel_loop3A_302 : vector<16xi32>
          %parallel_loop3A_304 = tpu.vector_load_idx %arg10[%parallel_loop3A_303] : memref<1024xi32, #tpu.memory_space<vmem>>[vector<16xi32>], vector<16xi32>,
          %parallel_loop3A_305 = arith.cmpi slt, %parallel_loop3A_304, %parallel_loop3A_285 : vector<16xi32>
          %parallel_loop3A_306 = arith.constant 1 : i32
          %parallel_loop3A_307 = arith.constant 0 : i32
          %parallel_loop3A_308 = vector.broadcast %parallel_loop3A_306 : i32 to vector<16xi32>
          %parallel_loop3A_309 = vector.broadcast %parallel_loop3A_307 : i32 to vector<16xi32>
          %parallel_loop3A_310 = arith.select %parallel_loop3A_305, %parallel_loop3A_308, %parallel_loop3A_309 : vector<16xi1>, vector<16xi32>
          %parallel_loop3A_311 = arith.addi %parallel_loop3A_302, %parallel_loop3A_310 : vector<16xi32>
          %parallel_loop3A_312 = arith.addi %broadcast_in_dim3A_220, %parallel_loop3A_311 : vector<16xi32>
          %parallel_loop3A_313 = tpu.vector_load_idx %arg10[%parallel_loop3A_312] : memref<1024xi32, #tpu.memory_space<vmem>>[vector<16xi32>], vector<16xi32>,
          %parallel_loop3A_314 = arith.cmpi eq, %parallel_loop3A_313, %parallel_loop3A_285 : vector<16xi32>
          %parallel_loop3A_315 = arith.andi %parallel_loop3A_314, %parallel_loop3A_280 : vector<16xi1>
          tpu.vector_store_idx %arg16[%parallel_loop3A_311], %broadcast_in_dim3A_217 masked %parallel_loop3A_315 : memref<512xi32, #tpu.memory_space<vmem>>[vector<16xi32>], vector<16xi32>, vector<16xi1>
          %parallel_loop3A_316 = arith.cmpi slt, %parallel_loop3A_313, %parallel_loop3A_285 : vector<16xi32>
          %parallel_loop3A_317 = arith.andi %parallel_loop3A_280, %parallel_loop3A_316 : vector<16xi1>
          %parallel_loop3A_318 = arith.constant 1 : i32
          %parallel_loop3A_319 = arith.constant 0 : i32
          %parallel_loop3A_320 = vector.broadcast %parallel_loop3A_318 : i32 to vector<16xi32>
          %parallel_loop3A_321 = vector.broadcast %parallel_loop3A_319 : i32 to vector<16xi32>
          %parallel_loop3A_322 = arith.select %parallel_loop3A_317, %parallel_loop3A_320, %parallel_loop3A_321 : vector<16xi1>, vector<16xi32>
          %parallel_loop3A_323 = arith.ori %parallel_loop3A_274, %parallel_loop3A_322 : vector<16xi32>
          %parallel_loop3A_324 = arith.constant 2 : i32
          %parallel_loop3A_325 = arith.constant 0 : i32
          %parallel_loop3A_326 = vector.broadcast %parallel_loop3A_324 : i32 to vector<16xi32>
          %parallel_loop3A_327 = vector.broadcast %parallel_loop3A_325 : i32 to vector<16xi32>
          %parallel_loop3A_328 = arith.select %parallel_loop3A_315, %parallel_loop3A_326, %parallel_loop3A_327 : vector<16xi1>, vector<16xi32>
          %parallel_loop3A_329 = arith.ori %parallel_loop3A_323, %parallel_loop3A_328 : vector<16xi32>
          scf.yield %parallel_loop3A_329 : vector<16xi32>
        } {sc.loop_unroll_factor = 4 : i64, sc.parallel_access}
        %reduce_max3A = arith.constant true
        %reduce_max3A_247 = vector.broadcast %reduce_max3A : i1 to vector<16xi1>
        %reduce_max3A_248 = arith.constant -2147483648 : i32
        %reduce_max3A_249 = vector.broadcast %reduce_max3A_248 : i32 to vector<16xi32>
        %reduce_max3A_250 = arith.xori %parallel_loop3A_246, %reduce_max3A_249 : vector<16xi32>
        %reduce_max3A_251 = tpu.scan <max>, %reduce_max3A_250 masked %reduce_max3A_247 : vector<16xi32>, vector<16xi1> -> vector<16xi32>
        %reduce_max3A_252 = arith.xori %reduce_max3A_251, %reduce_max3A_249 : vector<16xi32>
        %reduce_max3A_253 = vector.extract %reduce_max3A_252[15] : i32 from vector<16xi32>
        %and3A_254 = arith.constant 1 : i32
        %and3A_255 = arith.andi %reduce_max3A_253, %and3A_254 : i32
        %gt3A = arith.constant 0 : i32
        %gt3A_256 = arith.cmpi sgt, %and3A_255, %gt3A : i32
        %convert_element_type3A_257 = arith.extui %gt3A_256 : i1 to i32
        %cond3A_258 = arith.constant 0 : i32
        %cond3A_259 = arith.cmpi ne, %convert_element_type3A_257, %cond3A_258 : i32
        scf.if %cond3A_259 {
          %while3A = arith.constant 0 : i32
          %while3A_273 = arith.constant 0 : i32
          %while3A_274 = arith.subi %select_n3A, %while3A : i32
          %while3A_275 = arith.addi %while3A, %while3A_274 : i32
          %while3A_276 = arith.constant 1 : i32
          %while3A_277 = arith.divsi %while3A_274, %while3A_276 : i32
          %while3A_278 = arith.muli %while3A_277, %while3A_276 : i32
          %while3A_279 = arith.addi %while3A, %while3A_278 : i32
          %while3A_280 = arith.constant 1 : i32
          %while3A_281 = scf.for %while3A_284 = %while3A to %while3A_279 step %while3A_280 iter_args(%while3A_285 = %while3A_273) -> (i32)  : i32 {
            %mul3A_286 = arith.constant 16 : i32
            %mul3A_287 = arith.muli %while3A_284, %mul3A_286 : i32
            %add3A_288 = vector.broadcast %mul3A_287 : i32 to vector<16xi32>
            %add3A_289 = arith.addi %add3A_288, %iota3A : vector<16xi32>
            %lt3A_290 = vector.broadcast %min3A_216 : i32 to vector<16xi32>
            %lt3A_291 = arith.cmpi slt, %add3A_289, %lt3A_290 : vector<16xi32>
            %get3A_292 = arith.index_cast %scan3A_201 : i32 to index
            %get3A_293 = arith.index_cast %mul3A_287 : i32 to index
            %get3A_294 = tpu.vector_load %arg18[%get3A_292, %get3A_293] {strides = array<i32>} : memref<32x368xi32, #tpu.memory_space<vmem>>, vector<16xi32>,
            %xor3A = vector.broadcast %squeeze3A : i32 to vector<16xi32>
            %xor3A_295 = arith.xori %get3A_294, %xor3A : vector<16xi32>
            %shift_right_logical3A = arith.constant 18 : i32
            %shift_right_logical3A_296 = vector.broadcast %shift_right_logical3A : i32 to vector<16xi32>
            %shift_right_logical3A_297 = arith.shrui %xor3A_295, %shift_right_logical3A_296 : vector<16xi32>
            %and3A_298 = arith.constant 8191 : i32
            %and3A_299 = vector.broadcast %and3A_298 : i32 to vector<16xi32>
            %and3A_300 = arith.andi %shift_right_logical3A_297, %and3A_299 : vector<16xi32>
            %add3A_301 = arith.addi %broadcast_in_dim3A_223, %and3A_300 : vector<16xi32>
            %gather3A = tpu.vector_load_idx %arg12[%add3A_301] : memref<16384xi32, #tpu.memory_space<vmem>>[vector<16xi32>], vector<16xi32>,
            %add3A_302 = arith.addi %broadcast_in_dim3A_220, %gather3A : vector<16xi32>
            %gather3A_303 = tpu.vector_load_idx %arg10[%add3A_302] : memref<1024xi32, #tpu.memory_space<vmem>>[vector<16xi32>], vector<16xi32>,
            %while3A_304:2 = scf.while (%while3A_307 = %gather3A, %while3A_308 = %gather3A_303) : (vector<16xi32>, vector<16xi32>) -> (vector<16xi32>, vector<16xi32>) {
              %lt3A_309 = arith.cmpi slt, %while3A_308, %xor3A_295 : vector<16xi32>
              %reduce_or3A = arith.constant 1.000000e+00 : f32
              %reduce_or3A_310 = arith.constant 0.000000e+00 : f32
              %reduce_or3A_311 = vector.broadcast %reduce_or3A : f32 to vector<16xf32>
              %reduce_or3A_312 = vector.broadcast %reduce_or3A_310 : f32 to vector<16xf32>
              %reduce_or3A_313 = arith.select %lt3A_309, %reduce_or3A_311, %reduce_or3A_312 : vector<16xi1>, vector<16xf32>
              %reduce_or3A_314 = arith.constant true
              %reduce_or3A_315 = vector.broadcast %reduce_or3A_314 : i1 to vector<16xi1>
              %reduce_or3A_316 = tpu.scan <max>, %reduce_or3A_313 masked %reduce_or3A_315 : vector<16xf32>, vector<16xi1> -> vector<16xf32>
              %reduce_or3A_317 = vector.extract %reduce_or3A_316[15] : f32 from vector<16xf32>
              %reduce_or3A_318 = arith.constant 0.000000e+00 : f32
              %reduce_or3A_319 = arith.cmpf ogt, %reduce_or3A_317, %reduce_or3A_318 : f32
              scf.condition(%reduce_or3A_319) %while3A_307, %while3A_308 : vector<16xi32>, vector<16xi32>
            } do {
            ^bb0(%while3A_307: vector<16xi32>, %while3A_308: vector<16xi32>):
              %lt3A_309 = arith.cmpi slt, %while3A_308, %xor3A_295 : vector<16xi32>
              %jit3A_310 = arith.constant 1 : i32
              %jit3A_311 = arith.constant 0 : i32
              %broadcast_in_dim3A_312 = vector.broadcast %jit3A_310 : i32 to vector<16xi32>
              %broadcast_in_dim3A_313 = vector.broadcast %jit3A_311 : i32 to vector<16xi32>
              %select_n3A_314 = arith.select %lt3A_309, %broadcast_in_dim3A_312, %broadcast_in_dim3A_313 : vector<16xi1>, vector<16xi32>
              %add3A_315 = arith.addi %while3A_307, %select_n3A_314 : vector<16xi32>
              %add3A_316 = arith.addi %broadcast_in_dim3A_220, %add3A_315 : vector<16xi32>
              %gather3A_317 = tpu.vector_load_idx %arg10[%add3A_316] : memref<1024xi32, #tpu.memory_space<vmem>>[vector<16xi32>], vector<16xi32>,
              scf.yield %add3A_315, %gather3A_317 : vector<16xi32>, vector<16xi32>
            }
            %eq3A = arith.cmpi eq, %while3A_304#1, %xor3A_295 : vector<16xi32>
            %and3A_305 = arith.andi %eq3A, %lt3A_291 : vector<16xi1>
            tpu.vector_store_idx %arg16[%while3A_304#0], %broadcast_in_dim3A_217 masked %and3A_305 : memref<512xi32, #tpu.memory_space<vmem>>[vector<16xi32>], vector<16xi32>, vector<16xi1>
            %while3A_306 = arith.constant 0 : i32
            scf.yield %while3A_306 : i32
          }
          %while3A_282 = arith.constant 1 : i32
          %while3A_283 = scf.for %while3A_284 = %while3A_279 to %while3A_275 step %while3A_282 iter_args(%while3A_285 = %while3A_281) -> (i32)  : i32 {
            %mul3A_286 = arith.constant 16 : i32
            %mul3A_287 = arith.muli %while3A_284, %mul3A_286 : i32
            %add3A_288 = vector.broadcast %mul3A_287 : i32 to vector<16xi32>
            %add3A_289 = arith.addi %add3A_288, %iota3A : vector<16xi32>
            %lt3A_290 = vector.broadcast %min3A_216 : i32 to vector<16xi32>
            %lt3A_291 = arith.cmpi slt, %add3A_289, %lt3A_290 : vector<16xi32>
            %get3A_292 = arith.index_cast %scan3A_201 : i32 to index
            %get3A_293 = arith.index_cast %mul3A_287 : i32 to index
            %get3A_294 = tpu.vector_load %arg18[%get3A_292, %get3A_293] {strides = array<i32>} : memref<32x368xi32, #tpu.memory_space<vmem>>, vector<16xi32>,
            %xor3A = vector.broadcast %squeeze3A : i32 to vector<16xi32>
            %xor3A_295 = arith.xori %get3A_294, %xor3A : vector<16xi32>
            %shift_right_logical3A = arith.constant 18 : i32
            %shift_right_logical3A_296 = vector.broadcast %shift_right_logical3A : i32 to vector<16xi32>
            %shift_right_logical3A_297 = arith.shrui %xor3A_295, %shift_right_logical3A_296 : vector<16xi32>
            %and3A_298 = arith.constant 8191 : i32
            %and3A_299 = vector.broadcast %and3A_298 : i32 to vector<16xi32>
            %and3A_300 = arith.andi %shift_right_logical3A_297, %and3A_299 : vector<16xi32>
            %add3A_301 = arith.addi %broadcast_in_dim3A_223, %and3A_300 : vector<16xi32>
            %gather3A = tpu.vector_load_idx %arg12[%add3A_301] : memref<16384xi32, #tpu.memory_space<vmem>>[vector<16xi32>], vector<16xi32>,
            %add3A_302 = arith.addi %broadcast_in_dim3A_220, %gather3A : vector<16xi32>
            %gather3A_303 = tpu.vector_load_idx %arg10[%add3A_302] : memref<1024xi32, #tpu.memory_space<vmem>>[vector<16xi32>], vector<16xi32>,
            %while3A_304:2 = scf.while (%while3A_307 = %gather3A, %while3A_308 = %gather3A_303) : (vector<16xi32>, vector<16xi32>) -> (vector<16xi32>, vector<16xi32>) {
              %lt3A_309 = arith.cmpi slt, %while3A_308, %xor3A_295 : vector<16xi32>
              %reduce_or3A = arith.constant 1.000000e+00 : f32
              %reduce_or3A_310 = arith.constant 0.000000e+00 : f32
              %reduce_or3A_311 = vector.broadcast %reduce_or3A : f32 to vector<16xf32>
              %reduce_or3A_312 = vector.broadcast %reduce_or3A_310 : f32 to vector<16xf32>
              %reduce_or3A_313 = arith.select %lt3A_309, %reduce_or3A_311, %reduce_or3A_312 : vector<16xi1>, vector<16xf32>
              %reduce_or3A_314 = arith.constant true
              %reduce_or3A_315 = vector.broadcast %reduce_or3A_314 : i1 to vector<16xi1>
              %reduce_or3A_316 = tpu.scan <max>, %reduce_or3A_313 masked %reduce_or3A_315 : vector<16xf32>, vector<16xi1> -> vector<16xf32>
              %reduce_or3A_317 = vector.extract %reduce_or3A_316[15] : f32 from vector<16xf32>
              %reduce_or3A_318 = arith.constant 0.000000e+00 : f32
              %reduce_or3A_319 = arith.cmpf ogt, %reduce_or3A_317, %reduce_or3A_318 : f32
              scf.condition(%reduce_or3A_319) %while3A_307, %while3A_308 : vector<16xi32>, vector<16xi32>
            } do {
            ^bb0(%while3A_307: vector<16xi32>, %while3A_308: vector<16xi32>):
              %lt3A_309 = arith.cmpi slt, %while3A_308, %xor3A_295 : vector<16xi32>
              %jit3A_310 = arith.constant 1 : i32
              %jit3A_311 = arith.constant 0 : i32
              %broadcast_in_dim3A_312 = vector.broadcast %jit3A_310 : i32 to vector<16xi32>
              %broadcast_in_dim3A_313 = vector.broadcast %jit3A_311 : i32 to vector<16xi32>
              %select_n3A_314 = arith.select %lt3A_309, %broadcast_in_dim3A_312, %broadcast_in_dim3A_313 : vector<16xi1>, vector<16xi32>
              %add3A_315 = arith.addi %while3A_307, %select_n3A_314 : vector<16xi32>
              %add3A_316 = arith.addi %broadcast_in_dim3A_220, %add3A_315 : vector<16xi32>
              %gather3A_317 = tpu.vector_load_idx %arg10[%add3A_316] : memref<1024xi32, #tpu.memory_space<vmem>>[vector<16xi32>], vector<16xi32>,
              scf.yield %add3A_315, %gather3A_317 : vector<16xi32>, vector<16xi32>
            }
            %eq3A = arith.cmpi eq, %while3A_304#1, %xor3A_295 : vector<16xi32>
            %and3A_305 = arith.andi %eq3A, %lt3A_291 : vector<16xi1>
            tpu.vector_store_idx %arg16[%while3A_304#0], %broadcast_in_dim3A_217 masked %and3A_305 : memref<512xi32, #tpu.memory_space<vmem>>[vector<16xi32>], vector<16xi32>, vector<16xi1>
            %while3A_306 = arith.constant 0 : i32
            scf.yield %while3A_306 : i32
          }
        } else {
        }
        %ge3A = arith.constant 2 : i32
        %ge3A_260 = arith.cmpi sge, %reduce_max3A_253, %ge3A : i32
        %or3A = arith.ori %ge3A_260, %gt3A_256 : i1
        %mul3A_261 = arith.constant 368 : i32
        %mul3A_262 = arith.muli %and3A_211, %mul3A_261 : i32
        %broadcast_in_dim3A_263 = arith.constant 0.000000e+00 : f32
        %broadcast_in_dim3A_264 = vector.broadcast %broadcast_in_dim3A_263 : f32 to vector<16xf32>
        %convert_element_type3A_265 = arith.extui %or3A : i1 to i32
        %cond3A_266 = arith.constant 0 : i32
        %cond3A_267 = arith.cmpi ne, %convert_element_type3A_265, %cond3A_266 : i32
        scf.if %cond3A_267 {
          %add3A_273 = arith.constant 0 : i32
          %add3A_274 = arith.addi %mul3A_262, %add3A_273 : i32
          %get3A_275 = arith.index_cast %add3A_274 : i32 to index
          %get3A_276 = tpu.vector_load %arg11[%get3A_275] {strides = array<i32>} : memref<736xi32, #tpu.memory_space<vmem>>, vector<16xi32>,
          %gather3A = tpu.vector_load_idx %arg16[%get3A_276] : memref<512xi32, #tpu.memory_space<vmem>>[vector<16xi32>], vector<16xi32>,
          %eq3A = arith.cmpi eq, %gather3A, %broadcast_in_dim3A_217 : vector<16xi32>
          %jit3A_277 = arith.constant 1.000000e+00 : f32
          %jit3A_278 = arith.constant 0.000000e+00 : f32
          %broadcast_in_dim3A_279 = vector.broadcast %jit3A_277 : f32 to vector<16xf32>
          %broadcast_in_dim3A_280 = vector.broadcast %jit3A_278 : f32 to vector<16xf32>
          %select_n3A_281 = arith.select %eq3A, %broadcast_in_dim3A_279, %broadcast_in_dim3A_280 : vector<16xi1>, vector<16xf32>
          %swap3A_282 = arith.index_cast %scan3A_201 : i32 to index
          %swap3A_283 = arith.constant 0 : index
          %swap3A_284 = tpu.vector_load %arg19[%swap3A_282, %swap3A_283] {strides = array<i32>} : memref<32x368xf32, #tpu.memory_space<vmem>>, vector<16xf32>,
          tpu.vector_store %arg19[%swap3A_282, %swap3A_283], %select_n3A_281 {strides = array<i32>} : memref<32x368xf32, #tpu.memory_space<vmem>>, vector<16xf32>,
          %add3A_285 = arith.constant 16 : i32
          %add3A_286 = arith.addi %mul3A_262, %add3A_285 : i32
          %get3A_287 = arith.index_cast %add3A_286 : i32 to index
          %get3A_288 = tpu.vector_load %arg11[%get3A_287] {strides = array<i32>} : memref<736xi32, #tpu.memory_space<vmem>>, vector<16xi32>,
          %gather3A_289 = tpu.vector_load_idx %arg16[%get3A_288] : memref<512xi32, #tpu.memory_space<vmem>>[vector<16xi32>], vector<16xi32>,
          %eq3A_290 = arith.cmpi eq, %gather3A_289, %broadcast_in_dim3A_217 : vector<16xi32>
          %jit3A_291 = arith.constant 1.000000e+00 : f32
          %jit3A_292 = arith.constant 0.000000e+00 : f32
          %broadcast_in_dim3A_293 = vector.broadcast %jit3A_291 : f32 to vector<16xf32>
          %broadcast_in_dim3A_294 = vector.broadcast %jit3A_292 : f32 to vector<16xf32>
          %select_n3A_295 = arith.select %eq3A_290, %broadcast_in_dim3A_293, %broadcast_in_dim3A_294 : vector<16xi1>, vector<16xf32>
          %swap3A_296 = arith.index_cast %scan3A_201 : i32 to index
          %swap3A_297 = arith.constant 16 : index
          %swap3A_298 = tpu.vector_load %arg19[%swap3A_296, %swap3A_297] {strides = array<i32>} : memref<32x368xf32, #tpu.memory_space<vmem>>, vector<16xf32>,
          tpu.vector_store %arg19[%swap3A_296, %swap3A_297], %select_n3A_295 {strides = array<i32>} : memref<32x368xf32, #tpu.memory_space<vmem>>, vector<16xf32>,
          %add3A_299 = arith.constant 32 : i32
          %add3A_300 = arith.addi %mul3A_262, %add3A_299 : i32
          %get3A_301 = arith.index_cast %add3A_300 : i32 to index
          %get3A_302 = tpu.vector_load %arg11[%get3A_301] {strides = array<i32>} : memref<736xi32, #tpu.memory_space<vmem>>, vector<16xi32>,
          %gather3A_303 = tpu.vector_load_idx %arg16[%get3A_302] : memref<512xi32, #tpu.memory_space<vmem>>[vector<16xi32>], vector<16xi32>,
          %eq3A_304 = arith.cmpi eq, %gather3A_303, %broadcast_in_dim3A_217 : vector<16xi32>
          %jit3A_305 = arith.constant 1.000000e+00 : f32
          %jit3A_306 = arith.constant 0.000000e+00 : f32
          %broadcast_in_dim3A_307 = vector.broadcast %jit3A_305 : f32 to vector<16xf32>
          %broadcast_in_dim3A_308 = vector.broadcast %jit3A_306 : f32 to vector<16xf32>
          %select_n3A_309 = arith.select %eq3A_304, %broadcast_in_dim3A_307, %broadcast_in_dim3A_308 : vector<16xi1>, vector<16xf32>
          %swap3A_310 = arith.index_cast %scan3A_201 : i32 to index
          %swap3A_311 = arith.constant 32 : index
          %swap3A_312 = tpu.vector_load %arg19[%swap3A_310, %swap3A_311] {strides = array<i32>} : memref<32x368xf32, #tpu.memory_space<vmem>>, vector<16xf32>,
          tpu.vector_store %arg19[%swap3A_310, %swap3A_311], %select_n3A_309 {strides = array<i32>} : memref<32x368xf32, #tpu.memory_space<vmem>>, vector<16xf32>,
          %add3A_313 = arith.constant 48 : i32
          %add3A_314 = arith.addi %mul3A_262, %add3A_313 : i32
          %get3A_315 = arith.index_cast %add3A_314 : i32 to index
          %get3A_316 = tpu.vector_load %arg11[%get3A_315] {strides = array<i32>} : memref<736xi32, #tpu.memory_space<vmem>>, vector<16xi32>,
          %gather3A_317 = tpu.vector_load_idx %arg16[%get3A_316] : memref<512xi32, #tpu.memory_space<vmem>>[vector<16xi32>], vector<16xi32>,
          %eq3A_318 = arith.cmpi eq, %gather3A_317, %broadcast_in_dim3A_217 : vector<16xi32>
          %jit3A_319 = arith.constant 1.000000e+00 : f32
          %jit3A_320 = arith.constant 0.000000e+00 : f32
          %broadcast_in_dim3A_321 = vector.broadcast %jit3A_319 : f32 to vector<16xf32>
          %broadcast_in_dim3A_322 = vector.broadcast %jit3A_320 : f32 to vector<16xf32>
          %select_n3A_323 = arith.select %eq3A_318, %broadcast_in_dim3A_321, %broadcast_in_dim3A_322 : vector<16xi1>, vector<16xf32>
          %swap3A_324 = arith.index_cast %scan3A_201 : i32 to index
          %swap3A_325 = arith.constant 48 : index
          %swap3A_326 = tpu.vector_load %arg19[%swap3A_324, %swap3A_325] {strides = array<i32>} : memref<32x368xf32, #tpu.memory_space<vmem>>, vector<16xf32>,
          tpu.vector_store %arg19[%swap3A_324, %swap3A_325], %select_n3A_323 {strides = array<i32>} : memref<32x368xf32, #tpu.memory_space<vmem>>, vector<16xf32>,
          %add3A_327 = arith.constant 64 : i32
          %add3A_328 = arith.addi %mul3A_262, %add3A_327 : i32
          %get3A_329 = arith.index_cast %add3A_328 : i32 to index
          %get3A_330 = tpu.vector_load %arg11[%get3A_329] {strides = array<i32>} : memref<736xi32, #tpu.memory_space<vmem>>, vector<16xi32>,
          %gather3A_331 = tpu.vector_load_idx %arg16[%get3A_330] : memref<512xi32, #tpu.memory_space<vmem>>[vector<16xi32>], vector<16xi32>,
          %eq3A_332 = arith.cmpi eq, %gather3A_331, %broadcast_in_dim3A_217 : vector<16xi32>
          %jit3A_333 = arith.constant 1.000000e+00 : f32
          %jit3A_334 = arith.constant 0.000000e+00 : f32
          %broadcast_in_dim3A_335 = vector.broadcast %jit3A_333 : f32 to vector<16xf32>
          %broadcast_in_dim3A_336 = vector.broadcast %jit3A_334 : f32 to vector<16xf32>
          %select_n3A_337 = arith.select %eq3A_332, %broadcast_in_dim3A_335, %broadcast_in_dim3A_336 : vector<16xi1>, vector<16xf32>
          %swap3A_338 = arith.index_cast %scan3A_201 : i32 to index
          %swap3A_339 = arith.constant 64 : index
          %swap3A_340 = tpu.vector_load %arg19[%swap3A_338, %swap3A_339] {strides = array<i32>} : memref<32x368xf32, #tpu.memory_space<vmem>>, vector<16xf32>,
          tpu.vector_store %arg19[%swap3A_338, %swap3A_339], %select_n3A_337 {strides = array<i32>} : memref<32x368xf32, #tpu.memory_space<vmem>>, vector<16xf32>,
          %add3A_341 = arith.constant 80 : i32
          %add3A_342 = arith.addi %mul3A_262, %add3A_341 : i32
          %get3A_343 = arith.index_cast %add3A_342 : i32 to index
          %get3A_344 = tpu.vector_load %arg11[%get3A_343] {strides = array<i32>} : memref<736xi32, #tpu.memory_space<vmem>>, vector<16xi32>,
          %gather3A_345 = tpu.vector_load_idx %arg16[%get3A_344] : memref<512xi32, #tpu.memory_space<vmem>>[vector<16xi32>], vector<16xi32>,
          %eq3A_346 = arith.cmpi eq, %gather3A_345, %broadcast_in_dim3A_217 : vector<16xi32>
          %jit3A_347 = arith.constant 1.000000e+00 : f32
          %jit3A_348 = arith.constant 0.000000e+00 : f32
          %broadcast_in_dim3A_349 = vector.broadcast %jit3A_347 : f32 to vector<16xf32>
          %broadcast_in_dim3A_350 = vector.broadcast %jit3A_348 : f32 to vector<16xf32>
          %select_n3A_351 = arith.select %eq3A_346, %broadcast_in_dim3A_349, %broadcast_in_dim3A_350 : vector<16xi1>, vector<16xf32>
          %swap3A_352 = arith.index_cast %scan3A_201 : i32 to index
          %swap3A_353 = arith.constant 80 : index
          %swap3A_354 = tpu.vector_load %arg19[%swap3A_352, %swap3A_353] {strides = array<i32>} : memref<32x368xf32, #tpu.memory_space<vmem>>, vector<16xf32>,
          tpu.vector_store %arg19[%swap3A_352, %swap3A_353], %select_n3A_351 {strides = array<i32>} : memref<32x368xf32, #tpu.memory_space<vmem>>, vector<16xf32>,
          %add3A_355 = arith.constant 96 : i32
          %add3A_356 = arith.addi %mul3A_262, %add3A_355 : i32
          %get3A_357 = arith.index_cast %add3A_356 : i32 to index
          %get3A_358 = tpu.vector_load %arg11[%get3A_357] {strides = array<i32>} : memref<736xi32, #tpu.memory_space<vmem>>, vector<16xi32>,
          %gather3A_359 = tpu.vector_load_idx %arg16[%get3A_358] : memref<512xi32, #tpu.memory_space<vmem>>[vector<16xi32>], vector<16xi32>,
          %eq3A_360 = arith.cmpi eq, %gather3A_359, %broadcast_in_dim3A_217 : vector<16xi32>
          %jit3A_361 = arith.constant 1.000000e+00 : f32
          %jit3A_362 = arith.constant 0.000000e+00 : f32
          %broadcast_in_dim3A_363 = vector.broadcast %jit3A_361 : f32 to vector<16xf32>
          %broadcast_in_dim3A_364 = vector.broadcast %jit3A_362 : f32 to vector<16xf32>
          %select_n3A_365 = arith.select %eq3A_360, %broadcast_in_dim3A_363, %broadcast_in_dim3A_364 : vector<16xi1>, vector<16xf32>
          %swap3A_366 = arith.index_cast %scan3A_201 : i32 to index
          %swap3A_367 = arith.constant 96 : index
          %swap3A_368 = tpu.vector_load %arg19[%swap3A_366, %swap3A_367] {strides = array<i32>} : memref<32x368xf32, #tpu.memory_space<vmem>>, vector<16xf32>,
          tpu.vector_store %arg19[%swap3A_366, %swap3A_367], %select_n3A_365 {strides = array<i32>} : memref<32x368xf32, #tpu.memory_space<vmem>>, vector<16xf32>,
          %add3A_369 = arith.constant 112 : i32
          %add3A_370 = arith.addi %mul3A_262, %add3A_369 : i32
          %get3A_371 = arith.index_cast %add3A_370 : i32 to index
          %get3A_372 = tpu.vector_load %arg11[%get3A_371] {strides = array<i32>} : memref<736xi32, #tpu.memory_space<vmem>>, vector<16xi32>,
          %gather3A_373 = tpu.vector_load_idx %arg16[%get3A_372] : memref<512xi32, #tpu.memory_space<vmem>>[vector<16xi32>], vector<16xi32>,
          %eq3A_374 = arith.cmpi eq, %gather3A_373, %broadcast_in_dim3A_217 : vector<16xi32>
          %jit3A_375 = arith.constant 1.000000e+00 : f32
          %jit3A_376 = arith.constant 0.000000e+00 : f32
          %broadcast_in_dim3A_377 = vector.broadcast %jit3A_375 : f32 to vector<16xf32>
          %broadcast_in_dim3A_378 = vector.broadcast %jit3A_376 : f32 to vector<16xf32>
          %select_n3A_379 = arith.select %eq3A_374, %broadcast_in_dim3A_377, %broadcast_in_dim3A_378 : vector<16xi1>, vector<16xf32>
          %swap3A_380 = arith.index_cast %scan3A_201 : i32 to index
          %swap3A_381 = arith.constant 112 : index
          %swap3A_382 = tpu.vector_load %arg19[%swap3A_380, %swap3A_381] {strides = array<i32>} : memref<32x368xf32, #tpu.memory_space<vmem>>, vector<16xf32>,
          tpu.vector_store %arg19[%swap3A_380, %swap3A_381], %select_n3A_379 {strides = array<i32>} : memref<32x368xf32, #tpu.memory_space<vmem>>, vector<16xf32>,
          %add3A_383 = arith.constant 128 : i32
          %add3A_384 = arith.addi %mul3A_262, %add3A_383 : i32
          %get3A_385 = arith.index_cast %add3A_384 : i32 to index
          %get3A_386 = tpu.vector_load %arg11[%get3A_385] {strides = array<i32>} : memref<736xi32, #tpu.memory_space<vmem>>, vector<16xi32>,
          %gather3A_387 = tpu.vector_load_idx %arg16[%get3A_386] : memref<512xi32, #tpu.memory_space<vmem>>[vector<16xi32>], vector<16xi32>,
          %eq3A_388 = arith.cmpi eq, %gather3A_387, %broadcast_in_dim3A_217 : vector<16xi32>
          %jit3A_389 = arith.constant 1.000000e+00 : f32
          %jit3A_390 = arith.constant 0.000000e+00 : f32
          %broadcast_in_dim3A_391 = vector.broadcast %jit3A_389 : f32 to vector<16xf32>
          %broadcast_in_dim3A_392 = vector.broadcast %jit3A_390 : f32 to vector<16xf32>
          %select_n3A_393 = arith.select %eq3A_388, %broadcast_in_dim3A_391, %broadcast_in_dim3A_392 : vector<16xi1>, vector<16xf32>
          %swap3A_394 = arith.index_cast %scan3A_201 : i32 to index
          %swap3A_395 = arith.constant 128 : index
          %swap3A_396 = tpu.vector_load %arg19[%swap3A_394, %swap3A_395] {strides = array<i32>} : memref<32x368xf32, #tpu.memory_space<vmem>>, vector<16xf32>,
          tpu.vector_store %arg19[%swap3A_394, %swap3A_395], %select_n3A_393 {strides = array<i32>} : memref<32x368xf32, #tpu.memory_space<vmem>>, vector<16xf32>,
          %add3A_397 = arith.constant 144 : i32
          %add3A_398 = arith.addi %mul3A_262, %add3A_397 : i32
          %get3A_399 = arith.index_cast %add3A_398 : i32 to index
          %get3A_400 = tpu.vector_load %arg11[%get3A_399] {strides = array<i32>} : memref<736xi32, #tpu.memory_space<vmem>>, vector<16xi32>,
          %gather3A_401 = tpu.vector_load_idx %arg16[%get3A_400] : memref<512xi32, #tpu.memory_space<vmem>>[vector<16xi32>], vector<16xi32>,
          %eq3A_402 = arith.cmpi eq, %gather3A_401, %broadcast_in_dim3A_217 : vector<16xi32>
          %jit3A_403 = arith.constant 1.000000e+00 : f32
          %jit3A_404 = arith.constant 0.000000e+00 : f32
          %broadcast_in_dim3A_405 = vector.broadcast %jit3A_403 : f32 to vector<16xf32>
          %broadcast_in_dim3A_406 = vector.broadcast %jit3A_404 : f32 to vector<16xf32>
          %select_n3A_407 = arith.select %eq3A_402, %broadcast_in_dim3A_405, %broadcast_in_dim3A_406 : vector<16xi1>, vector<16xf32>
          %swap3A_408 = arith.index_cast %scan3A_201 : i32 to index
          %swap3A_409 = arith.constant 144 : index
          %swap3A_410 = tpu.vector_load %arg19[%swap3A_408, %swap3A_409] {strides = array<i32>} : memref<32x368xf32, #tpu.memory_space<vmem>>, vector<16xf32>,
          tpu.vector_store %arg19[%swap3A_408, %swap3A_409], %select_n3A_407 {strides = array<i32>} : memref<32x368xf32, #tpu.memory_space<vmem>>, vector<16xf32>,
          %add3A_411 = arith.constant 160 : i32
          %add3A_412 = arith.addi %mul3A_262, %add3A_411 : i32
          %get3A_413 = arith.index_cast %add3A_412 : i32 to index
          %get3A_414 = tpu.vector_load %arg11[%get3A_413] {strides = array<i32>} : memref<736xi32, #tpu.memory_space<vmem>>, vector<16xi32>,
          %gather3A_415 = tpu.vector_load_idx %arg16[%get3A_414] : memref<512xi32, #tpu.memory_space<vmem>>[vector<16xi32>], vector<16xi32>,
          %eq3A_416 = arith.cmpi eq, %gather3A_415, %broadcast_in_dim3A_217 : vector<16xi32>
          %jit3A_417 = arith.constant 1.000000e+00 : f32
          %jit3A_418 = arith.constant 0.000000e+00 : f32
          %broadcast_in_dim3A_419 = vector.broadcast %jit3A_417 : f32 to vector<16xf32>
          %broadcast_in_dim3A_420 = vector.broadcast %jit3A_418 : f32 to vector<16xf32>
          %select_n3A_421 = arith.select %eq3A_416, %broadcast_in_dim3A_419, %broadcast_in_dim3A_420 : vector<16xi1>, vector<16xf32>
          %swap3A_422 = arith.index_cast %scan3A_201 : i32 to index
          %swap3A_423 = arith.constant 160 : index
          %swap3A_424 = tpu.vector_load %arg19[%swap3A_422, %swap3A_423] {strides = array<i32>} : memref<32x368xf32, #tpu.memory_space<vmem>>, vector<16xf32>,
          tpu.vector_store %arg19[%swap3A_422, %swap3A_423], %select_n3A_421 {strides = array<i32>} : memref<32x368xf32, #tpu.memory_space<vmem>>, vector<16xf32>,
          %add3A_425 = arith.constant 176 : i32
          %add3A_426 = arith.addi %mul3A_262, %add3A_425 : i32
          %get3A_427 = arith.index_cast %add3A_426 : i32 to index
          %get3A_428 = tpu.vector_load %arg11[%get3A_427] {strides = array<i32>} : memref<736xi32, #tpu.memory_space<vmem>>, vector<16xi32>,
          %gather3A_429 = tpu.vector_load_idx %arg16[%get3A_428] : memref<512xi32, #tpu.memory_space<vmem>>[vector<16xi32>], vector<16xi32>,
          %eq3A_430 = arith.cmpi eq, %gather3A_429, %broadcast_in_dim3A_217 : vector<16xi32>
          %jit3A_431 = arith.constant 1.000000e+00 : f32
          %jit3A_432 = arith.constant 0.000000e+00 : f32
          %broadcast_in_dim3A_433 = vector.broadcast %jit3A_431 : f32 to vector<16xf32>
          %broadcast_in_dim3A_434 = vector.broadcast %jit3A_432 : f32 to vector<16xf32>
          %select_n3A_435 = arith.select %eq3A_430, %broadcast_in_dim3A_433, %broadcast_in_dim3A_434 : vector<16xi1>, vector<16xf32>
          %swap3A_436 = arith.index_cast %scan3A_201 : i32 to index
          %swap3A_437 = arith.constant 176 : index
          %swap3A_438 = tpu.vector_load %arg19[%swap3A_436, %swap3A_437] {strides = array<i32>} : memref<32x368xf32, #tpu.memory_space<vmem>>, vector<16xf32>,
          tpu.vector_store %arg19[%swap3A_436, %swap3A_437], %select_n3A_435 {strides = array<i32>} : memref<32x368xf32, #tpu.memory_space<vmem>>, vector<16xf32>,
          %add3A_439 = arith.constant 192 : i32
          %add3A_440 = arith.addi %mul3A_262, %add3A_439 : i32
          %get3A_441 = arith.index_cast %add3A_440 : i32 to index
          %get3A_442 = tpu.vector_load %arg11[%get3A_441] {strides = array<i32>} : memref<736xi32, #tpu.memory_space<vmem>>, vector<16xi32>,
          %gather3A_443 = tpu.vector_load_idx %arg16[%get3A_442] : memref<512xi32, #tpu.memory_space<vmem>>[vector<16xi32>], vector<16xi32>,
          %eq3A_444 = arith.cmpi eq, %gather3A_443, %broadcast_in_dim3A_217 : vector<16xi32>
          %jit3A_445 = arith.constant 1.000000e+00 : f32
          %jit3A_446 = arith.constant 0.000000e+00 : f32
          %broadcast_in_dim3A_447 = vector.broadcast %jit3A_445 : f32 to vector<16xf32>
          %broadcast_in_dim3A_448 = vector.broadcast %jit3A_446 : f32 to vector<16xf32>
          %select_n3A_449 = arith.select %eq3A_444, %broadcast_in_dim3A_447, %broadcast_in_dim3A_448 : vector<16xi1>, vector<16xf32>
          %swap3A_450 = arith.index_cast %scan3A_201 : i32 to index
          %swap3A_451 = arith.constant 192 : index
          %swap3A_452 = tpu.vector_load %arg19[%swap3A_450, %swap3A_451] {strides = array<i32>} : memref<32x368xf32, #tpu.memory_space<vmem>>, vector<16xf32>,
          tpu.vector_store %arg19[%swap3A_450, %swap3A_451], %select_n3A_449 {strides = array<i32>} : memref<32x368xf32, #tpu.memory_space<vmem>>, vector<16xf32>,
          %add3A_453 = arith.constant 208 : i32
          %add3A_454 = arith.addi %mul3A_262, %add3A_453 : i32
          %get3A_455 = arith.index_cast %add3A_454 : i32 to index
          %get3A_456 = tpu.vector_load %arg11[%get3A_455] {strides = array<i32>} : memref<736xi32, #tpu.memory_space<vmem>>, vector<16xi32>,
          %gather3A_457 = tpu.vector_load_idx %arg16[%get3A_456] : memref<512xi32, #tpu.memory_space<vmem>>[vector<16xi32>], vector<16xi32>,
          %eq3A_458 = arith.cmpi eq, %gather3A_457, %broadcast_in_dim3A_217 : vector<16xi32>
          %jit3A_459 = arith.constant 1.000000e+00 : f32
          %jit3A_460 = arith.constant 0.000000e+00 : f32
          %broadcast_in_dim3A_461 = vector.broadcast %jit3A_459 : f32 to vector<16xf32>
          %broadcast_in_dim3A_462 = vector.broadcast %jit3A_460 : f32 to vector<16xf32>
          %select_n3A_463 = arith.select %eq3A_458, %broadcast_in_dim3A_461, %broadcast_in_dim3A_462 : vector<16xi1>, vector<16xf32>
          %swap3A_464 = arith.index_cast %scan3A_201 : i32 to index
          %swap3A_465 = arith.constant 208 : index
          %swap3A_466 = tpu.vector_load %arg19[%swap3A_464, %swap3A_465] {strides = array<i32>} : memref<32x368xf32, #tpu.memory_space<vmem>>, vector<16xf32>,
          tpu.vector_store %arg19[%swap3A_464, %swap3A_465], %select_n3A_463 {strides = array<i32>} : memref<32x368xf32, #tpu.memory_space<vmem>>, vector<16xf32>,
          %add3A_467 = arith.constant 224 : i32
          %add3A_468 = arith.addi %mul3A_262, %add3A_467 : i32
          %get3A_469 = arith.index_cast %add3A_468 : i32 to index
          %get3A_470 = tpu.vector_load %arg11[%get3A_469] {strides = array<i32>} : memref<736xi32, #tpu.memory_space<vmem>>, vector<16xi32>,
          %gather3A_471 = tpu.vector_load_idx %arg16[%get3A_470] : memref<512xi32, #tpu.memory_space<vmem>>[vector<16xi32>], vector<16xi32>,
          %eq3A_472 = arith.cmpi eq, %gather3A_471, %broadcast_in_dim3A_217 : vector<16xi32>
          %jit3A_473 = arith.constant 1.000000e+00 : f32
          %jit3A_474 = arith.constant 0.000000e+00 : f32
          %broadcast_in_dim3A_475 = vector.broadcast %jit3A_473 : f32 to vector<16xf32>
          %broadcast_in_dim3A_476 = vector.broadcast %jit3A_474 : f32 to vector<16xf32>
          %select_n3A_477 = arith.select %eq3A_472, %broadcast_in_dim3A_475, %broadcast_in_dim3A_476 : vector<16xi1>, vector<16xf32>
          %swap3A_478 = arith.index_cast %scan3A_201 : i32 to index
          %swap3A_479 = arith.constant 224 : index
          %swap3A_480 = tpu.vector_load %arg19[%swap3A_478, %swap3A_479] {strides = array<i32>} : memref<32x368xf32, #tpu.memory_space<vmem>>, vector<16xf32>,
          tpu.vector_store %arg19[%swap3A_478, %swap3A_479], %select_n3A_477 {strides = array<i32>} : memref<32x368xf32, #tpu.memory_space<vmem>>, vector<16xf32>,
          %add3A_481 = arith.constant 240 : i32
          %add3A_482 = arith.addi %mul3A_262, %add3A_481 : i32
          %get3A_483 = arith.index_cast %add3A_482 : i32 to index
          %get3A_484 = tpu.vector_load %arg11[%get3A_483] {strides = array<i32>} : memref<736xi32, #tpu.memory_space<vmem>>, vector<16xi32>,
          %gather3A_485 = tpu.vector_load_idx %arg16[%get3A_484] : memref<512xi32, #tpu.memory_space<vmem>>[vector<16xi32>], vector<16xi32>,
          %eq3A_486 = arith.cmpi eq, %gather3A_485, %broadcast_in_dim3A_217 : vector<16xi32>
          %jit3A_487 = arith.constant 1.000000e+00 : f32
          %jit3A_488 = arith.constant 0.000000e+00 : f32
          %broadcast_in_dim3A_489 = vector.broadcast %jit3A_487 : f32 to vector<16xf32>
          %broadcast_in_dim3A_490 = vector.broadcast %jit3A_488 : f32 to vector<16xf32>
          %select_n3A_491 = arith.select %eq3A_486, %broadcast_in_dim3A_489, %broadcast_in_dim3A_490 : vector<16xi1>, vector<16xf32>
          %swap3A_492 = arith.index_cast %scan3A_201 : i32 to index
          %swap3A_493 = arith.constant 240 : index
          %swap3A_494 = tpu.vector_load %arg19[%swap3A_492, %swap3A_493] {strides = array<i32>} : memref<32x368xf32, #tpu.memory_space<vmem>>, vector<16xf32>,
          tpu.vector_store %arg19[%swap3A_492, %swap3A_493], %select_n3A_491 {strides = array<i32>} : memref<32x368xf32, #tpu.memory_space<vmem>>, vector<16xf32>,
          %add3A_495 = arith.constant 256 : i32
          %add3A_496 = arith.addi %mul3A_262, %add3A_495 : i32
          %get3A_497 = arith.index_cast %add3A_496 : i32 to index
          %get3A_498 = tpu.vector_load %arg11[%get3A_497] {strides = array<i32>} : memref<736xi32, #tpu.memory_space<vmem>>, vector<16xi32>,
          %gather3A_499 = tpu.vector_load_idx %arg16[%get3A_498] : memref<512xi32, #tpu.memory_space<vmem>>[vector<16xi32>], vector<16xi32>,
          %eq3A_500 = arith.cmpi eq, %gather3A_499, %broadcast_in_dim3A_217 : vector<16xi32>
          %jit3A_501 = arith.constant 1.000000e+00 : f32
          %jit3A_502 = arith.constant 0.000000e+00 : f32
          %broadcast_in_dim3A_503 = vector.broadcast %jit3A_501 : f32 to vector<16xf32>
          %broadcast_in_dim3A_504 = vector.broadcast %jit3A_502 : f32 to vector<16xf32>
          %select_n3A_505 = arith.select %eq3A_500, %broadcast_in_dim3A_503, %broadcast_in_dim3A_504 : vector<16xi1>, vector<16xf32>
          %swap3A_506 = arith.index_cast %scan3A_201 : i32 to index
          %swap3A_507 = arith.constant 256 : index
          %swap3A_508 = tpu.vector_load %arg19[%swap3A_506, %swap3A_507] {strides = array<i32>} : memref<32x368xf32, #tpu.memory_space<vmem>>, vector<16xf32>,
          tpu.vector_store %arg19[%swap3A_506, %swap3A_507], %select_n3A_505 {strides = array<i32>} : memref<32x368xf32, #tpu.memory_space<vmem>>, vector<16xf32>,
          %add3A_509 = arith.constant 272 : i32
          %add3A_510 = arith.addi %mul3A_262, %add3A_509 : i32
          %get3A_511 = arith.index_cast %add3A_510 : i32 to index
          %get3A_512 = tpu.vector_load %arg11[%get3A_511] {strides = array<i32>} : memref<736xi32, #tpu.memory_space<vmem>>, vector<16xi32>,
          %gather3A_513 = tpu.vector_load_idx %arg16[%get3A_512] : memref<512xi32, #tpu.memory_space<vmem>>[vector<16xi32>], vector<16xi32>,
          %eq3A_514 = arith.cmpi eq, %gather3A_513, %broadcast_in_dim3A_217 : vector<16xi32>
          %jit3A_515 = arith.constant 1.000000e+00 : f32
          %jit3A_516 = arith.constant 0.000000e+00 : f32
          %broadcast_in_dim3A_517 = vector.broadcast %jit3A_515 : f32 to vector<16xf32>
          %broadcast_in_dim3A_518 = vector.broadcast %jit3A_516 : f32 to vector<16xf32>
          %select_n3A_519 = arith.select %eq3A_514, %broadcast_in_dim3A_517, %broadcast_in_dim3A_518 : vector<16xi1>, vector<16xf32>
          %swap3A_520 = arith.index_cast %scan3A_201 : i32 to index
          %swap3A_521 = arith.constant 272 : index
          %swap3A_522 = tpu.vector_load %arg19[%swap3A_520, %swap3A_521] {strides = array<i32>} : memref<32x368xf32, #tpu.memory_space<vmem>>, vector<16xf32>,
          tpu.vector_store %arg19[%swap3A_520, %swap3A_521], %select_n3A_519 {strides = array<i32>} : memref<32x368xf32, #tpu.memory_space<vmem>>, vector<16xf32>,
          %add3A_523 = arith.constant 288 : i32
          %add3A_524 = arith.addi %mul3A_262, %add3A_523 : i32
          %get3A_525 = arith.index_cast %add3A_524 : i32 to index
          %get3A_526 = tpu.vector_load %arg11[%get3A_525] {strides = array<i32>} : memref<736xi32, #tpu.memory_space<vmem>>, vector<16xi32>,
          %gather3A_527 = tpu.vector_load_idx %arg16[%get3A_526] : memref<512xi32, #tpu.memory_space<vmem>>[vector<16xi32>], vector<16xi32>,
          %eq3A_528 = arith.cmpi eq, %gather3A_527, %broadcast_in_dim3A_217 : vector<16xi32>
          %jit3A_529 = arith.constant 1.000000e+00 : f32
          %jit3A_530 = arith.constant 0.000000e+00 : f32
          %broadcast_in_dim3A_531 = vector.broadcast %jit3A_529 : f32 to vector<16xf32>
          %broadcast_in_dim3A_532 = vector.broadcast %jit3A_530 : f32 to vector<16xf32>
          %select_n3A_533 = arith.select %eq3A_528, %broadcast_in_dim3A_531, %broadcast_in_dim3A_532 : vector<16xi1>, vector<16xf32>
          %swap3A_534 = arith.index_cast %scan3A_201 : i32 to index
          %swap3A_535 = arith.constant 288 : index
          %swap3A_536 = tpu.vector_load %arg19[%swap3A_534, %swap3A_535] {strides = array<i32>} : memref<32x368xf32, #tpu.memory_space<vmem>>, vector<16xf32>,
          tpu.vector_store %arg19[%swap3A_534, %swap3A_535], %select_n3A_533 {strides = array<i32>} : memref<32x368xf32, #tpu.memory_space<vmem>>, vector<16xf32>,
          %add3A_537 = arith.constant 304 : i32
          %add3A_538 = arith.addi %mul3A_262, %add3A_537 : i32
          %get3A_539 = arith.index_cast %add3A_538 : i32 to index
          %get3A_540 = tpu.vector_load %arg11[%get3A_539] {strides = array<i32>} : memref<736xi32, #tpu.memory_space<vmem>>, vector<16xi32>,
          %gather3A_541 = tpu.vector_load_idx %arg16[%get3A_540] : memref<512xi32, #tpu.memory_space<vmem>>[vector<16xi32>], vector<16xi32>,
          %eq3A_542 = arith.cmpi eq, %gather3A_541, %broadcast_in_dim3A_217 : vector<16xi32>
          %jit3A_543 = arith.constant 1.000000e+00 : f32
          %jit3A_544 = arith.constant 0.000000e+00 : f32
          %broadcast_in_dim3A_545 = vector.broadcast %jit3A_543 : f32 to vector<16xf32>
          %broadcast_in_dim3A_546 = vector.broadcast %jit3A_544 : f32 to vector<16xf32>
          %select_n3A_547 = arith.select %eq3A_542, %broadcast_in_dim3A_545, %broadcast_in_dim3A_546 : vector<16xi1>, vector<16xf32>
          %swap3A_548 = arith.index_cast %scan3A_201 : i32 to index
          %swap3A_549 = arith.constant 304 : index
          %swap3A_550 = tpu.vector_load %arg19[%swap3A_548, %swap3A_549] {strides = array<i32>} : memref<32x368xf32, #tpu.memory_space<vmem>>, vector<16xf32>,
          tpu.vector_store %arg19[%swap3A_548, %swap3A_549], %select_n3A_547 {strides = array<i32>} : memref<32x368xf32, #tpu.memory_space<vmem>>, vector<16xf32>,
          %add3A_551 = arith.constant 320 : i32
          %add3A_552 = arith.addi %mul3A_262, %add3A_551 : i32
          %get3A_553 = arith.index_cast %add3A_552 : i32 to index
          %get3A_554 = tpu.vector_load %arg11[%get3A_553] {strides = array<i32>} : memref<736xi32, #tpu.memory_space<vmem>>, vector<16xi32>,
          %gather3A_555 = tpu.vector_load_idx %arg16[%get3A_554] : memref<512xi32, #tpu.memory_space<vmem>>[vector<16xi32>], vector<16xi32>,
          %eq3A_556 = arith.cmpi eq, %gather3A_555, %broadcast_in_dim3A_217 : vector<16xi32>
          %jit3A_557 = arith.constant 1.000000e+00 : f32
          %jit3A_558 = arith.constant 0.000000e+00 : f32
          %broadcast_in_dim3A_559 = vector.broadcast %jit3A_557 : f32 to vector<16xf32>
          %broadcast_in_dim3A_560 = vector.broadcast %jit3A_558 : f32 to vector<16xf32>
          %select_n3A_561 = arith.select %eq3A_556, %broadcast_in_dim3A_559, %broadcast_in_dim3A_560 : vector<16xi1>, vector<16xf32>
          %swap3A_562 = arith.index_cast %scan3A_201 : i32 to index
          %swap3A_563 = arith.constant 320 : index
          %swap3A_564 = tpu.vector_load %arg19[%swap3A_562, %swap3A_563] {strides = array<i32>} : memref<32x368xf32, #tpu.memory_space<vmem>>, vector<16xf32>,
          tpu.vector_store %arg19[%swap3A_562, %swap3A_563], %select_n3A_561 {strides = array<i32>} : memref<32x368xf32, #tpu.memory_space<vmem>>, vector<16xf32>,
          %add3A_565 = arith.constant 336 : i32
          %add3A_566 = arith.addi %mul3A_262, %add3A_565 : i32
          %get3A_567 = arith.index_cast %add3A_566 : i32 to index
          %get3A_568 = tpu.vector_load %arg11[%get3A_567] {strides = array<i32>} : memref<736xi32, #tpu.memory_space<vmem>>, vector<16xi32>,
          %gather3A_569 = tpu.vector_load_idx %arg16[%get3A_568] : memref<512xi32, #tpu.memory_space<vmem>>[vector<16xi32>], vector<16xi32>,
          %eq3A_570 = arith.cmpi eq, %gather3A_569, %broadcast_in_dim3A_217 : vector<16xi32>
          %jit3A_571 = arith.constant 1.000000e+00 : f32
          %jit3A_572 = arith.constant 0.000000e+00 : f32
          %broadcast_in_dim3A_573 = vector.broadcast %jit3A_571 : f32 to vector<16xf32>
          %broadcast_in_dim3A_574 = vector.broadcast %jit3A_572 : f32 to vector<16xf32>
          %select_n3A_575 = arith.select %eq3A_570, %broadcast_in_dim3A_573, %broadcast_in_dim3A_574 : vector<16xi1>, vector<16xf32>
          %swap3A_576 = arith.index_cast %scan3A_201 : i32 to index
          %swap3A_577 = arith.constant 336 : index
          %swap3A_578 = tpu.vector_load %arg19[%swap3A_576, %swap3A_577] {strides = array<i32>} : memref<32x368xf32, #tpu.memory_space<vmem>>, vector<16xf32>,
          tpu.vector_store %arg19[%swap3A_576, %swap3A_577], %select_n3A_575 {strides = array<i32>} : memref<32x368xf32, #tpu.memory_space<vmem>>, vector<16xf32>,
          %add3A_579 = arith.constant 352 : i32
          %add3A_580 = arith.addi %mul3A_262, %add3A_579 : i32
          %get3A_581 = arith.index_cast %add3A_580 : i32 to index
          %get3A_582 = tpu.vector_load %arg11[%get3A_581] {strides = array<i32>} : memref<736xi32, #tpu.memory_space<vmem>>, vector<16xi32>,
          %gather3A_583 = tpu.vector_load_idx %arg16[%get3A_582] : memref<512xi32, #tpu.memory_space<vmem>>[vector<16xi32>], vector<16xi32>,
          %eq3A_584 = arith.cmpi eq, %gather3A_583, %broadcast_in_dim3A_217 : vector<16xi32>
          %jit3A_585 = arith.constant 1.000000e+00 : f32
          %jit3A_586 = arith.constant 0.000000e+00 : f32
          %broadcast_in_dim3A_587 = vector.broadcast %jit3A_585 : f32 to vector<16xf32>
          %broadcast_in_dim3A_588 = vector.broadcast %jit3A_586 : f32 to vector<16xf32>
          %select_n3A_589 = arith.select %eq3A_584, %broadcast_in_dim3A_587, %broadcast_in_dim3A_588 : vector<16xi1>, vector<16xf32>
          %swap3A_590 = arith.index_cast %scan3A_201 : i32 to index
          %swap3A_591 = arith.constant 352 : index
          %swap3A_592 = tpu.vector_load %arg19[%swap3A_590, %swap3A_591] {strides = array<i32>} : memref<32x368xf32, #tpu.memory_space<vmem>>, vector<16xf32>,
          tpu.vector_store %arg19[%swap3A_590, %swap3A_591], %select_n3A_589 {strides = array<i32>} : memref<32x368xf32, #tpu.memory_space<vmem>>, vector<16xf32>,
        } else {
        }
        %not3A = arith.constant true
        %not3A_268 = arith.xori %or3A, %not3A : i1
        %convert_element_type3A_269 = arith.extui %not3A_268 : i1 to i32
        %cond3A_270 = arith.constant 0 : i32
        %cond3A_271 = arith.cmpi ne, %convert_element_type3A_269, %cond3A_270 : i32
        scf.if %cond3A_271 {
          %swap3A_273 = arith.index_cast %scan3A_201 : i32 to index
          %swap3A_274 = arith.constant 0 : index
          %swap3A_275 = tpu.vector_load %arg19[%swap3A_273, %swap3A_274] {strides = array<i32>} : memref<32x368xf32, #tpu.memory_space<vmem>>, vector<16xf32>,
          tpu.vector_store %arg19[%swap3A_273, %swap3A_274], %broadcast_in_dim3A_264 {strides = array<i32>} : memref<32x368xf32, #tpu.memory_space<vmem>>, vector<16xf32>,
          %swap3A_276 = arith.index_cast %scan3A_201 : i32 to index
          %swap3A_277 = arith.constant 16 : index
          %swap3A_278 = tpu.vector_load %arg19[%swap3A_276, %swap3A_277] {strides = array<i32>} : memref<32x368xf32, #tpu.memory_space<vmem>>, vector<16xf32>,
          tpu.vector_store %arg19[%swap3A_276, %swap3A_277], %broadcast_in_dim3A_264 {strides = array<i32>} : memref<32x368xf32, #tpu.memory_space<vmem>>, vector<16xf32>,
          %swap3A_279 = arith.index_cast %scan3A_201 : i32 to index
          %swap3A_280 = arith.constant 32 : index
          %swap3A_281 = tpu.vector_load %arg19[%swap3A_279, %swap3A_280] {strides = array<i32>} : memref<32x368xf32, #tpu.memory_space<vmem>>, vector<16xf32>,
          tpu.vector_store %arg19[%swap3A_279, %swap3A_280], %broadcast_in_dim3A_264 {strides = array<i32>} : memref<32x368xf32, #tpu.memory_space<vmem>>, vector<16xf32>,
          %swap3A_282 = arith.index_cast %scan3A_201 : i32 to index
          %swap3A_283 = arith.constant 48 : index
          %swap3A_284 = tpu.vector_load %arg19[%swap3A_282, %swap3A_283] {strides = array<i32>} : memref<32x368xf32, #tpu.memory_space<vmem>>, vector<16xf32>,
          tpu.vector_store %arg19[%swap3A_282, %swap3A_283], %broadcast_in_dim3A_264 {strides = array<i32>} : memref<32x368xf32, #tpu.memory_space<vmem>>, vector<16xf32>,
          %swap3A_285 = arith.index_cast %scan3A_201 : i32 to index
          %swap3A_286 = arith.constant 64 : index
          %swap3A_287 = tpu.vector_load %arg19[%swap3A_285, %swap3A_286] {strides = array<i32>} : memref<32x368xf32, #tpu.memory_space<vmem>>, vector<16xf32>,
          tpu.vector_store %arg19[%swap3A_285, %swap3A_286], %broadcast_in_dim3A_264 {strides = array<i32>} : memref<32x368xf32, #tpu.memory_space<vmem>>, vector<16xf32>,
          %swap3A_288 = arith.index_cast %scan3A_201 : i32 to index
          %swap3A_289 = arith.constant 80 : index
          %swap3A_290 = tpu.vector_load %arg19[%swap3A_288, %swap3A_289] {strides = array<i32>} : memref<32x368xf32, #tpu.memory_space<vmem>>, vector<16xf32>,
          tpu.vector_store %arg19[%swap3A_288, %swap3A_289], %broadcast_in_dim3A_264 {strides = array<i32>} : memref<32x368xf32, #tpu.memory_space<vmem>>, vector<16xf32>,
          %swap3A_291 = arith.index_cast %scan3A_201 : i32 to index
          %swap3A_292 = arith.constant 96 : index
          %swap3A_293 = tpu.vector_load %arg19[%swap3A_291, %swap3A_292] {strides = array<i32>} : memref<32x368xf32, #tpu.memory_space<vmem>>, vector<16xf32>,
          tpu.vector_store %arg19[%swap3A_291, %swap3A_292], %broadcast_in_dim3A_264 {strides = array<i32>} : memref<32x368xf32, #tpu.memory_space<vmem>>, vector<16xf32>,
          %swap3A_294 = arith.index_cast %scan3A_201 : i32 to index
          %swap3A_295 = arith.constant 112 : index
          %swap3A_296 = tpu.vector_load %arg19[%swap3A_294, %swap3A_295] {strides = array<i32>} : memref<32x368xf32, #tpu.memory_space<vmem>>, vector<16xf32>,
          tpu.vector_store %arg19[%swap3A_294, %swap3A_295], %broadcast_in_dim3A_264 {strides = array<i32>} : memref<32x368xf32, #tpu.memory_space<vmem>>, vector<16xf32>,
          %swap3A_297 = arith.index_cast %scan3A_201 : i32 to index
          %swap3A_298 = arith.constant 128 : index
          %swap3A_299 = tpu.vector_load %arg19[%swap3A_297, %swap3A_298] {strides = array<i32>} : memref<32x368xf32, #tpu.memory_space<vmem>>, vector<16xf32>,
          tpu.vector_store %arg19[%swap3A_297, %swap3A_298], %broadcast_in_dim3A_264 {strides = array<i32>} : memref<32x368xf32, #tpu.memory_space<vmem>>, vector<16xf32>,
          %swap3A_300 = arith.index_cast %scan3A_201 : i32 to index
          %swap3A_301 = arith.constant 144 : index
          %swap3A_302 = tpu.vector_load %arg19[%swap3A_300, %swap3A_301] {strides = array<i32>} : memref<32x368xf32, #tpu.memory_space<vmem>>, vector<16xf32>,
          tpu.vector_store %arg19[%swap3A_300, %swap3A_301], %broadcast_in_dim3A_264 {strides = array<i32>} : memref<32x368xf32, #tpu.memory_space<vmem>>, vector<16xf32>,
          %swap3A_303 = arith.index_cast %scan3A_201 : i32 to index
          %swap3A_304 = arith.constant 160 : index
          %swap3A_305 = tpu.vector_load %arg19[%swap3A_303, %swap3A_304] {strides = array<i32>} : memref<32x368xf32, #tpu.memory_space<vmem>>, vector<16xf32>,
          tpu.vector_store %arg19[%swap3A_303, %swap3A_304], %broadcast_in_dim3A_264 {strides = array<i32>} : memref<32x368xf32, #tpu.memory_space<vmem>>, vector<16xf32>,
          %swap3A_306 = arith.index_cast %scan3A_201 : i32 to index
          %swap3A_307 = arith.constant 176 : index
          %swap3A_308 = tpu.vector_load %arg19[%swap3A_306, %swap3A_307] {strides = array<i32>} : memref<32x368xf32, #tpu.memory_space<vmem>>, vector<16xf32>,
          tpu.vector_store %arg19[%swap3A_306, %swap3A_307], %broadcast_in_dim3A_264 {strides = array<i32>} : memref<32x368xf32, #tpu.memory_space<vmem>>, vector<16xf32>,
          %swap3A_309 = arith.index_cast %scan3A_201 : i32 to index
          %swap3A_310 = arith.constant 192 : index
          %swap3A_311 = tpu.vector_load %arg19[%swap3A_309, %swap3A_310] {strides = array<i32>} : memref<32x368xf32, #tpu.memory_space<vmem>>, vector<16xf32>,
          tpu.vector_store %arg19[%swap3A_309, %swap3A_310], %broadcast_in_dim3A_264 {strides = array<i32>} : memref<32x368xf32, #tpu.memory_space<vmem>>, vector<16xf32>,
          %swap3A_312 = arith.index_cast %scan3A_201 : i32 to index
          %swap3A_313 = arith.constant 208 : index
          %swap3A_314 = tpu.vector_load %arg19[%swap3A_312, %swap3A_313] {strides = array<i32>} : memref<32x368xf32, #tpu.memory_space<vmem>>, vector<16xf32>,
          tpu.vector_store %arg19[%swap3A_312, %swap3A_313], %broadcast_in_dim3A_264 {strides = array<i32>} : memref<32x368xf32, #tpu.memory_space<vmem>>, vector<16xf32>,
          %swap3A_315 = arith.index_cast %scan3A_201 : i32 to index
          %swap3A_316 = arith.constant 224 : index
          %swap3A_317 = tpu.vector_load %arg19[%swap3A_315, %swap3A_316] {strides = array<i32>} : memref<32x368xf32, #tpu.memory_space<vmem>>, vector<16xf32>,
          tpu.vector_store %arg19[%swap3A_315, %swap3A_316], %broadcast_in_dim3A_264 {strides = array<i32>} : memref<32x368xf32, #tpu.memory_space<vmem>>, vector<16xf32>,
          %swap3A_318 = arith.index_cast %scan3A_201 : i32 to index
          %swap3A_319 = arith.constant 240 : index
          %swap3A_320 = tpu.vector_load %arg19[%swap3A_318, %swap3A_319] {strides = array<i32>} : memref<32x368xf32, #tpu.memory_space<vmem>>, vector<16xf32>,
          tpu.vector_store %arg19[%swap3A_318, %swap3A_319], %broadcast_in_dim3A_264 {strides = array<i32>} : memref<32x368xf32, #tpu.memory_space<vmem>>, vector<16xf32>,
          %swap3A_321 = arith.index_cast %scan3A_201 : i32 to index
          %swap3A_322 = arith.constant 256 : index
          %swap3A_323 = tpu.vector_load %arg19[%swap3A_321, %swap3A_322] {strides = array<i32>} : memref<32x368xf32, #tpu.memory_space<vmem>>, vector<16xf32>,
          tpu.vector_store %arg19[%swap3A_321, %swap3A_322], %broadcast_in_dim3A_264 {strides = array<i32>} : memref<32x368xf32, #tpu.memory_space<vmem>>, vector<16xf32>,
          %swap3A_324 = arith.index_cast %scan3A_201 : i32 to index
          %swap3A_325 = arith.constant 272 : index
          %swap3A_326 = tpu.vector_load %arg19[%swap3A_324, %swap3A_325] {strides = array<i32>} : memref<32x368xf32, #tpu.memory_space<vmem>>, vector<16xf32>,
          tpu.vector_store %arg19[%swap3A_324, %swap3A_325], %broadcast_in_dim3A_264 {strides = array<i32>} : memref<32x368xf32, #tpu.memory_space<vmem>>, vector<16xf32>,
          %swap3A_327 = arith.index_cast %scan3A_201 : i32 to index
          %swap3A_328 = arith.constant 288 : index
          %swap3A_329 = tpu.vector_load %arg19[%swap3A_327, %swap3A_328] {strides = array<i32>} : memref<32x368xf32, #tpu.memory_space<vmem>>, vector<16xf32>,
          tpu.vector_store %arg19[%swap3A_327, %swap3A_328], %broadcast_in_dim3A_264 {strides = array<i32>} : memref<32x368xf32, #tpu.memory_space<vmem>>, vector<16xf32>,
          %swap3A_330 = arith.index_cast %scan3A_201 : i32 to index
          %swap3A_331 = arith.constant 304 : index
          %swap3A_332 = tpu.vector_load %arg19[%swap3A_330, %swap3A_331] {strides = array<i32>} : memref<32x368xf32, #tpu.memory_space<vmem>>, vector<16xf32>,
          tpu.vector_store %arg19[%swap3A_330, %swap3A_331], %broadcast_in_dim3A_264 {strides = array<i32>} : memref<32x368xf32, #tpu.memory_space<vmem>>, vector<16xf32>,
          %swap3A_333 = arith.index_cast %scan3A_201 : i32 to index
          %swap3A_334 = arith.constant 320 : index
          %swap3A_335 = tpu.vector_load %arg19[%swap3A_333, %swap3A_334] {strides = array<i32>} : memref<32x368xf32, #tpu.memory_space<vmem>>, vector<16xf32>,
          tpu.vector_store %arg19[%swap3A_333, %swap3A_334], %broadcast_in_dim3A_264 {strides = array<i32>} : memref<32x368xf32, #tpu.memory_space<vmem>>, vector<16xf32>,
          %swap3A_336 = arith.index_cast %scan3A_201 : i32 to index
          %swap3A_337 = arith.constant 336 : index
          %swap3A_338 = tpu.vector_load %arg19[%swap3A_336, %swap3A_337] {strides = array<i32>} : memref<32x368xf32, #tpu.memory_space<vmem>>, vector<16xf32>,
          tpu.vector_store %arg19[%swap3A_336, %swap3A_337], %broadcast_in_dim3A_264 {strides = array<i32>} : memref<32x368xf32, #tpu.memory_space<vmem>>, vector<16xf32>,
          %swap3A_339 = arith.index_cast %scan3A_201 : i32 to index
          %swap3A_340 = arith.constant 352 : index
          %swap3A_341 = tpu.vector_load %arg19[%swap3A_339, %swap3A_340] {strides = array<i32>} : memref<32x368xf32, #tpu.memory_space<vmem>>, vector<16xf32>,
          tpu.vector_store %arg19[%swap3A_339, %swap3A_340], %broadcast_in_dim3A_264 {strides = array<i32>} : memref<32x368xf32, #tpu.memory_space<vmem>>, vector<16xf32>,
        } else {
        }
        %scan3A_272 = arith.constant 0 : i32
        scf.yield %scan3A_272 : i32
      }
      %scan3A_189 = arith.constant 32 : i32
      %add3A_190 = arith.constant 2 : i32
      %add3A_191 = arith.addi %add3A_175, %add3A_190 : i32
      %lt3A_192 = arith.constant 16 : i32
      %lt3A_193 = arith.cmpi slt, %add3A_191, %lt3A_192 : i32
      %convert_element_type3A_194 = arith.extui %lt3A_193 : i1 to i32
      %cond3A_195 = arith.constant 0 : i32
      %cond3A_196 = arith.cmpi ne, %convert_element_type3A_194, %cond3A_195 : i32
      scf.if %cond3A_196 {
        %add3A_201 = arith.constant 2 : i32
        %add3A_202 = arith.addi %add3A_175, %add3A_201 : i32
        %mul3A_203 = arith.constant 32 : i32
        %mul3A_204 = arith.muli %add3A_202, %mul3A_203 : i32
        %add3A_205 = arith.addi %mul3A_2, %mul3A_204 : i32
        %dma_start3A_206 = arith.constant 0 : i32
        %dma_start3A_207 = tpu.memref_slice %arg2[%add3A_205, %dma_start3A_206] : memref<16384x368xi32, #tpu.memory_space<hbm>> -> memref<32x368xi32, #tpu.memory_space<hbm>>
        %dma_start3A_208 = arith.constant 0 : i32
        %dma_start3A_209 = tpu.memref_slice %arg2[%add3A_205, %dma_start3A_208] : memref<16384x368xi32, #tpu.memory_space<hbm>> -> memref<32x368xi32, #tpu.memory_space<hbm>>
        tpu.enqueue_dma source(%dma_start3A_209 : memref<32x368xi32, #tpu.memory_space<hbm>>) target(%arg18 : memref<32x368xi32, #tpu.memory_space<vmem>>) target_semaphore(%arg21 : memref<!tpu.dma_semaphore, #tpu.memory_space<semaphore_mem>>)
      } else {
      }
      %mul3A_197 = arith.constant 32 : i32
      %mul3A_198 = arith.muli %add3A_175, %mul3A_197 : i32
      %add3A_199 = arith.addi %mul3A_2, %mul3A_198 : i32
      "tpu.region"() ({
        %run_scoped3A = tpu.sem_alloc : memref<!tpu.dma_semaphore, #tpu.memory_space<semaphore_mem>>
        %dma_start3A_201 = arith.constant 0 : i32
        %dma_start3A_202 = tpu.memref_slice %arg9[%add3A_199, %dma_start3A_201] : memref<16384x368xf32, #tpu.memory_space<hbm>> -> memref<32x368xf32, #tpu.memory_space<hbm>>
        %dma_start3A_203 = arith.constant 0 : i32
        %dma_start3A_204 = tpu.memref_slice %arg9[%add3A_199, %dma_start3A_203] : memref<16384x368xf32, #tpu.memory_space<hbm>> -> memref<32x368xf32, #tpu.memory_space<hbm>>
        tpu.enqueue_dma source(%arg19 : memref<32x368xf32, #tpu.memory_space<vmem>>) target(%dma_start3A_204 : memref<32x368xf32, #tpu.memory_space<hbm>>) target_semaphore(%run_scoped3A : memref<!tpu.dma_semaphore, #tpu.memory_space<semaphore_mem>>)
        %dma_wait3A_205 = arith.constant 0 : i32
        %dma_wait3A_206 = tpu.memref_slice %arg9[%add3A_199, %dma_wait3A_205] : memref<16384x368xf32, #tpu.memory_space<hbm>> -> memref<32x368xf32, #tpu.memory_space<hbm>>
        %dma_wait3A_207 = arith.constant 0 : i32
        %dma_wait3A_208 = tpu.memref_slice %arg9[%add3A_199, %dma_wait3A_207] : memref<16384x368xf32, #tpu.memory_space<hbm>> -> memref<32x368xf32, #tpu.memory_space<hbm>>
        tpu.wait_dma2 semaphore(%run_scoped3A : memref<!tpu.dma_semaphore, #tpu.memory_space<semaphore_mem>>) src(%arg19 : memref<32x368xf32, #tpu.memory_space<vmem>>) dst(%dma_wait3A_208 : memref<32x368xf32, #tpu.memory_space<hbm>>)
        tpu.yield
      }) : () -> ()
      %scan3A_200 = arith.constant 0 : i32
      scf.yield %scan3A_200 : i32
    }
    %scan3A_145 = arith.constant 8 : i32
    return
  }
}

</mosaic_0001>

<sc_bundles>
// kernel: kernel.3.cloned.1.call-start
scs
__scs_entry_jumppad:
0x0: {  	(pc) =	sbr.rel $0x88, $3  }
0x1: {  	(tag) =	ssettag $0x0;
	lr =	simm.s32 $0x1  }
0x2: {  	[smem:$0x3F9B] =	sst lr;
	_ =	strace $0xD0000000  }
0x3: {  	_ = 	snop  }
0x4: {  	_ = 	snop  }
0x5: {  	_ = 	snop  }
0x6: {  	_ = 	snop  }
0x7: {  	_ = 	snop  }
__scs_overlays_trampoline_lowered:
0x8: {  	[smem:$0x3FAA] =	sst s0  }
0x9: {  	[smem:$0x3FAB] =	sst s1  }
0xa: {  	[smem:$0x3FAC] =	sst s2  }
0xb: {  	[smem:$0x3FAD] =	sst s3  }
0xc: {  	[smem:$0x3FAE] =	sst s4  }
0xd: {  	[smem:$0x3FAF] =	sst s5  }
0xe: {  	[smem:$0x3FB0] =	sst s6  }
0xf: {  	[smem:$0x3FB1] =	sst s7  }
0x10: {  	[smem:$0x3FB2] =	sst s8  }
0x11: {  	[smem:$0x3FB3] =	sst s9;
	s0 =	simm.s32 @!p0 $0x0  }
0x12: {  	s1 =	sld [smem:$0x3F99];
	s0 =	simm.s32 @p0 $0x1  }
0x13: {  	[smem:$0x3FB4] =	sst s0;
	s0 =	simm.s32 @!p1 $0x0  }
0x14: {  	s2 =	sld [smem:$0x3F98];
	s0 =	simm.s32 @p1 $0x1  }
0x15: {  	[smem:$0x3FB5] =	sst s0;
	s0 =	simm.s32 @!p2 $0x0  }
0x16: {  	s3 =	sld [smem:$0x3FDB];
	s0 =	simm.s32 @p2 $0x1  }
0x17: {  	s4 =	simm.s32 $0x1BF5;
	[smem:$0x3FB7] =	sst s0  }
0x18: {  	s0 =	sld [smem:$0x3F9A];
	_ =	swait.ge [sflag:s4], $0x0  }
0x19: {  	s7 =	sld [smem:$0x3F9B]  }
0x1a: {  	s8 =	sadd.s32 $0xFFFFE003, lr  }
0x1b: {  	s9 =	sadd.s32 $0xFFFFFEF7, lr;
	s5 =	simm.s32 $0xFFFFFFFF;
	p2 =	slt.u32 s8, $0xFFFFF086  }
0x1c: {  	p1 =	slt.u32 s9, $0xF7A;
	s5 =	simm.s32 @!p2 $0x0  }
0x1d: {  	s5 =	simm.s32 @p1 $0x1;
	p0 =	seq.s32 s7, s2  }
0x1e: {  	s7 =	smul.u32 @!p0 $0xF7A, s2;
	p2 =	seq.s32 @!p0 s5, $0x0  }
0x1f: {  	s9 =	smul.u32 $0xF7A, s1;
	s8 =	simm.s32 @!p0 $0x1BF5;
	p2 =	por !p2, p0  }
0x20: {  	[sflag:s8] =	ssyncset.s32 @!p0 $0xFFFFF086;
	s6 =	sadd.s32 @!p0 s3, s7;
	s7 =	simm.s32 @!p0 $0x108  }
0x21: {  	s3 =	sadd.s32 s3, s9;
	s6 =	sadd.s32 @!p0 $0x88, s6;
	s7 =	simm.s32 @p2 $0x1082  }
0x22: {  	[simem:s7], [sflag:s8] =	dma.local @!p0 [hbm:s6], $0xF7A  }
0x23: {  	s9 =	sor.u32 $0xD0000000, s2;
	s6 =	simm.s32 $0x108;
	_ =	swait.ge @!p0 [sflag:s8], $0x0  }
0x24: {  	s3 =	sadd.s32 $0x88, s3;
	s6 =	simm.s32 @!p1 $0x1082;
	[sflag:s4] =	ssyncset.s32 $0xFFFFF086  }
0x25: {  	[simem:s6], [sflag:s4] =	dma.local [hbm:s3], $0xF7A  }
0x26: {  	[smem:$0x3F9B] =	sst s1;
	(tag) =	ssettag s2;
	_ =	strace s9  }
0x27: {  	s1 =	sld [smem:$0x3FAB]  }
0x28: {  	s2 =	sld [smem:$0x3FAC]  }
0x29: {  	s4 =	sld [smem:$0x3FAE]  }
0x2a: {  	p0 =	seq.s32 s5, $0x0;
	s5 =	sld [smem:$0x3FAF]  }
0x2b: {  	s6 =	sld [smem:$0x3FB0]  }
0x2c: {  	s7 =	sld [smem:$0x3FB1]  }
0x2d: {  	s3 =	simm.s32 $0x108;
	s8 =	sld [smem:$0x3FB2]  }
0x2e: {  	s3 =	simm.s32 @!p0 $0x1082;
	s9 =	sld [smem:$0x3FB3]  }
0x2f: {  	lr =	sadd.s32 s0, s3;
	s0 =	sld [smem:$0x3FAA]  }
0x30: {  	s3 =	sld [smem:$0x3FAD]  }
0x31: {  	[smem:$0x3FB6] =	sst s10  }
0x32: {  	s10 =	sld [smem:$0x3FB4];
	_ =	sdelay $0x3  }
0x33: {  	p0 =	seq.s32 s10, $0x1;
	s10 =	sld [smem:$0x3FB6];
	_ =	sdelay $0x3  }
0x34: {  	[smem:$0x3FB6] =	sst s10  }
0x35: {  	s10 =	sld [smem:$0x3FB5];
	_ =	sdelay $0x3  }
0x36: {  	p1 =	seq.s32 s10, $0x1;
	s10 =	sld [smem:$0x3FB6];
	_ =	sdelay $0x3  }
0x37: {  	[smem:$0x3FB6] =	sst s10  }
0x38: {  	s10 =	sld [smem:$0x3FB7]  }
0x39: {  	_ = 	snop;
	(pc) =	sbr.ind lr, $3  }
0x3a: {  	_ = 	snop  }
0x3b: {  	_ = 	snop  }
0x3c: {  	p2 =	seq.s32 s10, $0x1;
	s10 =	sld [smem:$0x3FB6]  }
0x3d: {  	_ =	shalt  }
0x3e: {  	_ =	shalt  }
0x3f: {  	_ =	shalt  }
0x40: {  	_ =	shalt  }
0x41: {  	_ =	shalt  }
0x42: {  	_ =	shalt  }
0x43: {  	_ =	shalt  }
0x44: {  	_ =	shalt  }
0x45: {  	_ =	shalt  }
0x46: {  	_ =	shalt  }
0x47: {  	_ =	shalt  }
0x48: {  	_ =	shalt  }
0x49: {  	_ =	shalt  }
0x4a: {  	_ =	shalt  }
0x4b: {  	_ =	shalt  }
0x4c: {  	_ =	shalt  }
0x4d: {  	_ =	shalt  }
0x4e: {  	_ =	shalt  }
0x4f: {  	_ =	shalt  }
0x50: {  	_ =	shalt  }
0x51: {  	_ =	shalt  }
0x52: {  	_ =	shalt  }
0x53: {  	_ =	shalt  }
0x54: {  	_ =	shalt  }
0x55: {  	_ =	shalt  }
0x56: {  	_ =	shalt  }
0x57: {  	_ =	shalt  }
0x58: {  	_ =	shalt  }
0x59: {  	_ =	shalt  }
0x5a: {  	_ =	shalt  }
0x5b: {  	_ =	shalt  }
0x5c: {  	_ =	shalt  }
0x5d: {  	_ =	shalt  }
0x5e: {  	_ =	shalt  }
0x5f: {  	_ =	shalt  }
0x60: {  	_ =	shalt  }
0x61: {  	_ =	shalt  }
0x62: {  	_ =	shalt  }
0x63: {  	_ =	shalt  }
0x64: {  	_ =	shalt  }
0x65: {  	_ =	shalt  }
0x66: {  	_ =	shalt  }
0x67: {  	_ =	shalt  }
0x68: {  	_ =	shalt  }
0x69: {  	_ =	shalt  }
0x6a: {  	_ =	shalt  }
0x6b: {  	_ =	shalt  }
0x6c: {  	_ =	shalt  }
0x6d: {  	_ =	shalt  }
0x6e: {  	_ =	shalt  }
0x6f: {  	_ =	shalt  }
0x70: {  	_ =	shalt  }
0x71: {  	_ =	shalt  }
0x72: {  	_ =	shalt  }
0x73: {  	_ =	shalt  }
0x74: {  	_ =	shalt  }
0x75: {  	_ =	shalt  }
0x76: {  	_ =	shalt  }
0x77: {  	_ =	shalt  }
0x78: {  	_ =	shalt  }
0x79: {  	_ =	shalt  }
0x7a: {  	_ =	shalt  }
0x7b: {  	_ =	shalt  }
0x7c: {  	_ =	shalt  }
0x7d: {  	_ =	shalt  }
0x7e: {  	_ =	shalt  }
0x7f: {  	_ =	shalt  }
0x80: {  	_ =	shalt  }
0x81: {  	_ =	shalt  }
0x82: {  	_ =	shalt  }
0x83: {  	_ =	shalt  }
0x84: {  	_ =	shalt  }
0x85: {  	_ =	shalt  }
0x86: {  	_ =	shalt  }
0x87: {  	_ =	shalt  }
.Lfunc_end0:
.L_simem_size_0:
called_computation_lowered:
.L_overlay_start_0:
0x88: {  	s2 =	sld [smem:$0x3FD9]  }
0x89: {  	s3 =	sld [smem:$0x3FFE];
	_ =	sdelay $0x1  }
0x8a: {  	s1 =	srdreg.scid  }
0x8b: {  	s0 =	sand.u32 $0x1, s1  }
0x8c: {  	s17 =	sshll.u32 s0, $0xA;
	s2 =	sadd.s32 s3, s2  }
0x8d: {  	s2 =	sadd.s32 s2, s17  }
0x8e: {  	[smem:$0x3FC2] =	sst s2  }
0x8f: {  	_ = 	snop  }
0x90: {  	s2 =	sld [smem:$0x3FC7]  }
0x91: {  	s18 =	sld [smem:$0x3FC6]  }
0x92: {  	s4 =	sld [smem:$0x3FC4]  }
0x93: {  	s5 =	sld [smem:$0x3FD0];
	(tm) =	ssettm $0x1  }
0x94: {  	s6 =	sld [smem:$0x3FFB];
	_ =	sdelay $0x3  }
0x95: {  	_ =	strace s6  }
0x96: {  	s6 =	sld [smem:$0x3FFC];
	_ =	sdelay $0x3  }
0x97: {  	_ =	strace s6  }
0x98: {  	s6 =	sld [smem:$0x3FFD];
	_ =	sdelay $0x3  }
0x99: {  	_ =	strace s6  }
0x9a: {  	_ =	strace $0x8FFFFFFF  }
0x9b: {  	s19 =	sld [smem:$0x3FDB];
	_ =	sdelay $0x1  }
0x9c: {  	s7 =	simm.s32 $_scs_section_size  }
0x9d: {  	s8 =	simm.s32 $_size__tile_overlayer_lowered;
	s9 =	simm.s32 $_tile_overlayer_lowered  }
0x9e: {  	s22 =	simm.s32 $0x1BFF;
	s21 =	sshll.u32 s9, $0x1;
	s6 =	sadd.s32 s7, s19  }
0x9f: {  	s10 =	simm.s32 $0x0;
	s20 =	sshll.u32 s8, $0x1;
	s8 =	sadd.s32 s21, s6  }
0xa0: {  	[timem:s10], [sflag:s22] =	dma.local [hbm:s8], s20  }
0xa1: {  	_ =	swait.ge [sflag:s22], s20  }
0xa2: {  	s7 =	ssub.s32 $0x0, s20;
	[sflag:s22] =	ssyncset.done $0x0  }
0xa3: {  	[sflag:s22] =	ssyncadd.s32 s7;
	_ =	sdelay $0x1  }
0xa4: {  	s23 =	simm.s32 $0x1B8B  }
0xa5: {  	_ =	swait.ge [sflag:s23], $0x1  }
0xa6: {  	[sflag:s23] =	ssyncset.done $0x0  }
0xa7: {  	s25 =	simm.s32 $0x1B8E;
	s24 =	sld [smem:$0x3FFE];
	[sflag:s23] =	ssyncadd.s32 $0xFFFFFFFF  }
0xa8: {  	s26 =	simm.s32 $execute0_lowered;
	[smem:$0x3FD2] =	sst s25  }
0xa9: {  	s8 =	sshll.u32 s26, $0x1;
	_ =	strace $0x80000046;
	[dreg:$0x1] =	wrdreg $0xFFFFFFFF  }
0xaa: {  	s28 =	simm.s32 $_size_execute0_lowered;
	s6 =	sadd.s32 s6, s8;
	[dreg:$0x0] =	wrdreg $0x0  }
0xab: {  	s8 =	sshll.u32 s28, $0x1;
	[dreg:$0x2] =	wrdreg s6  }
0xac: {  	[dreg:$0x3] =	wrdreg s8  }
0xad: {  	[dreg:$0x4] =	wrdreg $0xC0  }
0xae: {  	_ =	task [dreg:s10], $0x5FFFF  }
0xaf: {  	[dreg:$0x1] =	wrdreg $0xFFFFFFFF  }
0xb0: {  	[dreg:$0x0] =	wrdreg $0x60  }
0xb1: {  	[dreg:$0x2] =	wrdreg s5  }
0xb2: {  	[dreg:$0x3] =	wrdreg s24  }
0xb3: {  	[dreg:$0x4] =	wrdreg s18  }
0xb4: {  	[dreg:$0x5] =	wrdreg s2  }
0xb5: {  	[dreg:$0x6] =	wrdreg s4  }
0xb6: {  	[dreg:$0x7] =	wrdreg $0x9  }
0xb7: {  	_ =	task.clear_ibuf [dreg:s10], $0x8FFFF;
	_ =	strace $0x90000046  }
0xb8: {  	s29 =	simm.s32 $0x9;
	_ =	strace $0x80000048  }
0xb9: {  	_ =	swait.ge [sflag:s29], $0x1  }
0xba: {  	[sflag:s29] =	ssyncadd.s32 $0xFFFFFFFF  }
0xbb: {  	_ =	strace $0x90000048  }
0xbc: {  	_ =	sfence  }
0xbd: {  	s30 =	sld [smem:$0x0];
	_ =	sdelay $0x2  }
0xbe: {  	s31 =	sshll.u32 s1, $0xD;
	s1 =	sshrl.u32 s1, $0x2  }
0xbf: {  	s3 =	sand.u32 $0x4000, s31;
	s1 =	sadd.s32 s1, s30  }
0xc0: {  	s0 =	sor.u32 s3, s0;
	s1 =	sshll.u32 s1, $0x11  }
0xc1: {  	s0 =	sor.u32 s1, s0  }
0xc2: {  	s0 =	sadd.s32 $0x8F2B, s0  }
0xc3: {  	[sflag:s0] =	ssyncadd.remote.s32 $0x1  }
0xc4: {  	_ =	sfence.sel $0xFFFF  }
0xc5: {  	[dreg:$0x0] =	wrdreg $0xFFFFFFFF;
	(pc) =	sbr.abs _section_cstart, $3  }
0xc6: {  	[dreg:$0x1] =	wrdreg $0xFFFFFFFF  }
0xc7: {  	_ =	task.clear_ibuf [dreg:s10], $0x2FFFF;
	_ =	strace $0x9FFFFFFF  }
0xc8: {  	(tm) =	ssettm $0x7FFFFFFF  }
0xc9: {  	_ =	shalt  }
tec
execute0_lowered:
.L_overlay_start_1:
0x0: {  	(tag) =	ssettag $0x1  }
0x1: {  	s1 =	rddreg [dreg:$0x0]  }
0x2: {  	s8 =	rddreg [dreg:$0x1]  }
0x3: {  	s0 =	rddreg [dreg:$0x2]  }
0x4: {  	s2 =	rddreg [dreg:$0x3]  }
0x5: {  	s3 =	rddreg [dreg:$0x4];
	s4 =	srdreg.scid  }
0x6: {  	s5 =	stileid.u32;
	s17 =	simm.s32 $0x3;
	s19 =	simm.s32 $0x700  }
0x7: {  	s29 =	simm.s32 $0x2;
	s6 =	sand.u32 $0x1, s4;
	s4 =	simm.s32 $0x0  }
0x8: {  	s5 =	sshll.u32 s5, $0xA;
	s9 =	sadd.s32 $0xA00, s8;
	s11 =	sadd.s32 $0x200, s8  }
0x9: {  	s7 =	sshll.u32 s6, $0x9;
	[smem:$0x7FF] =	sst s4;
	s6 =	ssub.s32 $0x2, s6  }
0xa: {  	s5 =	sor.u32 s7, s5;
	_ =	strace $0x80000047;
	[dreg:$0x6] =	wrdreg s9  }
0xb: {  	s22 =	sshrl.u32 s6, $0x1;
	[dreg:$0x7] =	wrdreg s11;
	s26 =	sor.u32 $0x40, s5  }
0xc: {  	s7 =	sshrl.u32 s5, $0x3;
	s30 =	sor.u32 $0x60, s5;
	[dreg:$0xd] =	wrdreg s26  }
0xd: {  	s6 =	ssub.s32 s6, s22;
	s0 =	sadd.s32 s0, s7;
	[dreg:$0xe] =	wrdreg s30  }
0xe: {  	s10 =	smul.u32 $0x180, s7;
	s23 =	sadd.s32 s2, s7;
	[dreg:$0x8] =	wrdreg s0  }
.Ltmp0:
0xf: {  	s25 =	sadd.s32 s3, s7;
	[dreg:$0x9] =	wrdreg s23;
	(pc) =	sbr.rel .LBB2_1-.Ltmp0, $4  }
0x10: {  	s8 =	sadd.s32 $0xC00, s8;
	s31 =	smax.u32 s6, $0x1;
	[dreg:$0xb] =	wrdreg s25  }
0x11: {  	s28 =	smov.u32 s1;
	[dreg:$0xf] =	wrdreg s31;
	s24 =	sadd.s32 s1, s10  }
0x12: {  	v0 =	vimm.s32 $0xFFFFFFFF;
	s26 =	simm.s32 $0x4E80;
	[dreg:$0xa] =	wrdreg s24;
	s0 =	sadd.s32 $0x600, s24  }
0x13: {  	v1 =	vlaneseq.u32;
	v2 =	vimm.s32 $0x0;
	v3 =	vimm.f32 $0.0e+00;
	s25 =	simm.s32 $0x1;
	s1 =	simm.s32 $0x0;
	[dreg:$0xc] =	wrdreg s0  }
.LBB2_51:
0x14: {  	s1 =	rddreg [dreg:$0x10]  }
0x15: {  	s0 =	rddreg [dreg:$0xf];
	s1 =	sadd.s32 $0x1, s1  }
0x16: {  	p0 =	sne.s32 s1, s0  }
.Ltmp1:
0x17: {  	_ = 	snop;
	(pc) =	sbr.rel @!p0 .LBB2_52-.Ltmp1, $1  }
0x18: {  	_ =	sdelay $0x3  }
.LBB2_1:
0x19: {  	[dreg:$0x10] =	wrdreg s1  }
0x1a: {  	s0 =	rddreg [dreg:$0x1]  }
0x1b: {  	[tilespmem:s4], [sflag:$0x3] =	stream.linear.gather [hbm4b:s0+s4], $0x400, $0x38;
	[tilespmem:$0xE080] =	vst v63  }
0x1c: {  	_ =	swait.ge [sflag:s17], $0x400  }
0x1d: {  	[sflag:s17] =	ssyncset.done $0x0  }
0x1e: {  	s12 =	simm.s32 $0x400;
	s11 =	rddreg [dreg:$0x6];
	[sflag:s17] =	ssyncadd.s32 $0xFFFFFC00  }
0x1f: {  	[tilespmem:s12], [sflag:$0x3] =	stream.linear.gather [hbm4b:s11+s4], $0x300, $0x38;
	[tilespmem:$0xE080] =	vst v63  }
0x20: {  	_ =	swait.ge [sflag:s17], $0x300  }
0x21: {  	[sflag:s17] =	ssyncset.done $0x0  }
0x22: {  	s13 =	rddreg [dreg:$0x7];
	[sflag:s17] =	ssyncadd.s32 $0xFFFFFD00  }
0x23: {  	[tilespmem:s19], [sflag:$0x3] =	stream.linear.gather [hbm4b:s13+s4], $0x4000, $0x38;
	[tilespmem:$0xE080] =	vst v63  }
0x24: {  	_ =	swait.ge [sflag:s17], $0x4000  }
0x25: {  	[sflag:s17] =	ssyncset.done $0x0  }
0x26: {  	s15 =	simm.s32 $0x4700;
	s14 =	rddreg [dreg:$0x8];
	[sflag:s17] =	ssyncadd.s32 $0xFFFFC000  }
0x27: {  	[tilespmem:s15], [sflag:$0x3] =	stream.linear.gather [hbm4b:s14+s4], $0x200, $0x38;
	[tilespmem:$0xE080] =	vst v63  }
0x28: {  	_ =	swait.ge [sflag:s17], $0x200  }
0x29: {  	[sflag:s17] =	ssyncset.done $0x0  }
0x2a: {  	s18 =	simm.s32 $0x4980;
	s16 =	rddreg [dreg:$0x9];
	[sflag:s17] =	ssyncadd.s32 $0xFFFFFE00  }
0x2b: {  	[tilespmem:s18], [sflag:$0x3] =	stream.linear.gather [hbm4b:s16+s4], $0x200, $0x38;
	[tilespmem:$0xE080] =	vst v63  }
0x2c: {  	_ =	swait.ge [sflag:s17], $0x200  }
0x2d: {  	[sflag:s17] =	ssyncset.done $0x0  }
0x2e: {  	s21 =	simm.s32 $0x4C00;
	s20 =	rddreg [dreg:$0xb];
	[sflag:s17] =	ssyncadd.s32 $0xFFFFFE00  }
0x2f: {  	[tilespmem:s21], [sflag:$0x3] =	stream.linear.gather [hbm4b:s20+s4], $0x200, $0x38;
	[tilespmem:$0xE080] =	vst v63  }
0x30: {  	_ =	swait.ge [sflag:s17], $0x200  }
0x31: {  	[sflag:s17] =	ssyncset.done $0x0  }
0x32: {  	[sflag:s17] =	ssyncadd.s32 $0xFFFFFE00  }
0x33: {  	[tilespmem:$0x4E80] =	vst v0  }
0x34: {  	[tilespmem:$0x4E90] =	vst v0  }
0x35: {  	[tilespmem:$0x4EA0] =	vst v0  }
0x36: {  	[tilespmem:$0x4EB0] =	vst v0  }
0x37: {  	[tilespmem:$0x4EC0] =	vst v0  }
0x38: {  	[tilespmem:$0x4ED0] =	vst v0  }
0x39: {  	[tilespmem:$0x4EE0] =	vst v0  }
0x3a: {  	[tilespmem:$0x4EF0] =	vst v0  }
0x3b: {  	[tilespmem:$0x4F00] =	vst v0  }
0x3c: {  	[tilespmem:$0x4F10] =	vst v0  }
0x3d: {  	[tilespmem:$0x4F20] =	vst v0  }
0x3e: {  	[tilespmem:$0x4F30] =	vst v0  }
0x3f: {  	[tilespmem:$0x4F40] =	vst v0  }
0x40: {  	[tilespmem:$0x4F50] =	vst v0  }
0x41: {  	[tilespmem:$0x4F60] =	vst v0  }
0x42: {  	[tilespmem:$0x4F70] =	vst v0  }
0x43: {  	[tilespmem:$0x4F80] =	vst v0  }
0x44: {  	[tilespmem:$0x4F90] =	vst v0  }
0x45: {  	[tilespmem:$0x4FA0] =	vst v0  }
0x46: {  	[tilespmem:$0x4FB0] =	vst v0  }
0x47: {  	[tilespmem:$0x4FC0] =	vst v0  }
0x48: {  	[tilespmem:$0x4FD0] =	vst v0  }
0x49: {  	[tilespmem:$0x4FE0] =	vst v0  }
0x4a: {  	[tilespmem:$0x4FF0] =	vst v0  }
0x4b: {  	[tilespmem:$0x5000] =	vst v0  }
0x4c: {  	[tilespmem:$0x5010] =	vst v0  }
0x4d: {  	[tilespmem:$0x5020] =	vst v0  }
0x4e: {  	[tilespmem:$0x5030] =	vst v0  }
0x4f: {  	[tilespmem:$0x5040] =	vst v0  }
0x50: {  	[tilespmem:$0x5050] =	vst v0  }
.Ltmp2:
0x51: {  	[tilespmem:$0x5060] =	vst v0;
	(pc) =	sbr.rel .LBB2_2-.Ltmp2, $4  }
0x52: {  	s23 =	simm.s32 $0x5080;
	s22 =	rddreg [dreg:$0xa];
	[tilespmem:$0x5070] =	vst v0  }
0x53: {  	[tilespmem:s23], [sflag:$0x1] =	stream.linear.gather [hbm4b:s22+s4], $0x3000, $0x38;
	[tilespmem:$0xE080] =	vst v63  }
0x54: {  	s30 =	simm.s32 $0x8080;
	s31 =	simm.s32 $0x0;
	s24 =	rddreg [dreg:$0xc]  }
0x55: {  	[tilespmem:s30], [sflag:$0x2] =	stream.linear.gather [hbm4b:s24+s4], $0x3000, $0x38;
	[tilespmem:$0xE080] =	vst v63  }
.LBB2_50:
0x56: {  	s1 =	rddreg [dreg:$0xe]  }
0x57: {  	s0 =	sadd.s32 @!p0 s0, s1  }
0x58: {  	s0 =	sshrl.u32 @!p0 s0, $0x3  }
0x59: {  	s23 =	sor.u32 s5, s18;
	s0 =	smul.u32 @!p0 $0x180, s0  }
0x5a: {  	s2 =	simm.s32 @!p0 $0x0;
	s3 =	simm.s32 @!p0 $0x8080;
	s1 =	sshrl.u32 s23, $0x3  }
0x5b: {  	s31 =	sadd.s32 $0x1, s31;
	s1 =	smul.u32 $0x180, s1;
	s0 =	sadd.s32 @!p0 s28, s0  }
0x5c: {  	[tilespmem:s3], [sflag:$0x2] =	stream.linear.gather @!p0 [hbm4b:s0+s2], $0x3000, $0x38;
	[tilespmem:$0xE080] =	vst v63  }
0x5d: {  	p0 =	sne.s32 s31, $0x8  }
.Ltmp3:
0x5e: {  	s30 =	simm.s32 $0xB080;
	s24 =	sadd.s32 s8, s1;
	(pc) =	sbr.rel @!p0 .LBB2_51-.Ltmp3, $4  }
0x5f: {  	[hbm4b:s24+s4] =	stream.linear.scatter [tilespmem:s30], [sflag:$0x3], $0x3000, $0x38;
	[tilespmem:$0xE080] =	vst v63  }
0x60: {  	_ =	swait.ge [sflag:s17], $0x3000  }
0x61: {  	[sflag:s17] =	ssyncset.done $0x0  }
0x62: {  	[sflag:s17] =	ssyncadd.s32 $0xFFFFD000  }
.LBB2_2:
.Ltmp4:
0x63: {  	(pc) =	sbr.rel .LBB2_3-.Ltmp4, $4  }
0x64: {  	_ = 	snop  }
0x65: {  	_ =	swait.ge [sflag:s25], $0x3000  }
0x66: {  	[sflag:s25] =	ssyncset.done $0x0  }
0x67: {  	s0 =	sshll.u32 s31, $0x6;
	s3 =	simm.s32 $0x0;
	[sflag:s25] =	ssyncadd.s32 $0xFFFFD000  }
.LBB2_24:
0x68: {  	s1 =	sshra.s32 s22, $0x2  }
0x69: {  	v4 =	vimm.f32 $0.0e+00;
	s1 =	sor.u32 s20, s1  }
0x6a: {  	[tilespmem:s1+$0xB080] =	vst v4  }
0x6b: {  	[tilespmem:s1+$0xB090] =	vst v4  }
0x6c: {  	[tilespmem:s1+$0xB0A0] =	vst v4  }
0x6d: {  	[tilespmem:s1+$0xB0B0] =	vst v4  }
0x6e: {  	[tilespmem:s1+$0xB0C0] =	vst v4  }
0x6f: {  	[tilespmem:s1+$0xB0D0] =	vst v4  }
0x70: {  	[tilespmem:s1+$0xB0E0] =	vst v4  }
0x71: {  	[tilespmem:s1+$0xB0F0] =	vst v4  }
0x72: {  	[tilespmem:s1+$0xB480] =	vst v4  }
0x73: {  	[tilespmem:s1+$0xB490] =	vst v4  }
0x74: {  	[tilespmem:s1+$0xB4A0] =	vst v4  }
0x75: {  	[tilespmem:s1+$0xB4B0] =	vst v4  }
0x76: {  	[tilespmem:s1+$0xB4C0] =	vst v4  }
0x77: {  	[tilespmem:s1+$0xB4D0] =	vst v4  }
0x78: {  	[tilespmem:s1+$0xB4E0] =	vst v4  }
0x79: {  	[tilespmem:s1+$0xB4F0] =	vst v4  }
0x7a: {  	[tilespmem:s1+$0xB880] =	vst v4  }
0x7b: {  	[tilespmem:s1+$0xB890] =	vst v4  }
0x7c: {  	[tilespmem:s1+$0xB8A0] =	vst v4  }
0x7d: {  	[tilespmem:s1+$0xB8B0] =	vst v4  }
0x7e: {  	[tilespmem:s1+$0xB8C0] =	vst v4  }
0x7f: {  	s2 =	sadd.s32 $0xB880, s1;
	[tilespmem:s1+$0xB8D0] =	vst v4  }
.LBB2_25:
0x80: {  	s3 =	sadd.s32 $0x1, s3  }
0x81: {  	p0 =	sne.s32 s3, $0x20  }
.Ltmp5:
0x82: {  	_ = 	snop;
	(pc) =	sbr.rel @!p0 .LBB2_26-.Ltmp5, $2  }
0x83: {  	_ =	sdelay $0x2  }
0x84: {  	[tilespmem:s2+$0x60] =	vst v4  }
.LBB2_3:
0x85: {  	s2 =	sor.u32 s0, s3  }
0x86: {  	v4 =	vld [tilespmem:s2+$0x4980]  }
0x87: {  	v5 =	vld [tilespmem:s2+$0x4C00];
	_ =	sdelay $0x3  }
0x88: {  	(v2sf) =	vpush v4, $0x0  }
0x89: {  	(v2sf) =	vpush v5, $0x0;
	_ =	sdelay $0xd  }
0x8a: {  	s6 =	spop (v2sf)  }
0x8b: {  	s7 =	spop (v2sf)  }
0x8c: {  	p0 =	slt.s32 s7, $0x169  }
0x8d: {  	p1 =	slt.s32 s7, $0xFFFFFFF2;
	s7 =	simm.s32 @!p0 $0x169  }
0x8e: {  	s9 =	sadd.s32 $0xF, s7  }
0x8f: {  	s10 =	sand.u32 $0xF, s9  }
0x90: {  	s12 =	sshra.s32 s9, $0x1F;
	p6 =	sne.s32 s10, $0x0  }
0x91: {  	s15 =	sshrl.u32 s12, $0x1C;
	p0 =	por !p1, !p6  }
0x92: {  	s10 =	simm.s32 $0x1;
	s9 =	sadd.s32 s15, s9;
	p0 =	por !p0, !p0  }
0x93: {  	s9 =	sshra.s32 s9, $0x4;
	s10 =	simm.s32 @!p0 $0x0  }
0x94: {  	s21 =	ssub.s32 s9, s10  }
0x95: {  	s9 =	sshrl.u32 s21, $0x1E  }
0x96: {  	s16 =	sadd.s32 s9, s21  }
0x97: {  	s23 =	sand.u32 $0xFFFFFFFC, s16  }
0x98: {  	v8 =	vld [tilespmem:s2+$0x4700];
	p0 =	slt.s32 s23, $0x1  }
.Ltmp6:
0x99: {  	_ = 	snop;
	(pc) =	sbr.rel @p0 .LBB2_4-.Ltmp6, $4  }
0x9a: {  	s18 =	sand.u32 $0x1, s6  }
0x9b: {  	s24 =	sshrl.u32 s3, $0x3;
	s22 =	sshll.u32 s18, $0xD  }
0x9c: {  	s30 =	sshll.u32 s3, $0x7;
	v4 =	vmov s2;
	s20 =	sshll.u32 s18, $0x9;
	v6 =	vmov s22;
	s22 =	smul.u32 $0x3000, s24  }
0x9d: {  	v8 =	vbroadcast v8, $0x0;
	v5 =	vmov s20;
	s20 =	sand.u32 $0x380, s30;
	v7 =	vmov s7  }
0x9e: {  	v15 =	vmov s20  }
0x9f: {  	s2 =	sshra.s32 s22, $0x2;
	s7 =	simm.s32 $0x0  }
0xa0: {  	s9 =	simm.s32 $0x0;
	s2 =	sadd.s32 $0x5080, s2;
	s7 =	sand.u32 $0xFFFFFC00, s7  }
0xa1: {  	s10 =	sand.u32 $0x40, s9;
	s7 =	sadd.s32 s7, s2  }
0xa2: {  	s10 =	sadd.s32 s10, s7  }
0xa3: {  	v10 =	vld.idx.msk [tilespmem:v15+s10+$0x0 ss:$0x1], $0xffff  }
0xa4: {  	s12 =	simm.s32 $0x10  }
0xa5: {  	s24 =	simm.s32 $0x20;
	s16 =	sand.u32 $0x50, s12  }
0xa6: {  	s13 =	sand.u32 $0x60, s24;
	s16 =	sadd.s32 s16, s7  }
0xa7: {  	s13 =	sadd.s32 s13, s7;
	v13 =	vld.idx.msk [tilespmem:v15+s16+$0x0 ss:$0x1], $0xffff  }
0xa8: {  	v11 =	vld.idx.msk [tilespmem:v15+s13+$0x0 ss:$0x1], $0xffff;
	v12 =	vxor.u32 v8, v10  }
0xa9: {  	v10 =	vshrl.u32 v12, $0x12  }
0xaa: {  	s6 =	simm.s32 $0x30;
	v10 =	vand.u32 $0x1FFF, v10  }
0xab: {  	s30 =	sand.u32 $0x70, s6;
	v14 =	vor.u32 v6, v10  }
0xac: {  	s7 =	sadd.s32 s30, s7;
	v16 =	vxor.u32 v8, v13  }
0xad: {  	v17 =	vshrl.u32 v16, $0x12;
	v10 =	vxor.u32 v8, v11;
	v11 =	vld.idx.msk [tilespmem:v15+s7+$0x0 ss:$0x1], $0xffff  }
0xae: {  	v17 =	vand.u32 $0x1FFF, v17;
	v13 =	vshrl.u32 v10, $0x12  }
0xaf: {  	v18 =	vor.u32 v6, v17;
	v13 =	vand.u32 $0x1FFF, v13  }
0xb0: {  	p2 =	sgt.s32 s23, $0x4;
	v13 =	vor.u32 v6, v13;
	v23 =	vld.idx.msk [tilespmem:v14+s19+$0x0], $0xffff  }
.Ltmp7:
0xb1: {  	_ = 	snop;
	(pc) =	sbr.rel @!p2 .LBB2_16-.Ltmp7, $4  }
0xb2: {  	v19 =	vxor.u32 v8, v11  }
0xb3: {  	v9 =	vimm.s32 $0x0;
	v14 =	vshrl.u32 v19, $0x12  }
0xb4: {  	p0 =	por $0x0, $0x0;
	v22 =	vor.u32 s12, v1;
	v35 =	vor.u32 s24, v1;
	v31 =	vld.idx.msk [tilespmem:v18+s19+$0x0], $0xffff;
	v14 =	vand.u32 $0x1FFF, v14  }
0xb5: {  	p1 =	por $0x0, $0x0;
	s24 =	simm.s32 $0x70;
	s7 =	simm.s32 $0x200;
	v11 =	vor.u32 s9, v1;
	v17 =	vld.idx.msk [tilespmem:v13+s19+$0x0], $0xffff;
	v47 =	vor.u32 v6, v14;
	v45 =	vadd.s32 v5, v23  }
0xb6: {  	_ =	sdelay $0x3  }
0xb7: {  	v13 =	vld.idx.msk [tilespmem:v45+s4+$0x0], $0xffff;
	_ =	sdelay $0x1  }
0xb8: {  	v14 =	vadd.s32 v5, v17;
	_ =	sdelay $0x1  }
0xb9: {  	v20 =	vld.idx.msk [tilespmem:v47+s19+$0x0], $0xffff  }
0xba: {  	vm0 =	vlt.s32 v13, v12  }
0xbb: {  	s9 =	simm.s32 $0x40;
	s7 =	sand.u32 $0xFFFFFC00, s7;
	s12 =	simm.s32 $0x50;
	v13 =	vsel vm0, $0x1, v2  }
0xbc: {  	s16 =	simm.s32 $0x60;
	s10 =	sand.u32 $0x40, s9;
	s7 =	sadd.s32 s7, s2;
	v13 =	vadd.s32 v13, v23;
	v14 =	vld.idx.msk [tilespmem:v14+s4+$0x0], $0xffff  }
0xbd: {  	s13 =	sand.u32 $0x50, s12;
	s15 =	sand.u32 $0x60, s16;
	s10 =	sadd.s32 s10, s7;
	v21 =	vadd.s32 v5, v13  }
0xbe: {  	s14 =	sadd.s32 s13, s7;
	s13 =	sadd.s32 s15, s7;
	v18 =	vld.idx.msk [tilespmem:v15+s10+$0x0 ss:$0x1], $0xffff;
	v23 =	vadd.s32 v5, v20  }
0xbf: {  	v26 =	vld.idx.msk [tilespmem:v15+s13+$0x0 ss:$0x1], $0xffff  }
0xc0: {  	v25 =	vld.idx.msk [tilespmem:v15+s14+$0x0 ss:$0x1], $0xffff  }
0xc1: {  	vm11 =	vlt.s32 v14, v10  }
0xc2: {  	v21 =	vld.idx.msk [tilespmem:v21+s4+$0x0], $0xffff;
	v14 =	vsel vm11, $0x1, v2  }
0xc3: {  	v28 =	vadd.s32 v5, v31;
	v24 =	vxor.u32 v8, v18;
	v29 =	vadd.s32 v14, v17;
	v14 =	vld.idx.msk [tilespmem:v23+s4+$0x0], $0xffff  }
0xc4: {  	v27 =	vxor.u32 v8, v26;
	v18 =	vshrl.u32 v24, $0x12  }
0xc5: {  	s30 =	sand.u32 $0x70, s24;
	v17 =	vand.u32 $0x1FFF, v18;
	v18 =	vxor.u32 v8, v25;
	v23 =	vadd.s32 v5, v29  }
0xc6: {  	s7 =	sadd.s32 s30, s7;
	v25 =	vshrl.u32 v27, $0x12;
	v17 =	vor.u32 v6, v17;
	v26 =	vshrl.u32 v18, $0x12  }
0xc7: {  	v33 =	vld.idx.msk [tilespmem:v15+s7+$0x0 ss:$0x1], $0xffff;
	v25 =	vand.u32 $0x1FFF, v25;
	v26 =	vand.u32 $0x1FFF, v26;
	vm12 =	vlt.s32 v21, v12  }
0xc8: {  	v28 =	vld.idx.msk [tilespmem:v28+s4+$0x0], $0xffff;
	v25 =	vor.u32 v6, v25;
	v21 =	vsel vm12, $0x1, v2;
	vm13 =	vlt.s32 v14, v19  }
0xc9: {  	v30 =	vadd.s32 v21, v13;
	v14 =	vor.u32 v6, v26;
	v13 =	vsel vm13, $0x1, v2  }
0xca: {  	v37 =	vadd.s32 v5, v30;
	v34 =	vld.idx.msk [tilespmem:v23+s4+$0x0], $0xffff;
	v36 =	vadd.s32 v13, v20  }
0xcb: {  	p2 =	sgt.s32 s23, $0x8;
	v23 =	vld.idx.msk [tilespmem:v17+s19+$0x0], $0xffff;
	v13 =	vadd.s32 v5, v36  }
.Ltmp8:
0xcc: {  	v32 =	vor.u32 s9, v1;
	v26 =	vxor.u32 v8, v33;
	(pc) =	sbr.rel @!p2 .LBB2_18-.Ltmp8, $4  }
0xcd: {  	vm14 =	vlt.s32 v28, v16;
	v28 =	vor.u32 s16, v1;
	v20 =	vshrl.u32 v26, $0x12;
	v17 =	vld.idx.msk [tilespmem:v25+s19+$0x0], $0xffff  }
0xce: {  	v21 =	vor.u32 s12, v1;
	v20 =	vand.u32 $0x1FFF, v20;
	v52 =	vld.idx.msk [tilespmem:v14+s19+$0x0], $0xffff;
	v14 =	vsel vm14, $0x1, v2  }
0xcf: {  	v47 =	vor.u32 v6, v20;
	v41 =	vld.idx.msk [tilespmem:v37+s4+$0x0], $0xffff;
	vm15 =	vlt.s32 v34, v10;
	v34 =	vadd.s32 v14, v31  }
0xd0: {  	p0 =	por $0x1, $0x1;
	s9 =	simm.s32 $0x400;
	s7 =	simm.s32 $0xB0;
	v45 =	vadd.s32 v5, v23;
	v46 =	vsel vm15, $0x1, v2;
	v49 =	vadd.s32 v5, v34;
	v48 =	vld.idx.msk [tilespmem:v13+s4+$0x0], $0xffff  }
0xd1: {  	_ =	sdelay $0x3  }
0xd2: {  	v13 =	vld.idx.msk [tilespmem:v45+s4+$0x0], $0xffff  }
0xd3: {  	v31 =	vld.idx.msk [tilespmem:v47+s19+$0x0], $0xffff  }
0xd4: {  	v20 =	vld.idx.msk [tilespmem:v49+s4+$0x0], $0xffff;
	v14 =	vadd.s32 v5, v17;
	_ =	sdelay $0x1  }
0xd5: {  	v43 =	vadd.s32 v5, v52  }
0xd6: {  	s10 =	simm.s32 $0x80;
	s9 =	sand.u32 $0xFFFFFC00, s9;
	vm1 =	vlt.s32 v48, v19  }
0xd7: {  	vm0 =	vlt.s32 v11, v7;
	s12 =	sand.u32 $0x40, s10;
	s9 =	sadd.s32 s9, s2;
	v11 =	vsel vm1, $0x1, v2  }
0xd8: {  	s13 =	simm.s32 $0xA0;
	s12 =	sadd.s32 s12, s9;
	vm1 =	vlt.s32 v13, v24;
	v40 =	vadd.s32 v5, v31;
	vm3 =	vlt.s32 v20, v16;
	v25 =	vld.idx.msk [tilespmem:v14+s4+$0x0], $0xffff  }
0xd9: {  	s16 =	simm.s32 $0x90;
	s11 =	sand.u32 $0x60, s13;
	v14 =	vadd.s32 v46, v29;
	v29 =	vld.idx.msk [tilespmem:v15+s12+$0x0 ss:$0x1], $0xffff;
	v33 =	vsel vm1, $0x1, v2;
	v13 =	vadd.s32 v11, v36  }
0xda: {  	s15 =	sand.u32 $0x50, s16;
	s11 =	sadd.s32 s11, s9;
	vm1 =	vlt.s32 v41, v12;
	v63 =	vadd.s32 v33, v23;
	v44 =	vadd.s32 v5, v14;
	v62 =	vld.idx.msk [tilespmem:v43+s4+$0x0], $0xffff  }
0xdb: {  	s30 =	sand.u32 $0x70, s7;
	v37 =	vld.idx.msk [tilespmem:v15+s11+$0x0 ss:$0x1], $0xffff;
	s12 =	sadd.s32 s15, s9;
	v23 =	vadd.s32 v5, v13;
	vm2 =	vmand vm0, vm1;
	vm1 =	veq.s32 v41, v12  }
0xdc: {  	v11 =	vor.u32 s10, v1;
	s9 =	sadd.s32 s30, s9;
	v39 =	vld.idx.msk [tilespmem:v15+s12+$0x0 ss:$0x1], $0xffff;
	v38 =	vadd.s32 v5, v63;
	vm1 =	vmand vm0, vm1  }
0xdd: {  	v54 =	vld.idx.msk [tilespmem:v15+s9+$0x0 ss:$0x1], $0xffff;
	v33 =	vsel vm2, $0x1, v2;
	v43 =	vsel vm1, $0x2, v2;
	vm2 =	vlt.s32 v25, v27  }
0xde: {  	v12 =	vxor.u32 v8, v29;
	v25 =	vsel vm3, $0x1, v2;
	v20 =	vsel vm2, $0x1, v2  }
0xdf: {  	v42 =	vshrl.u32 v12, $0x12;
	vm14 =	vlt.s32 v62, v18;
	v50 =	vld.idx.msk [tilespmem:v44+s4+$0x0], $0xffff;
	v29 =	vadd.s32 v20, v17  }
0xe0: {  	v44 =	vimm.s32 $0x0;
	v17 =	vld.idx.msk [tilespmem:v23+s4+$0x0], $0xffff;
	v20 =	vand.u32 $0x1FFF, v42;
	v55 =	vadd.s32 v5, v29  }
0xe1: {  	v42 =	vxor.u32 v8, v37;
	v23 =	vld.idx.msk [tilespmem:v38+s4+$0x0], $0xffff;
	v37 =	vxor.u32 v8, v39;
	v56 =	vor.u32 v6, v20  }
0xe2: {  	v40 =	vld.idx.msk [tilespmem:v40+s4+$0x0], $0xffff;
	v38 =	vxor.u32 v8, v54;
	v39 =	vshrl.u32 v37, $0x12;
	v20 =	vadd.s32 v25, v34  }
0xe3: {  	v57 =	vshrl.u32 v42, $0x12;
	v25 =	vand.u32 $0x1FFF, v39;
	v59 =	vadd.s32 v5, v20  }
0xe4: {  	v58 =	vshrl.u32 v38, $0x12;
	v60 =	vor.u32 v6, v25;
	v25 =	vand.u32 $0x1FFF, v57  }
0xe5: {  	v39 =	vor.u32 s16, v1;
	v51 =	vand.u32 $0x1FFF, v58;
	v47 =	vor.u32 v6, v25;
	v61 =	vld.idx.msk [tilespmem:v55+s4+$0x0], $0xffff  }
0xe6: {  	v25 =	vor.u32 s13, v1;
	vm2 =	veq.s32 v17, v19;
	vm3 =	vlt.s32 v23, v24;
	v23 =	vld.idx.msk [tilespmem:v56+s19+$0x0], $0xffff  }
0xe7: {  	vm4 =	vlt.s32 v17, v19;
	v17 =	vsel vm3, $0x1, v2;
	vm3 =	vlt.s32 v40, v26  }
0xe8: {  	v19 =	vadd.s32 v17, v63;
	v17 =	vsel vm3, $0x1, v2;
	v63 =	vor.u32 s6, v1;
	v41 =	vld.idx.msk [tilespmem:v59+s4+$0x0], $0xffff  }
0xe9: {  	v53 =	vadd.s32 v5, v19;
	v36 =	vadd.s32 v17, v31;
	vm3 =	vlt.s32 v63, v7  }
0xea: {  	p2 =	sgt.s32 s23, $0xC;
	v54 =	vadd.s32 v5, v36;
	vm4 =	vmand vm3, vm4;
	vm0 =	vmand vm3, vm2  }
.Ltmp9:
0xeb: {  	v17 =	vld.idx.msk [tilespmem:v47+s19+$0x0], $0xffff;
	vm2 =	vlt.s32 v35, v7;
	v45 =	vadd.s32 v5, v23;
	vm3 =	vlt.s32 v61, v27;
	(pc) =	sbr.rel @!p2 .LBB2_20-.Ltmp9, $4  }
0xec: {  	v47 =	vor.u32 v6, v51;
	v40 =	vsel vm4, $0x1, v2;
	v46 =	vsel vm3, $0x1, v2  }
0xed: {  	v31 =	vld.idx.msk [tilespmem:v60+s19+$0x0], $0xffff;
	vm3 =	vlt.s32 v22, v7;
	v22 =	vsel vm14, $0x1, v2;
	vm5 =	vlt.s32 v41, v16  }
0xee: {  	p1 =	por $0x1, $0x1;
	vm15 =	veq.s32 v41, v16;
	v34 =	vadd.s32 v22, v52;
	v41 =	vld.idx.msk [tilespmem:v53+s4+$0x0], $0xffff;
	vm5 =	vmand vm3, vm5  }
0xef: {  	s10 =	simm.s32 $0xF0;
	s9 =	simm.s32 $0x600;
	[tilespmem:v30+s26+$0x0] =	vst.idx.msk vm1, v4;
	s6 =	simm.s32 $0xC;
	vm1 =	vmand vm3, vm15;
	v49 =	vadd.s32 v5, v34;
	v48 =	vld.idx.msk [tilespmem:v54+s4+$0x0], $0xffff;
	v51 =	vsel vm5, $0x1, v2  }
.LBB2_21:
0xf0: {  	s11 =	sadd.s32 $0xFFFFFFD0, s10;
	s13 =	sand.u32 $0xFFFFFC00, s9;
	s12 =	sadd.s32 $0xFFFFFFE0, s10;
	v30 =	vld.idx.msk [tilespmem:v45+s4+$0x0], $0xffff;
	v35 =	vadd.s32 v5, v17;
	vm3 =	vlt.s32 v32, v7;
	v45 =	vadd.s32 v46, v29  }
0xf1: {  	v46 =	vsel vm0, $0x2, v2;
	v32 =	vmovc v11;
	v22 =	vmovc v25;
	s16 =	sand.u32 $0x40, s11;
	s30 =	sadd.s32 s13, s2;
	s13 =	sand.u32 $0x70, s10;
	v16 =	vadd.s32 v5, v45;
	v11 =	vor.u32 s11, v1  }
0xf2: {  	v25 =	vor.u32 v33, v44;
	vm5 =	veq.s32 v50, v10;
	vm6 =	vlt.s32 v50, v10;
	v10 =	vmovc v27;
	s11 =	sadd.s32 s16, s30;
	s16 =	sand.u32 $0x50, s12;
	s1 =	sadd.s32 s13, s30  }
0xf3: {  	s6 =	sadd.s32 $0x4, s6;
	v25 =	vor.u32 v43, v25;
	s13 =	sadd.s32 $0xFFFFFFF0, s10;
	vm4 =	veq.s32 v41, v24;
	vm7 =	vlt.s32 v41, v24;
	s16 =	sadd.s32 s16, s30;
	v47 =	vld.idx.msk [tilespmem:v47+s19+$0x0], $0xffff  }
0xf4: {  	p2 =	slt.s32 s6, s23;
	v27 =	vmovc v42;
	vm6 =	vmand vm2, vm6;
	v24 =	vmovc v12;
	s14 =	sand.u32 $0x60, s13;
	vm7 =	vmand vm3, vm7;
	vm8 =	vlt.s32 v48, v26;
	v29 =	vld.idx.msk [tilespmem:v49+s4+$0x0], $0xffff  }
0xf5: {  	v52 =	vmovc v19;
	s14 =	sadd.s32 s14, s30;
	v33 =	vsel vm7, $0x1, v2;
	v43 =	vsel vm8, $0x1, v2;
	v12 =	vld.idx.msk [tilespmem:v35+s4+$0x0], $0xffff;
	[tilespmem:v20+s26+$0x0] =	vst.idx.msk vm1, v4;
	v20 =	vsel vm6, $0x1, v2  }
0xf6: {  	vm6 =	vlt.s32 v30, v24;
	v30 =	vsel vm1, $0x2, v2;
	vm1 =	vmand vm2, vm5;
	v19 =	vld.idx.msk [tilespmem:v15+s11+$0x0 ss:$0x1], $0xffff;
	[tilespmem:v13+s26+$0x0] =	vst.idx.msk vm0, v4  }
0xf7: {  	v25 =	vor.u32 v51, v25;
	v35 =	vmovc v31;
	v42 =	vsel vm6, $0x1, v2;
	v13 =	vadd.s32 v43, v36;
	v41 =	vld.idx.msk [tilespmem:v15+s16+$0x0 ss:$0x1], $0xffff  }
0xf8: {  	v25 =	vor.u32 v30, v25;
	v36 =	vadd.s32 v42, v23;
	v23 =	vadd.s32 v5, v13;
	v31 =	vld.idx.msk [tilespmem:v15+s14+$0x0 ss:$0x1], $0xffff  }
0xf9: {  	v20 =	vor.u32 v20, v25;
	v30 =	vadd.s32 v5, v36;
	v43 =	vadd.s32 v5, v47  }
0xfa: {  	v48 =	vadd.s32 v5, v35;
	vm0 =	vlt.s32 v29, v18;
	v29 =	vsel vm1, $0x2, v2;
	v25 =	vld.idx.msk [tilespmem:v15+s1+$0x0 ss:$0x1], $0xffff  }
0xfb: {  	vm2 =	vlt.s32 v12, v27;
	v49 =	vsel vm0, $0x1, v2;
	v20 =	vor.u32 v29, v20  }
0xfc: {  	v12 =	vxor.u32 v8, v19;
	v19 =	vsel vm2, $0x1, v2;
	v20 =	vor.u32 v40, v20;
	[tilespmem:v14+s26+$0x0] =	vst.idx.msk vm1, v4  }
0xfd: {  	v40 =	vshrl.u32 v12, $0x12;
	v51 =	vxor.u32 v8, v41;
	v29 =	vadd.s32 v19, v17;
	v14 =	vmovc v45;
	v17 =	vld.idx.msk [tilespmem:v23+s4+$0x0], $0xffff  }
0xfe: {  	v19 =	vand.u32 $0x1FFF, v40;
	v42 =	vxor.u32 v8, v31;
	v23 =	vadd.s32 v5, v29;
	v30 =	vld.idx.msk [tilespmem:v30+s4+$0x0], $0xffff  }
0xff: {  	v44 =	vor.u32 v46, v20;
	v19 =	vor.u32 v6, v19;
	v31 =	vshrl.u32 v42, $0x12;
	v40 =	vld.idx.msk [tilespmem:v43+s4+$0x0], $0xffff  }
0x100: {  	v20 =	vadd.s32 v49, v34;
	v41 =	vshrl.u32 v51, $0x12;
	v43 =	vxor.u32 v8, v25  }
0x101: {  	v25 =	vand.u32 $0x1FFF, v41;
	v41 =	vadd.s32 v5, v20;
	v34 =	vshrl.u32 v43, $0x12  }
0x102: {  	v53 =	vor.u32 s12, v1;
	v45 =	vor.u32 v6, v25;
	v25 =	vand.u32 $0x1FFF, v31  }
0x103: {  	v31 =	vor.u32 v6, v25;
	vm0 =	veq.s32 v17, v26;
	vm2 =	vlt.s32 v17, v26;
	v46 =	vld.idx.msk [tilespmem:v23+s4+$0x0], $0xffff  }
0x104: {  	v25 =	vor.u32 s13, v1;
	v34 =	vand.u32 $0x1FFF, v34;
	v26 =	vmovc v38;
	v38 =	vmovc v43;
	vm1 =	vlt.s32 v30, v24;
	v23 =	vld.idx.msk [tilespmem:v19+s19+$0x0], $0xffff  }
0x105: {  	v17 =	vsel vm1, $0x1, v2;
	vm1 =	vlt.s32 v40, v26;
	v30 =	vld.idx.msk [tilespmem:v48+s4+$0x0], $0xffff  }
0x106: {  	v40 =	vor.u32 s24, v1;
	s24 =	smov.u32 s7;
	s7 =	smov.u32 s10;
	v19 =	vadd.s32 v17, v36;
	v17 =	vsel vm1, $0x1, v2;
	v48 =	vld.idx.msk [tilespmem:v41+s4+$0x0], $0xffff  }
0x107: {  	vm5 =	vlt.s32 v40, v7;
	v41 =	vadd.s32 v5, v19;
	v36 =	vadd.s32 v17, v47  }
0x108: {  	vm1 =	vmand vm3, vm4;
	vm2 =	vmand vm5, vm2;
	v49 =	vadd.s32 v5, v36;
	v17 =	vld.idx.msk [tilespmem:v31+s19+$0x0], $0xffff  }
0x109: {  	v43 =	vsel vm1, $0x2, v2;
	vm0 =	vmand vm5, vm0;
	v40 =	vsel vm2, $0x1, v2;
	v31 =	vld.idx.msk [tilespmem:v45+s19+$0x0], $0xffff  }
.Ltmp10:
0x10a: {  	vm2 =	vlt.s32 v28, v7;
	v28 =	vmovc v22;
	vm3 =	vlt.s32 v46, v27;
	v45 =	vadd.s32 v5, v23;
	(pc) =	sbr.rel @p2 .LBB2_21-.Ltmp10, $4  }
0x10b: {  	v46 =	vsel vm3, $0x1, v2;
	vm3 =	vlt.s32 v21, v7;
	v21 =	vmovc v39;
	vm4 =	vlt.s32 v30, v37;
	v50 =	vld.idx.msk [tilespmem:v16+s4+$0x0], $0xffff  }
0x10c: {  	v16 =	vsel vm4, $0x1, v2;
	vm4 =	veq.s32 v48, v18;
	vm5 =	vlt.s32 v48, v18;
	v18 =	vmovc v37;
	v41 =	vld.idx.msk [tilespmem:v41+s4+$0x0], $0xffff  }
0x10d: {  	v47 =	vor.u32 v6, v34;
	v37 =	vmovc v51;
	v34 =	vadd.s32 v16, v35;
	vm5 =	vmand vm3, vm5;
	v48 =	vld.idx.msk [tilespmem:v49+s4+$0x0], $0xffff  }
0x10e: {  	s9 =	sadd.s32 $0x200, s9;
	s10 =	sadd.s32 $0x40, s10;
	v39 =	vmovc v53;
	v49 =	vadd.s32 v5, v34;
	v51 =	vsel vm5, $0x1, v2;
	[tilespmem:v52+s26+$0x0] =	vst.idx.msk vm1, v4;
	vm1 =	vmand vm3, vm4  }
0x10f: {  	v56 =	vmov v10;
	v55 =	vmov v32;
	v15 =	vmov v27  }
0x110: {  	v54 =	vmovc v24;
	v53 =	vmovc v26;
	v10 =	vmov v42;
	v30 =	vmov v19;
	v42 =	vmov v18  }
0x111: {  	v19 =	vmovc v38;
	s6 =	smov.u32 s7;
	v35 =	vmovc v28;
	v16 =	vmov v37;
	v37 =	vmov v21;
	v22 =	vmov v39  }
.LBB2_23:
0x112: {  	_ =	sdelay $0x3  }
0x113: {  	v21 =	vadd.s32 v5, v17;
	v24 =	vld.idx.msk [tilespmem:v47+s19+$0x0], $0xffff;
	vm3 =	vlt.s32 @p0 v55, v7;
	v26 =	vadd.s32 @p0 v46, v29  }
0x114: {  	v18 =	vld.idx.msk [tilespmem:v45+s4+$0x0], $0xffff;
	v28 =	vsel @p1 vm0, $0x2, v2;
	vm4 =	veq.s32 @p1 v50, v56;
	v59 =	vadd.s32 v5, v31  }
0x115: {  	vm5 =	vlt.s32 @p1 v50, v56;
	v29 =	vor.u32 @p1 v33, v44;
	vm6 =	vlt.s32 @p0 v48, v53  }
0x116: {  	v32 =	vld.idx.msk @p0 [tilespmem:v49+s4+$0x0], $0xffff;
	v15 =	vpsel p0, v15, v0;
	vm13 =	vlt.s32 v11, v7;
	v27 =	vadd.s32 @p0 v5, v26  }
0x117: {  	v33 =	vsel @p0 vm6, $0x1, v2;
	vm6 =	vlt.s32 @p0 v41, v54;
	v29 =	vor.u32 @p1 v43, v29  }
0x118: {  	vm5 =	vmand @p1 vm2, vm5;
	vm2 =	vmand @p1 vm2, vm4;
	v21 =	vld.idx.msk [tilespmem:v21+s4+$0x0], $0xffff;
	v58 =	vadd.s32 v5, v24  }
0x119: {  	vm4 =	veq.s32 @p0 v41, v54;
	v26 =	vpsel p0, v26, v0;
	vm14 =	vlt.s32 v18, v12;
	v62 =	vld.idx.msk [tilespmem:v59+s4+$0x0], $0xffff  }
0x11a: {  	v33 =	vadd.s32 @p0 v33, v36;
	v43 =	vsel @p1 vm5, $0x1, v2;
	v38 =	vsel vm14, $0x1, v2  }
0x11b: {  	vm5 =	vlt.s32 @p0 v32, v42;
	v27 =	vld.idx.msk @p0 [tilespmem:v27+s4+$0x0], $0xffff;
	v23 =	vadd.s32 v38, v23;
	v38 =	vadd.s32 @p0 v5, v33  }
0x11c: {  	v29 =	vor.u32 @p1 v51, v29;
	v44 =	vsel @p0 vm5, $0x1, v2;
	vm5 =	vmand @p0 vm3, vm6  }
0x11d: {  	vm3 =	vmand @p0 vm3, vm4;
	v34 =	vadd.s32 @p0 v44, v34;
	v39 =	vadd.s32 v5, v23;
	v18 =	vld.idx.msk [tilespmem:v58+s4+$0x0], $0xffff  }
0x11e: {  	vm15 =	vlt.s32 v21, v10;
	v21 =	vsel @p1 vm1, $0x2, v2;
	vm9 =	vlt.s32 v62, v16  }
0x11f: {  	v60 =	vsel vm15, $0x1, v2;
	v21 =	vor.u32 @p1 v21, v29;
	v46 =	vsel vm9, $0x1, v2  }
0x120: {  	v27 =	vpsel p0, v27, v0;
	v29 =	vld.idx.msk @p0 [tilespmem:v38+s4+$0x0], $0xffff;
	v21 =	vor.u32 @p1 v43, v21;
	v38 =	vsel @p1 vm2, $0x2, v2  }
0x121: {  	v61 =	vadd.s32 v60, v17;
	v43 =	vadd.s32 @p0 v5, v34;
	v21 =	vor.u32 @p1 v38, v21  }
0x122: {  	v63 =	vadd.s32 v5, v61;
	v39 =	vld.idx.msk [tilespmem:v39+s4+$0x0], $0xffff;
	v21 =	vor.u32 @p1 v40, v21;
	vm8 =	vlt.s32 v18, v19  }
0x123: {  	v38 =	vsel @p0 vm5, $0x1, v2;
	v18 =	vor.u32 @p1 v28, v21;
	v44 =	vsel vm8, $0x1, v2  }
0x124: {  	v28 =	vpsel p0, v34, v0;
	v21 =	vadd.s32 v44, v24;
	v24 =	vadd.s32 v46, v31  }
0x125: {  	vm8 =	vlt.s32 @p0 v35, v7;
	v18 =	vpsel p1, v18, v9;
	v49 =	vadd.s32 v5, v24  }
0x126: {  	vm6 =	veq.s32 @p0 v29, v53;
	v32 =	vld.idx.msk @p0 [tilespmem:v43+s4+$0x0], $0xffff;
	vm5 =	vlt.s32 @p0 v29, v53;
	v47 =	vadd.s32 v5, v21  }
0x127: {  	v31 =	vsel @p0 vm3, $0x2, v2;
	v45 =	vld.idx.msk [tilespmem:v63+s4+$0x0], $0xffff;
	vm10 =	vlt.s32 v39, v12;
	v39 =	vor.u32 @p0 s24, v1  }
0x128: {  	v31 =	vpsel p0, v31, v0;
	v48 =	vsel vm10, $0x1, v2;
	vm7 =	vlt.s32 @p0 v39, v7  }
0x129: {  	v23 =	vadd.s32 v48, v23;
	vm4 =	vmand @p0 vm7, vm5;
	vm5 =	vmand @p0 vm7, vm6  }
0x12a: {  	vm6 =	vlt.s32 @p0 v37, v7;
	v37 =	vpsel p0, v38, v0;
	v50 =	vadd.s32 v5, v23;
	v52 =	vld.idx.msk [tilespmem:v49+s4+$0x0], $0xffff  }
0x12b: {  	v39 =	vsel @p0 vm4, $0x1, v2;
	v18 =	vor.u32 @p0 v37, v18;
	vm7 =	vlt.s32 @p0 v32, v42;
	v51 =	vld.idx.msk [tilespmem:v47+s4+$0x0], $0xffff  }
0x12c: {  	vm9 =	veq.s32 @p0 v32, v42;
	v32 =	vpsel p0, v33, v0;
	vm4 =	vlt.s32 v45, v10  }
0x12d: {  	vm7 =	vmand @p0 vm6, vm7;
	vm6 =	vmand @p0 vm6, vm9;
	v53 =	vsel vm4, $0x1, v2  }
0x12e: {  	v36 =	vsel @p0 vm7, $0x1, v2;
	vm4 =	vmmov @p0 vm5;
	vm7 =	vmmov @p0 vm8  }
0x12f: {  	vm5 =	vmmov @p0 vm6;
	vm6 =	veq.s32 @p0 v27, v15;
	vm12 =	vlt.s32 v52, v16  }
0x130: {  	vm8 =	vlt.s32 @p0 v27, v15;
	vm11 =	vlt.s32 v51, v19;
	v55 =	vsel vm12, $0x1, v2  }
0x131: {  	v15 =	vor.u32 @p0 v31, v18;
	v54 =	vsel vm11, $0x1, v2;
	v24 =	vadd.s32 v55, v24  }
0x132: {  	v34 =	vpsel p0, v36, v0;
	v21 =	vadd.s32 v54, v21;
	v33 =	vadd.s32 v5, v24  }
0x133: {  	v17 =	vadd.s32 v53, v61;
	vm8 =	vmand @p0 vm7, vm8;
	v29 =	vld.idx.msk [tilespmem:v50+s4+$0x0], $0xffff;
	v56 =	vadd.s32 v5, v21  }
0x134: {  	v18 =	vsel @p0 vm5, $0x2, v2;
	v57 =	vadd.s32 v5, v17;
	v15 =	vor.u32 @p0 v34, v15  }
0x135: {  	vm6 =	vmand @p0 vm7, vm6;
	v27 =	vsel @p0 vm8, $0x1, v2;
	v15 =	vor.u32 @p0 v18, v15  }
0x136: {  	v35 =	vpsel p0, v39, v0;
	v11 =	vor.u32 @p0 v27, v15;
	v15 =	vsel @p0 vm6, $0x2, v2  }
0x137: {  	v31 =	vsel @p0 vm4, $0x2, v2;
	v61 =	vor.u32 s6, v1;
	v11 =	vor.u32 @p0 v15, v11;
	v59 =	vld.idx.msk [tilespmem:v33+s4+$0x0], $0xffff  }
0x138: {  	vm10 =	vlt.s32 v61, v7;
	v11 =	vor.u32 @p0 v35, v11;
	vm14 =	vlt.s32 v29, v12;
	v58 =	vld.idx.msk [tilespmem:v56+s4+$0x0], $0xffff  }
0x139: {  	vm15 =	veq.s32 v29, v12;
	v11 =	vor.u32 @p0 v31, v11;
	v62 =	vld.idx.msk [tilespmem:v57+s4+$0x0], $0xffff;
	vm8 =	vmand vm13, vm14  }
0x13a: {  	[tilespmem:v20+s26+$0x0] =	vst.idx.msk @p1 vm1, v4;
	v12 =	vmovc @p0 v30;
	vm7 =	vmand vm13, vm15;
	v9 =	vpsel p0, v11, v9;
	v60 =	vsel vm8, $0x1, v2  }
0x13b: {  	[tilespmem:v13+s26+$0x0] =	vst.idx.msk @p1 vm0, v4;
	vm11 =	vlt.s32 v25, v7;
	v63 =	vsel vm7, $0x2, v2;
	v9 =	vor.u32 v60, v9  }
0x13c: {  	vm13 =	vlt.s32 v22, v7;
	v9 =	vor.u32 v63, v9;
	vm15 =	veq.s32 v59, v16  }
0x13d: {  	[tilespmem:v14+s26+$0x0] =	vst.idx.msk @p1 vm2, v4;
	vm12 =	veq.s32 v58, v19;
	vm14 =	vlt.s32 v59, v16;
	vm1 =	vmand vm13, vm15  }
0x13e: {  	[tilespmem:v28+s26+$0x0] =	vst.idx.msk @p0 vm5, v4;
	vm0 =	vmand vm10, vm12;
	vm9 =	vmand vm13, vm14;
	vm12 =	veq.s32 v62, v10  }
0x13f: {  	[tilespmem:v12+s26+$0x0] =	vst.idx.msk @p0 vm3, v4;
	vm13 =	vlt.s32 v62, v10;
	v11 =	vsel vm9, $0x1, v2;
	vm3 =	vmand vm11, vm12  }
0x140: {  	[tilespmem:v32+s26+$0x0] =	vst.idx.msk @p0 vm4, v4;
	vm2 =	vmand vm11, vm13;
	v10 =	vsel vm1, $0x2, v2;
	v9 =	vor.u32 v11, v9  }
.Ltmp11:
0x141: {  	[tilespmem:v26+s26+$0x0] =	vst.idx.msk @p0 vm6, v4;
	vm14 =	vlt.s32 v58, v19;
	v11 =	vsel vm2, $0x1, v2;
	v9 =	vor.u32 v10, v9;
	(pc) =	sbr.rel .LBB2_5-.Ltmp11, $4  }
0x142: {  	[tilespmem:v23+s26+$0x0] =	vst.idx.msk vm7, v4;
	vm15 =	vmand vm10, vm14;
	v10 =	vsel vm3, $0x2, v2;
	v9 =	vor.u32 v11, v9  }
0x143: {  	v11 =	vsel vm15, $0x1, v2;
	v9 =	vor.u32 v10, v9;
	[tilespmem:v24+s26+$0x0] =	vst.idx.msk vm1, v4  }
0x144: {  	v10 =	vsel vm0, $0x2, v2;
	[tilespmem:v21+s26+$0x0] =	vst.idx.msk vm0, v4;
	v9 =	vor.u32 v11, v9  }
0x145: {  	[tilespmem:v17+s26+$0x0] =	vst.idx.msk vm3, v4;
	v9 =	vor.u32 v10, v9  }
.LBB2_4:
0x146: {  	v9 =	vimm.s32 $0x0  }
.LBB2_5:
0x147: {  	s2 =	ssub.s32 s21, s23  }
0x148: {  	p0 =	slt.s32 s2, $0x1  }
.Ltmp12:
0x149: {  	_ = 	snop;
	(pc) =	sbr.rel @p0 .LBB2_8-.Ltmp12, $1  }
0x14a: {  	_ =	sdelay $0x3  }
0x14b: {  	s2 =	sshra.s32 s22, $0x2  }
0x14c: {  	s2 =	sor.u32 s20, s2  }
0x14d: {  	s6 =	sshll.u32 s23, $0x7;
	s7 =	sshll.u32 s23, $0x4;
	s2 =	sadd.s32 $0x5080, s2  }
.LBB2_7:
0x14e: {  	s1 =	sand.u32 $0xFFFFFC00, s6  }
0x14f: {  	s9 =	sand.u32 $0x70, s7;
	s1 =	sadd.s32 s1, s2  }
0x150: {  	s1 =	sadd.s32 s9, s1  }
0x151: {  	v10 =	vld [tilespmem:s1+$0x0];
	_ =	sdelay $0x4  }
0x152: {  	v10 =	vxor.u32 v8, v10  }
0x153: {  	v11 =	vshrl.u32 v10, $0x12  }
0x154: {  	v11 =	vand.u32 $0x1FFF, v11  }
0x155: {  	v11 =	vor.u32 v6, v11;
	_ =	sdelay $0x4  }
0x156: {  	v11 =	vld.idx.msk [tilespmem:v11+s19+$0x0], $0xffff;
	_ =	sdelay $0x4  }
0x157: {  	v12 =	vadd.s32 v5, v11;
	_ =	sdelay $0x4  }
0x158: {  	v12 =	vld.idx.msk [tilespmem:v12+s4+$0x0], $0xffff;
	_ =	sdelay $0x4  }
0x159: {  	vm0 =	vlt.s32 v12, v10  }
0x15a: {  	v12 =	vsel vm0, $0x1, v2  }
0x15b: {  	v11 =	vadd.s32 v12, v11  }
0x15c: {  	v12 =	vadd.s32 v5, v11;
	_ =	sdelay $0x4  }
0x15d: {  	v12 =	vld.idx.msk [tilespmem:v12+s4+$0x0], $0xffff;
	_ =	sdelay $0x4  }
0x15e: {  	vm14 =	vlt.s32 v12, v10  }
0x15f: {  	v12 =	vsel vm14, $0x1, v2  }
0x160: {  	v11 =	vadd.s32 v12, v11  }
0x161: {  	v12 =	vadd.s32 v5, v11;
	_ =	sdelay $0x4  }
0x162: {  	v12 =	vld.idx.msk [tilespmem:v12+s4+$0x0], $0xffff;
	_ =	sdelay $0x3  }
0x163: {  	v13 =	vor.u32 s7, v1  }
0x164: {  	vm15 =	vlt.s32 v13, v7;
	vm1 =	veq.s32 v12, v10  }
0x165: {  	s23 =	sadd.s32 $0x1, s23;
	vm1 =	vmand vm15, vm1  }
0x166: {  	p0 =	slt.s32 s23, s21  }
.Ltmp13:
0x167: {  	vm2 =	vlt.s32 v12, v10;
	(pc) =	sbr.rel @p0 .LBB2_7-.Ltmp13, $4  }
0x168: {  	vm0 =	vmand vm15, vm2  }
0x169: {  	v10 =	vsel vm0, $0x1, v2  }
0x16a: {  	v63 =	vsel vm1, $0x2, v2;
	v9 =	vor.u32 v10, v9  }
0x16b: {  	s6 =	sadd.s32 $0x80, s6;
	s7 =	sadd.s32 $0x10, s7;
	v9 =	vor.u32 v63, v9;
	[tilespmem:v11+s26+$0x0] =	vst.idx.msk vm1, v4  }
.LBB2_8:
0x16c: {  	v9 =	vxor.u32 $0x80000000, v9  }
0x16d: {  	(xrf0) =	vmax.scan.msk.u32 $0xffff, v9;
	_ =	sdelay $0x5  }
0x16e: {  	v9, _, _ =	vpop (xrf0)  }
0x16f: {  	(v2sf) =	vpush v9, $0xF;
	_ =	sdelay $0xe  }
0x170: {  	s2 =	spop (v2sf)  }
0x171: {  	s1 =	sand.u32 $0x1, s2  }
0x172: {  	p1 =	slt.s32 s21, $0x1;
	p0 =	seq.s32 s1, $0x1  }
0x173: {  	p1 =	por p1, !p0  }
.Ltmp14:
0x174: {  	_ = 	snop;
	(pc) =	sbr.rel @p1 .LBB2_13-.Ltmp14, $1  }
0x175: {  	_ =	sdelay $0x3  }
.Ltmp15:
0x176: {  	(pc) =	sbr.rel .LBB2_10-.Ltmp15, $4  }
0x177: {  	_ = 	snop  }
0x178: {  	s1 =	sshra.s32 s22, $0x2  }
0x179: {  	s1 =	sor.u32 s20, s1  }
0x17a: {  	s7 =	simm.s32 $0x0;
	s6 =	sadd.s32 $0x5080, s1  }
.LBB2_12:
0x17b: {  	v12 =	vor.u32 s9, v1  }
0x17c: {  	vm1 =	veq.s32 v11, v9;
	vm0 =	vlt.s32 v12, v7  }
0x17d: {  	s7 =	sadd.s32 $0x1, s7;
	vm0 =	vmand vm0, vm1  }
0x17e: {  	p1 =	sne.s32 s7, s21  }
.Ltmp16:
0x17f: {  	_ = 	snop;
	(pc) =	sbr.rel @!p1 .LBB2_13-.Ltmp16, $2  }
0x180: {  	_ =	sdelay $0x2  }
0x181: {  	[tilespmem:v10+s26+$0x0] =	vst.idx.msk vm0, v4  }
.LBB2_10:
0x182: {  	s1 =	sshll.u32 s7, $0x7  }
0x183: {  	s9 =	sshll.u32 s7, $0x4;
	s1 =	sand.u32 $0xFFFFFC00, s1  }
0x184: {  	s10 =	sand.u32 $0x70, s9;
	s1 =	sadd.s32 s1, s6  }
0x185: {  	s1 =	sadd.s32 s10, s1  }
0x186: {  	v9 =	vld [tilespmem:s1+$0x0];
	_ =	sdelay $0x4  }
0x187: {  	v9 =	vxor.u32 v8, v9  }
0x188: {  	v10 =	vshrl.u32 v9, $0x12  }
0x189: {  	v10 =	vand.u32 $0x1FFF, v10  }
0x18a: {  	v10 =	vor.u32 v6, v10;
	_ =	sdelay $0x4  }
0x18b: {  	v10 =	vld.idx.msk [tilespmem:v10+s19+$0x0], $0xffff;
	_ =	sdelay $0x4  }
0x18c: {  	v11 =	vadd.s32 v5, v10;
	_ =	sdelay $0x4  }
0x18d: {  	v11 =	vld.idx.msk [tilespmem:v11+s4+$0x0], $0xffff;
	_ =	sdelay $0x4  }
0x18e: {  	vm0 =	vlt.s32 v11, v9  }
0x18f: {  	v12 =	vsel vm0, $0x3F800000, v3  }
0x190: {  	(xrf0) =	vmax.scan.msk.f32 $0xffff, v12;
	_ =	sdelay $0x5  }
0x191: {  	v12, _, _ =	vpop (xrf0)  }
0x192: {  	(v2sf) =	vpush v12, $0xF;
	_ =	sdelay $0xe  }
0x193: {  	s30 =	spop (v2sf)  }
0x194: {  	p1 =	sgt.f32 s30, $0.0e+00  }
.Ltmp17:
0x195: {  	_ = 	snop;
	(pc) =	sbr.rel @!p1 .LBB2_12-.Ltmp17, $1  }
0x196: {  	_ =	sdelay $0x3  }
.LBB2_11:
0x197: {  	v11 =	vsel vm0, $0x1, v2  }
0x198: {  	v10 =	vadd.s32 v11, v10  }
0x199: {  	v11 =	vadd.s32 v5, v10;
	_ =	sdelay $0x4  }
0x19a: {  	v11 =	vld.idx.msk [tilespmem:v11+s4+$0x0], $0xffff;
	_ =	sdelay $0x4  }
0x19b: {  	vm0 =	vlt.s32 v11, v9  }
0x19c: {  	v12 =	vsel vm0, $0x3F800000, v3  }
0x19d: {  	(xrf0) =	vmax.scan.msk.f32 $0xffff, v12;
	_ =	sdelay $0x5  }
0x19e: {  	v12, _, _ =	vpop (xrf0)  }
0x19f: {  	(v2sf) =	vpush v12, $0xF;
	_ =	sdelay $0xe  }
0x1a0: {  	s1 =	spop (v2sf)  }
0x1a1: {  	p1 =	sgt.f32 s1, $0.0e+00  }
.Ltmp18:
0x1a2: {  	_ = 	snop;
	(pc) =	sbr.rel @p1 .LBB2_11-.Ltmp18, $1  }
0x1a3: {  	_ =	sdelay $0x3  }
.Ltmp19:
0x1a4: {  	_ = 	snop;
	(pc) =	sbr.rel .LBB2_12-.Ltmp19, $1  }
0x1a5: {  	_ =	sdelay $0x3  }
.LBB2_13:
0x1a6: {  	p1 =	slt.u32 s2, $0x80000002;
	p0 =	por !p0, !p0  }
0x1a7: {  	p0 =	por !p1, !p0  }
0x1a8: {  	p0 =	por !p0, !p0  }
.Ltmp20:
0x1a9: {  	_ = 	snop;
	(pc) =	sbr.rel @p0 .LBB2_24-.Ltmp20, $1  }
0x1aa: {  	_ =	sdelay $0x3  }
0x1ab: {  	s2 =	smul.u32 $0x170, s18;
	_ =	sdelay $0x1  }
0x1ac: {  	v5 =	vld [tilespmem:s2+$0x400];
	_ =	sdelay $0x7  }
0x1ad: {  	v5 =	vld.idx.msk [tilespmem:v5+s26+$0x0], $0xffff;
	_ =	sdelay $0x4  }
0x1ae: {  	s1 =	sshra.s32 s22, $0x2;
	vm0 =	veq.s32 v5, v4  }
0x1af: {  	s6 =	sor.u32 s20, s1;
	v5 =	vsel vm0, $0x3F800000, v3  }
0x1b0: {  	[tilespmem:s6+$0xB080] =	vst v5  }
0x1b1: {  	v5 =	vld [tilespmem:s2+$0x410];
	_ =	sdelay $0x7  }
0x1b2: {  	v5 =	vld.idx.msk [tilespmem:v5+s26+$0x0], $0xffff;
	_ =	sdelay $0x4  }
0x1b3: {  	vm6 =	veq.s32 v5, v4  }
0x1b4: {  	v5 =	vsel vm6, $0x3F800000, v3  }
0x1b5: {  	[tilespmem:s6+$0xB090] =	vst v5  }
0x1b6: {  	v5 =	vld [tilespmem:s2+$0x420];
	_ =	sdelay $0x7  }
0x1b7: {  	v5 =	vld.idx.msk [tilespmem:v5+s26+$0x0], $0xffff;
	_ =	sdelay $0x4  }
0x1b8: {  	vm7 =	veq.s32 v5, v4  }
0x1b9: {  	v5 =	vsel vm7, $0x3F800000, v3  }
0x1ba: {  	[tilespmem:s6+$0xB0A0] =	vst v5  }
0x1bb: {  	v5 =	vld [tilespmem:s2+$0x430];
	_ =	sdelay $0x7  }
0x1bc: {  	v5 =	vld.idx.msk [tilespmem:v5+s26+$0x0], $0xffff;
	_ =	sdelay $0x4  }
0x1bd: {  	vm8 =	veq.s32 v5, v4  }
0x1be: {  	v5 =	vsel vm8, $0x3F800000, v3  }
0x1bf: {  	[tilespmem:s6+$0xB0B0] =	vst v5  }
0x1c0: {  	v5 =	vld [tilespmem:s2+$0x440];
	_ =	sdelay $0x7  }
0x1c1: {  	v5 =	vld.idx.msk [tilespmem:v5+s26+$0x0], $0xffff;
	_ =	sdelay $0x4  }
0x1c2: {  	vm9 =	veq.s32 v5, v4  }
0x1c3: {  	v5 =	vsel vm9, $0x3F800000, v3  }
0x1c4: {  	[tilespmem:s6+$0xB0C0] =	vst v5  }
0x1c5: {  	v5 =	vld [tilespmem:s2+$0x450];
	_ =	sdelay $0x7  }
0x1c6: {  	v5 =	vld.idx.msk [tilespmem:v5+s26+$0x0], $0xffff;
	_ =	sdelay $0x4  }
0x1c7: {  	vm10 =	veq.s32 v5, v4  }
0x1c8: {  	v5 =	vsel vm10, $0x3F800000, v3  }
0x1c9: {  	[tilespmem:s6+$0xB0D0] =	vst v5  }
0x1ca: {  	v5 =	vld [tilespmem:s2+$0x460];
	_ =	sdelay $0x7  }
0x1cb: {  	v5 =	vld.idx.msk [tilespmem:v5+s26+$0x0], $0xffff;
	_ =	sdelay $0x4  }
0x1cc: {  	vm11 =	veq.s32 v5, v4  }
0x1cd: {  	v5 =	vsel vm11, $0x3F800000, v3  }
0x1ce: {  	[tilespmem:s6+$0xB0E0] =	vst v5  }
0x1cf: {  	v5 =	vld [tilespmem:s2+$0x470];
	_ =	sdelay $0x7  }
0x1d0: {  	v5 =	vld.idx.msk [tilespmem:v5+s26+$0x0], $0xffff;
	_ =	sdelay $0x4  }
0x1d1: {  	s24 =	sadd.s32 $0x80, s2;
	vm12 =	veq.s32 v5, v4  }
0x1d2: {  	s7 =	sand.u32 $0x70, s2;
	s1 =	sand.u32 $0x380, s24;
	v5 =	vsel vm12, $0x3F800000, v3  }
0x1d3: {  	s1 =	sor.u32 s7, s1;
	[tilespmem:s6+$0xB0F0] =	vst v5  }
0x1d4: {  	v5 =	vld [tilespmem:s1+$0x400];
	_ =	sdelay $0x7  }
0x1d5: {  	v5 =	vld.idx.msk [tilespmem:v5+s26+$0x0], $0xffff;
	_ =	sdelay $0x4  }
0x1d6: {  	vm13 =	veq.s32 v5, v4  }
0x1d7: {  	v5 =	vsel vm13, $0x3F800000, v3  }
0x1d8: {  	[tilespmem:s6+$0xB480] =	vst v5  }
0x1d9: {  	v5 =	vld [tilespmem:s2+$0x490];
	_ =	sdelay $0x7  }
0x1da: {  	v5 =	vld.idx.msk [tilespmem:v5+s26+$0x0], $0xffff;
	_ =	sdelay $0x4  }
0x1db: {  	vm14 =	veq.s32 v5, v4  }
0x1dc: {  	v5 =	vsel vm14, $0x3F800000, v3  }
0x1dd: {  	[tilespmem:s6+$0xB490] =	vst v5  }
0x1de: {  	v5 =	vld [tilespmem:s2+$0x4A0];
	_ =	sdelay $0x7  }
0x1df: {  	v5 =	vld.idx.msk [tilespmem:v5+s26+$0x0], $0xffff;
	_ =	sdelay $0x4  }
0x1e0: {  	vm15 =	veq.s32 v5, v4  }
0x1e1: {  	v5 =	vsel vm15, $0x3F800000, v3  }
0x1e2: {  	[tilespmem:s6+$0xB4A0] =	vst v5  }
0x1e3: {  	v5 =	vld [tilespmem:s2+$0x4B0];
	_ =	sdelay $0x7  }
0x1e4: {  	v5 =	vld.idx.msk [tilespmem:v5+s26+$0x0], $0xffff;
	_ =	sdelay $0x4  }
0x1e5: {  	vm4 =	veq.s32 v5, v4  }
0x1e6: {  	v5 =	vsel vm4, $0x3F800000, v3  }
0x1e7: {  	[tilespmem:s6+$0xB4B0] =	vst v5  }
0x1e8: {  	v5 =	vld [tilespmem:s2+$0x4C0];
	_ =	sdelay $0x7  }
0x1e9: {  	v5 =	vld.idx.msk [tilespmem:v5+s26+$0x0], $0xffff;
	_ =	sdelay $0x4  }
0x1ea: {  	vm5 =	veq.s32 v5, v4  }
0x1eb: {  	v5 =	vsel vm5, $0x3F800000, v3  }
0x1ec: {  	[tilespmem:s6+$0xB4C0] =	vst v5  }
0x1ed: {  	v5 =	vld [tilespmem:s2+$0x4D0];
	_ =	sdelay $0x7  }
0x1ee: {  	v5 =	vld.idx.msk [tilespmem:v5+s26+$0x0], $0xffff;
	_ =	sdelay $0x4  }
0x1ef: {  	vm6 =	veq.s32 v5, v4  }
0x1f0: {  	v5 =	vsel vm6, $0x3F800000, v3  }
0x1f1: {  	[tilespmem:s6+$0xB4D0] =	vst v5  }
0x1f2: {  	v5 =	vld [tilespmem:s2+$0x4E0];
	_ =	sdelay $0x7  }
0x1f3: {  	v5 =	vld.idx.msk [tilespmem:v5+s26+$0x0], $0xffff;
	_ =	sdelay $0x4  }
0x1f4: {  	vm7 =	veq.s32 v5, v4  }
0x1f5: {  	v5 =	vsel vm7, $0x3F800000, v3  }
0x1f6: {  	[tilespmem:s6+$0xB4E0] =	vst v5  }
0x1f7: {  	v5 =	vld [tilespmem:s2+$0x4F0];
	_ =	sdelay $0x7  }
0x1f8: {  	v5 =	vld.idx.msk [tilespmem:v5+s26+$0x0], $0xffff;
	_ =	sdelay $0x4  }
0x1f9: {  	s30 =	sadd.s32 $0x100, s2;
	vm8 =	veq.s32 v5, v4  }
0x1fa: {  	s1 =	sand.u32 $0x380, s30;
	v5 =	vsel vm8, $0x3F800000, v3  }
0x1fb: {  	s1 =	sor.u32 s7, s1;
	[tilespmem:s6+$0xB4F0] =	vst v5  }
0x1fc: {  	v5 =	vld [tilespmem:s1+$0x400];
	_ =	sdelay $0x7  }
0x1fd: {  	v5 =	vld.idx.msk [tilespmem:v5+s26+$0x0], $0xffff;
	_ =	sdelay $0x4  }
0x1fe: {  	vm9 =	veq.s32 v5, v4  }
0x1ff: {  	v5 =	vsel vm9, $0x3F800000, v3  }
0x200: {  	[tilespmem:s6+$0xB880] =	vst v5  }
0x201: {  	v5 =	vld [tilespmem:s2+$0x510];
	_ =	sdelay $0x7  }
0x202: {  	v5 =	vld.idx.msk [tilespmem:v5+s26+$0x0], $0xffff;
	_ =	sdelay $0x4  }
0x203: {  	vm10 =	veq.s32 v5, v4  }
0x204: {  	v5 =	vsel vm10, $0x3F800000, v3  }
0x205: {  	[tilespmem:s6+$0xB890] =	vst v5  }
0x206: {  	v5 =	vld [tilespmem:s2+$0x520];
	_ =	sdelay $0x7  }
0x207: {  	v5 =	vld.idx.msk [tilespmem:v5+s26+$0x0], $0xffff;
	_ =	sdelay $0x4  }
0x208: {  	vm11 =	veq.s32 v5, v4  }
0x209: {  	v5 =	vsel vm11, $0x3F800000, v3  }
0x20a: {  	[tilespmem:s6+$0xB8A0] =	vst v5  }
0x20b: {  	v5 =	vld [tilespmem:s2+$0x530];
	_ =	sdelay $0x7  }
0x20c: {  	v5 =	vld.idx.msk [tilespmem:v5+s26+$0x0], $0xffff;
	_ =	sdelay $0x4  }
0x20d: {  	vm12 =	veq.s32 v5, v4  }
0x20e: {  	v5 =	vsel vm12, $0x3F800000, v3  }
0x20f: {  	[tilespmem:s6+$0xB8B0] =	vst v5  }
0x210: {  	v5 =	vld [tilespmem:s2+$0x540];
	_ =	sdelay $0x7  }
0x211: {  	v5 =	vld.idx.msk [tilespmem:v5+s26+$0x0], $0xffff;
	_ =	sdelay $0x4  }
0x212: {  	vm13 =	veq.s32 v5, v4  }
0x213: {  	v5 =	vsel vm13, $0x3F800000, v3  }
0x214: {  	[tilespmem:s6+$0xB8C0] =	vst v5  }
0x215: {  	v5 =	vld [tilespmem:s2+$0x550];
	_ =	sdelay $0x7  }
0x216: {  	v5 =	vld.idx.msk [tilespmem:v5+s26+$0x0], $0xffff;
	_ =	sdelay $0x4  }
0x217: {  	vm14 =	veq.s32 v5, v4  }
0x218: {  	v5 =	vsel vm14, $0x3F800000, v3  }
0x219: {  	[tilespmem:s6+$0xB8D0] =	vst v5  }
0x21a: {  	v5 =	vld [tilespmem:s2+$0x560];
	_ =	sdelay $0x7  }
0x21b: {  	v5 =	vld.idx.msk [tilespmem:v5+s26+$0x0], $0xffff;
	_ =	sdelay $0x1  }
.Ltmp21:
0x21c: {  	_ = 	snop;
	(pc) =	sbr.rel .LBB2_25-.Ltmp21, $3  }
0x21d: {  	_ =	sdelay $0x1  }
0x21e: {  	vm15 =	veq.s32 v5, v4  }
0x21f: {  	s2 =	sadd.s32 $0xB880, s6;
	v4 =	vsel vm15, $0x3F800000, v3  }
.LBB2_16:
.Ltmp22:
0x220: {  	(pc) =	sbr.rel .LBB2_23-.Ltmp22, $2  }
0x221: {  	_ =	sdelay $0x2  }
0x222: {  	v25 =	vmov v35;
	v44 =	vimm.s32 $0x0  }
.LBB2_18:
.Ltmp23:
0x223: {  	(pc) =	sbr.rel .LBB2_23-.Ltmp23, $4  }
0x224: {  	_ = 	snop  }
0x225: {  	v55 =	vmovc v11;
	v15 =	vmovc v10;
	v54 =	vmov v12;
	v53 =	vmov v19;
	v42 =	vmov v16  }
0x226: {  	v37 =	vmovc v22;
	v11 =	vmovc v32;
	v25 =	vmov v28;
	v44 =	vimm.s32 $0x0;
	v12 =	vmov v24  }
0x227: {  	v10 =	vmovc v27;
	v19 =	vmovc v26;
	s24 =	simm.s32 $0x30;
	s6 =	simm.s32 $0x70;
	v16 =	vmov v18;
	v22 =	vmov v21;
	v31 =	vmov v52  }
.LBB2_20:
.Ltmp24:
0x228: {  	(pc) =	sbr.rel .LBB2_23-.Ltmp24, $4  }
0x229: {  	_ = 	snop  }
0x22a: {  	v56 =	vmovc v10;
	v55 =	vmov v32;
	v44 =	vimm.s32 $0x0;
	v15 =	vmov v27  }
0x22b: {  	v54 =	vmovc v24;
	v53 =	vmovc v26;
	v10 =	vmov v42;
	v30 =	vmov v19;
	v42 =	vmov v18  }
0x22c: {  	v19 =	vmovc v38;
	s6 =	simm.s32 $0xB0;
	v35 =	vmovc v28;
	v16 =	vmov v37;
	v37 =	vmov v21;
	v22 =	vmov v39  }
.LBB2_26:
0x22d: {  	p0 =	seq.s32 s31, $0x7;
	s1 =	rddreg [dreg:$0xd]  }
0x22e: {  	s1 =	sadd.s32 @!p0 s0, s1  }
0x22f: {  	s1 =	sshrl.u32 @!p0 s1, $0x3  }
0x230: {  	s2 =	sor.u32 s5, s0;
	s1 =	smul.u32 @!p0 $0x180, s1  }
0x231: {  	s2 =	sshrl.u32 s2, $0x3;
	s3 =	simm.s32 @!p0 $0x0  }
0x232: {  	s6 =	simm.s32 @!p0 $0x5080;
	s2 =	smul.u32 $0x180, s2;
	s1 =	sadd.s32 @!p0 s28, s1  }
0x233: {  	[tilespmem:s6], [sflag:$0x1] =	stream.linear.gather @!p0 [hbm4b:s1+s3], $0x3000, $0x38;
	[tilespmem:$0xE080] =	vst v63  }
0x234: {  	s30 =	simm.s32 $0xB080;
	s24 =	sadd.s32 s8, s2;
	s3 =	simm.s32 $0x0  }
0x235: {  	[hbm4b:s24+s3] =	stream.linear.scatter [tilespmem:s30], [sflag:$0x3], $0x3000, $0x38;
	[tilespmem:$0xE080] =	vst v63  }
0x236: {  	_ =	swait.ge [sflag:s17], $0x3000  }
.Ltmp25:
0x237: {  	[sflag:s17] =	ssyncset.done $0x0;
	(pc) =	sbr.rel .LBB2_27-.Ltmp25, $4  }
0x238: {  	[sflag:s17] =	ssyncadd.s32 $0xFFFFD000  }
0x239: {  	_ =	swait.ge [sflag:s29], $0x3000  }
0x23a: {  	[sflag:s29] =	ssyncset.done $0x0  }
0x23b: {  	s18 =	sor.u32 $0x20, s0;
	[sflag:s29] =	ssyncadd.s32 $0xFFFFD000  }
.LBB2_48:
0x23c: {  	s1 =	sshra.s32 s23, $0x2  }
0x23d: {  	v4 =	vimm.f32 $0.0e+00;
	s1 =	sor.u32 s21, s1  }
0x23e: {  	[tilespmem:s1+$0xB080] =	vst v4  }
0x23f: {  	[tilespmem:s1+$0xB090] =	vst v4  }
0x240: {  	[tilespmem:s1+$0xB0A0] =	vst v4  }
0x241: {  	[tilespmem:s1+$0xB0B0] =	vst v4  }
0x242: {  	[tilespmem:s1+$0xB0C0] =	vst v4  }
0x243: {  	[tilespmem:s1+$0xB0D0] =	vst v4  }
0x244: {  	[tilespmem:s1+$0xB0E0] =	vst v4  }
0x245: {  	[tilespmem:s1+$0xB0F0] =	vst v4  }
0x246: {  	[tilespmem:s1+$0xB480] =	vst v4  }
0x247: {  	[tilespmem:s1+$0xB490] =	vst v4  }
0x248: {  	[tilespmem:s1+$0xB4A0] =	vst v4  }
0x249: {  	[tilespmem:s1+$0xB4B0] =	vst v4  }
0x24a: {  	[tilespmem:s1+$0xB4C0] =	vst v4  }
0x24b: {  	[tilespmem:s1+$0xB4D0] =	vst v4  }
0x24c: {  	[tilespmem:s1+$0xB4E0] =	vst v4  }
0x24d: {  	[tilespmem:s1+$0xB4F0] =	vst v4  }
0x24e: {  	[tilespmem:s1+$0xB880] =	vst v4  }
0x24f: {  	[tilespmem:s1+$0xB890] =	vst v4  }
0x250: {  	[tilespmem:s1+$0xB8A0] =	vst v4  }
0x251: {  	[tilespmem:s1+$0xB8B0] =	vst v4  }
0x252: {  	[tilespmem:s1+$0xB8C0] =	vst v4  }
0x253: {  	s2 =	sadd.s32 $0xB880, s1;
	[tilespmem:s1+$0xB8D0] =	vst v4  }
.LBB2_49:
0x254: {  	s3 =	sadd.s32 $0x1, s3  }
0x255: {  	p1 =	sne.s32 s3, $0x20  }
.Ltmp26:
0x256: {  	_ = 	snop;
	(pc) =	sbr.rel @!p1 .LBB2_50-.Ltmp26, $2  }
0x257: {  	_ =	sdelay $0x2  }
0x258: {  	[tilespmem:s2+$0x60] =	vst v4  }
.LBB2_27:
0x259: {  	s1 =	sor.u32 s18, s3  }
0x25a: {  	v4 =	vld [tilespmem:s1+$0x4980]  }
0x25b: {  	v5 =	vld [tilespmem:s1+$0x4C00];
	_ =	sdelay $0x3  }
0x25c: {  	(v2sf) =	vpush v4, $0x0  }
0x25d: {  	(v2sf) =	vpush v5, $0x0;
	_ =	sdelay $0xd  }
0x25e: {  	s2 =	spop (v2sf)  }
0x25f: {  	s6 =	spop (v2sf)  }
0x260: {  	p1 =	slt.s32 s6, $0x169  }
0x261: {  	p2 =	slt.s32 s6, $0xFFFFFFF2;
	s6 =	simm.s32 @!p1 $0x169  }
0x262: {  	s7 =	sadd.s32 $0xF, s6  }
0x263: {  	s9 =	sand.u32 $0xF, s7  }
0x264: {  	s10 =	sshra.s32 s7, $0x1F;
	p6 =	sne.s32 s9, $0x0  }
0x265: {  	s14 =	sshrl.u32 s10, $0x1C;
	p1 =	por !p2, !p6  }
0x266: {  	s9 =	simm.s32 $0x1;
	s7 =	sadd.s32 s14, s7;
	p1 =	por !p1, !p1  }
0x267: {  	s7 =	sshra.s32 s7, $0x4;
	s9 =	simm.s32 @!p1 $0x0  }
0x268: {  	s22 =	ssub.s32 s7, s9  }
0x269: {  	s7 =	sshrl.u32 s22, $0x1E  }
0x26a: {  	s15 =	sadd.s32 s7, s22  }
0x26b: {  	v8 =	vld [tilespmem:s1+$0x4700];
	s24 =	sand.u32 $0xFFFFFFFC, s15  }
0x26c: {  	p1 =	slt.s32 s24, $0x1  }
.Ltmp27:
0x26d: {  	_ = 	snop;
	(pc) =	sbr.rel @p1 .LBB2_28-.Ltmp27, $4  }
0x26e: {  	_ = 	snop  }
0x26f: {  	s23 =	sshrl.u32 s3, $0x3;
	s30 =	sshll.u32 s3, $0x7;
	s20 =	sand.u32 $0x1, s2  }
0x270: {  	s23 =	smul.u32 $0x3000, s23;
	v4 =	vmov s1;
	v8 =	vbroadcast v8, $0x0;
	s16 =	sshll.u32 s20, $0x9;
	s21 =	sshll.u32 s20, $0xD  }
0x271: {  	v5 =	vmov s16;
	v6 =	vmov s21;
	s21 =	sand.u32 $0x380, s30;
	v7 =	vmov s6  }
0x272: {  	v15 =	vmov s21  }
0x273: {  	s1 =	sshra.s32 s23, $0x2;
	s2 =	simm.s32 $0x0  }
0x274: {  	s15 =	simm.s32 $0x0;
	s6 =	sadd.s32 $0x8080, s1;
	s2 =	sand.u32 $0xFFFFFC00, s2  }
0x275: {  	s7 =	sand.u32 $0x40, s15;
	s2 =	sadd.s32 s2, s6  }
0x276: {  	s7 =	sadd.s32 s7, s2  }
0x277: {  	v10 =	vld.idx.msk [tilespmem:v15+s7+$0x0 ss:$0x1], $0xffff  }
0x278: {  	s16 =	simm.s32 $0x10  }
0x279: {  	s10 =	simm.s32 $0x20;
	s12 =	sand.u32 $0x50, s16  }
0x27a: {  	s11 =	sand.u32 $0x60, s10;
	s12 =	sadd.s32 s12, s2  }
0x27b: {  	s11 =	sadd.s32 s11, s2;
	v13 =	vld.idx.msk [tilespmem:v15+s12+$0x0 ss:$0x1], $0xffff  }
0x27c: {  	v11 =	vld.idx.msk [tilespmem:v15+s11+$0x0 ss:$0x1], $0xffff;
	v12 =	vxor.u32 v8, v10  }
0x27d: {  	v10 =	vshrl.u32 v12, $0x12  }
0x27e: {  	s9 =	simm.s32 $0x30;
	v10 =	vand.u32 $0x1FFF, v10  }
0x27f: {  	s30 =	sand.u32 $0x70, s9;
	v14 =	vor.u32 v6, v10  }
0x280: {  	s2 =	sadd.s32 s30, s2;
	v16 =	vxor.u32 v8, v13  }
0x281: {  	v17 =	vshrl.u32 v16, $0x12;
	v10 =	vxor.u32 v8, v11;
	v11 =	vld.idx.msk [tilespmem:v15+s2+$0x0 ss:$0x1], $0xffff  }
0x282: {  	v17 =	vand.u32 $0x1FFF, v17;
	v13 =	vshrl.u32 v10, $0x12  }
0x283: {  	v18 =	vor.u32 v6, v17;
	v13 =	vand.u32 $0x1FFF, v13  }
0x284: {  	p3 =	sgt.s32 s24, $0x4;
	v13 =	vor.u32 v6, v13;
	v23 =	vld.idx.msk [tilespmem:v14+s19+$0x0], $0xffff  }
.Ltmp28:
0x285: {  	_ = 	snop;
	(pc) =	sbr.rel @!p3 .LBB2_40-.Ltmp28, $4  }
0x286: {  	v19 =	vxor.u32 v8, v11  }
0x287: {  	v9 =	vimm.s32 $0x0;
	v14 =	vshrl.u32 v19, $0x12  }
0x288: {  	p1 =	por $0x0, $0x0;
	v22 =	vor.u32 s16, v1;
	v35 =	vor.u32 s10, v1;
	v31 =	vld.idx.msk [tilespmem:v18+s19+$0x0], $0xffff;
	v14 =	vand.u32 $0x1FFF, v14  }
0x289: {  	p2 =	por $0x0, $0x0;
	s7 =	simm.s32 $0x200;
	s2 =	simm.s32 $0x70;
	v11 =	vor.u32 s15, v1;
	v17 =	vld.idx.msk [tilespmem:v13+s19+$0x0], $0xffff;
	v47 =	vor.u32 v6, v14;
	v45 =	vadd.s32 v5, v23  }
0x28a: {  	_ =	sdelay $0x3  }
0x28b: {  	v13 =	vld.idx.msk [tilespmem:v45+s4+$0x0], $0xffff;
	_ =	sdelay $0x1  }
0x28c: {  	v14 =	vadd.s32 v5, v17;
	_ =	sdelay $0x1  }
0x28d: {  	v20 =	vld.idx.msk [tilespmem:v47+s19+$0x0], $0xffff  }
0x28e: {  	vm0 =	vlt.s32 v13, v12  }
0x28f: {  	s1 =	simm.s32 $0x40;
	s7 =	sand.u32 $0xFFFFFC00, s7;
	s11 =	simm.s32 $0x50;
	v13 =	vsel vm0, $0x1, v2  }
0x290: {  	s13 =	simm.s32 $0x60;
	s10 =	sand.u32 $0x40, s1;
	s7 =	sadd.s32 s7, s6;
	v13 =	vadd.s32 v13, v23;
	v14 =	vld.idx.msk [tilespmem:v14+s4+$0x0], $0xffff  }
0x291: {  	s12 =	sand.u32 $0x50, s11;
	s16 =	sand.u32 $0x60, s13;
	s10 =	sadd.s32 s10, s7;
	v21 =	vadd.s32 v5, v13  }
0x292: {  	s15 =	sadd.s32 s12, s7;
	s12 =	sadd.s32 s16, s7;
	v18 =	vld.idx.msk [tilespmem:v15+s10+$0x0 ss:$0x1], $0xffff;
	v23 =	vadd.s32 v5, v20  }
0x293: {  	v26 =	vld.idx.msk [tilespmem:v15+s12+$0x0 ss:$0x1], $0xffff  }
0x294: {  	v25 =	vld.idx.msk [tilespmem:v15+s15+$0x0 ss:$0x1], $0xffff  }
0x295: {  	vm11 =	vlt.s32 v14, v10  }
0x296: {  	v21 =	vld.idx.msk [tilespmem:v21+s4+$0x0], $0xffff;
	v14 =	vsel vm11, $0x1, v2  }
0x297: {  	v28 =	vadd.s32 v5, v31;
	v24 =	vxor.u32 v8, v18;
	v29 =	vadd.s32 v14, v17;
	v14 =	vld.idx.msk [tilespmem:v23+s4+$0x0], $0xffff  }
0x298: {  	v27 =	vxor.u32 v8, v26;
	v18 =	vshrl.u32 v24, $0x12  }
0x299: {  	s30 =	sand.u32 $0x70, s2;
	v17 =	vand.u32 $0x1FFF, v18;
	v18 =	vxor.u32 v8, v25;
	v23 =	vadd.s32 v5, v29  }
0x29a: {  	s7 =	sadd.s32 s30, s7;
	v25 =	vshrl.u32 v27, $0x12;
	v17 =	vor.u32 v6, v17;
	v26 =	vshrl.u32 v18, $0x12  }
0x29b: {  	v33 =	vld.idx.msk [tilespmem:v15+s7+$0x0 ss:$0x1], $0xffff;
	v25 =	vand.u32 $0x1FFF, v25;
	v26 =	vand.u32 $0x1FFF, v26;
	vm12 =	vlt.s32 v21, v12  }
0x29c: {  	v28 =	vld.idx.msk [tilespmem:v28+s4+$0x0], $0xffff;
	v25 =	vor.u32 v6, v25;
	v21 =	vsel vm12, $0x1, v2;
	vm13 =	vlt.s32 v14, v19  }
0x29d: {  	v30 =	vadd.s32 v21, v13;
	v14 =	vor.u32 v6, v26;
	v13 =	vsel vm13, $0x1, v2  }
0x29e: {  	v37 =	vadd.s32 v5, v30;
	v34 =	vld.idx.msk [tilespmem:v23+s4+$0x0], $0xffff;
	v36 =	vadd.s32 v13, v20  }
0x29f: {  	p3 =	sgt.s32 s24, $0x8;
	v23 =	vld.idx.msk [tilespmem:v17+s19+$0x0], $0xffff;
	v13 =	vadd.s32 v5, v36  }
.Ltmp29:
0x2a0: {  	v32 =	vor.u32 s1, v1;
	v26 =	vxor.u32 v8, v33;
	(pc) =	sbr.rel @!p3 .LBB2_42-.Ltmp29, $4  }
0x2a1: {  	vm14 =	vlt.s32 v28, v16;
	v28 =	vor.u32 s13, v1;
	v20 =	vshrl.u32 v26, $0x12;
	v17 =	vld.idx.msk [tilespmem:v25+s19+$0x0], $0xffff  }
0x2a2: {  	v21 =	vor.u32 s11, v1;
	v20 =	vand.u32 $0x1FFF, v20;
	v52 =	vld.idx.msk [tilespmem:v14+s19+$0x0], $0xffff;
	v14 =	vsel vm14, $0x1, v2  }
0x2a3: {  	v47 =	vor.u32 v6, v20;
	v41 =	vld.idx.msk [tilespmem:v37+s4+$0x0], $0xffff;
	vm15 =	vlt.s32 v34, v10;
	v34 =	vadd.s32 v14, v31  }
0x2a4: {  	p1 =	por $0x1, $0x1;
	s10 =	simm.s32 $0x400;
	s7 =	simm.s32 $0xB0;
	v45 =	vadd.s32 v5, v23;
	v46 =	vsel vm15, $0x1, v2;
	v49 =	vadd.s32 v5, v34;
	v48 =	vld.idx.msk [tilespmem:v13+s4+$0x0], $0xffff  }
0x2a5: {  	_ =	sdelay $0x3  }
0x2a6: {  	v13 =	vld.idx.msk [tilespmem:v45+s4+$0x0], $0xffff  }
0x2a7: {  	v31 =	vld.idx.msk [tilespmem:v47+s19+$0x0], $0xffff  }
0x2a8: {  	v20 =	vld.idx.msk [tilespmem:v49+s4+$0x0], $0xffff;
	v14 =	vadd.s32 v5, v17;
	_ =	sdelay $0x1  }
0x2a9: {  	v43 =	vadd.s32 v5, v52  }
0x2aa: {  	s1 =	simm.s32 $0x80;
	s10 =	sand.u32 $0xFFFFFC00, s10;
	vm1 =	vlt.s32 v48, v19  }
0x2ab: {  	vm0 =	vlt.s32 v11, v7;
	s11 =	sand.u32 $0x40, s1;
	s10 =	sadd.s32 s10, s6;
	v11 =	vsel vm1, $0x1, v2  }
0x2ac: {  	s12 =	simm.s32 $0xA0;
	s11 =	sadd.s32 s11, s10;
	vm1 =	vlt.s32 v13, v24;
	v40 =	vadd.s32 v5, v31;
	vm3 =	vlt.s32 v20, v16;
	v25 =	vld.idx.msk [tilespmem:v14+s4+$0x0], $0xffff  }
0x2ad: {  	s13 =	simm.s32 $0x90;
	s14 =	sand.u32 $0x60, s12;
	v14 =	vadd.s32 v46, v29;
	v29 =	vld.idx.msk [tilespmem:v15+s11+$0x0 ss:$0x1], $0xffff;
	v33 =	vsel vm1, $0x1, v2;
	v13 =	vadd.s32 v11, v36  }
0x2ae: {  	s16 =	sand.u32 $0x50, s13;
	s14 =	sadd.s32 s14, s10;
	vm1 =	vlt.s32 v41, v12;
	v63 =	vadd.s32 v33, v23;
	v44 =	vadd.s32 v5, v14;
	v62 =	vld.idx.msk [tilespmem:v43+s4+$0x0], $0xffff  }
0x2af: {  	s30 =	sand.u32 $0x70, s7;
	v37 =	vld.idx.msk [tilespmem:v15+s14+$0x0 ss:$0x1], $0xffff;
	s11 =	sadd.s32 s16, s10;
	v23 =	vadd.s32 v5, v13;
	vm2 =	vmand vm0, vm1;
	vm1 =	veq.s32 v41, v12  }
0x2b0: {  	v11 =	vor.u32 s1, v1;
	s1 =	sadd.s32 s30, s10;
	v39 =	vld.idx.msk [tilespmem:v15+s11+$0x0 ss:$0x1], $0xffff;
	v38 =	vadd.s32 v5, v63;
	vm1 =	vmand vm0, vm1  }
0x2b1: {  	v54 =	vld.idx.msk [tilespmem:v15+s1+$0x0 ss:$0x1], $0xffff;
	v33 =	vsel vm2, $0x1, v2;
	v43 =	vsel vm1, $0x2, v2;
	vm2 =	vlt.s32 v25, v27  }
0x2b2: {  	v12 =	vxor.u32 v8, v29;
	v25 =	vsel vm3, $0x1, v2;
	v20 =	vsel vm2, $0x1, v2  }
0x2b3: {  	v42 =	vshrl.u32 v12, $0x12;
	vm14 =	vlt.s32 v62, v18;
	v50 =	vld.idx.msk [tilespmem:v44+s4+$0x0], $0xffff;
	v29 =	vadd.s32 v20, v17  }
0x2b4: {  	v44 =	vimm.s32 $0x0;
	v17 =	vld.idx.msk [tilespmem:v23+s4+$0x0], $0xffff;
	v20 =	vand.u32 $0x1FFF, v42;
	v55 =	vadd.s32 v5, v29  }
0x2b5: {  	v42 =	vxor.u32 v8, v37;
	v23 =	vld.idx.msk [tilespmem:v38+s4+$0x0], $0xffff;
	v37 =	vxor.u32 v8, v39;
	v56 =	vor.u32 v6, v20  }
0x2b6: {  	v40 =	vld.idx.msk [tilespmem:v40+s4+$0x0], $0xffff;
	v38 =	vxor.u32 v8, v54;
	v39 =	vshrl.u32 v37, $0x12;
	v20 =	vadd.s32 v25, v34  }
0x2b7: {  	v57 =	vshrl.u32 v42, $0x12;
	v25 =	vand.u32 $0x1FFF, v39;
	v59 =	vadd.s32 v5, v20  }
0x2b8: {  	v58 =	vshrl.u32 v38, $0x12;
	v60 =	vor.u32 v6, v25;
	v25 =	vand.u32 $0x1FFF, v57  }
0x2b9: {  	v39 =	vor.u32 s13, v1;
	v51 =	vand.u32 $0x1FFF, v58;
	v47 =	vor.u32 v6, v25;
	v61 =	vld.idx.msk [tilespmem:v55+s4+$0x0], $0xffff  }
0x2ba: {  	v25 =	vor.u32 s12, v1;
	vm2 =	veq.s32 v17, v19;
	vm3 =	vlt.s32 v23, v24;
	v23 =	vld.idx.msk [tilespmem:v56+s19+$0x0], $0xffff  }
0x2bb: {  	vm4 =	vlt.s32 v17, v19;
	v17 =	vsel vm3, $0x1, v2;
	vm3 =	vlt.s32 v40, v26  }
0x2bc: {  	v19 =	vadd.s32 v17, v63;
	v17 =	vsel vm3, $0x1, v2;
	v63 =	vor.u32 s9, v1;
	v41 =	vld.idx.msk [tilespmem:v59+s4+$0x0], $0xffff  }
0x2bd: {  	v53 =	vadd.s32 v5, v19;
	v36 =	vadd.s32 v17, v31;
	vm3 =	vlt.s32 v63, v7  }
0x2be: {  	p3 =	sgt.s32 s24, $0xC;
	v54 =	vadd.s32 v5, v36;
	vm4 =	vmand vm3, vm4;
	vm0 =	vmand vm3, vm2  }
.Ltmp30:
0x2bf: {  	v17 =	vld.idx.msk [tilespmem:v47+s19+$0x0], $0xffff;
	vm2 =	vlt.s32 v35, v7;
	v45 =	vadd.s32 v5, v23;
	vm3 =	vlt.s32 v61, v27;
	(pc) =	sbr.rel @!p3 .LBB2_44-.Ltmp30, $4  }
0x2c0: {  	v47 =	vor.u32 v6, v51;
	v40 =	vsel vm4, $0x1, v2;
	v46 =	vsel vm3, $0x1, v2  }
0x2c1: {  	v31 =	vld.idx.msk [tilespmem:v60+s19+$0x0], $0xffff;
	vm3 =	vlt.s32 v22, v7;
	v22 =	vsel vm14, $0x1, v2;
	vm5 =	vlt.s32 v41, v16  }
0x2c2: {  	p2 =	por $0x1, $0x1;
	vm15 =	veq.s32 v41, v16;
	v34 =	vadd.s32 v22, v52;
	v41 =	vld.idx.msk [tilespmem:v53+s4+$0x0], $0xffff;
	vm5 =	vmand vm3, vm5  }
0x2c3: {  	s10 =	simm.s32 $0x600;
	[tilespmem:v30+s26+$0x0] =	vst.idx.msk vm1, v4;
	s12 =	simm.s32 $0xF0;
	s9 =	simm.s32 $0xC;
	vm1 =	vmand vm3, vm15;
	v49 =	vadd.s32 v5, v34;
	v48 =	vld.idx.msk [tilespmem:v54+s4+$0x0], $0xffff;
	v51 =	vsel vm5, $0x1, v2  }
.LBB2_45:
0x2c4: {  	s1 =	sadd.s32 $0xFFFFFFD0, s12;
	s11 =	sand.u32 $0xFFFFFC00, s10;
	s13 =	sadd.s32 $0xFFFFFFE0, s12;
	v30 =	vld.idx.msk [tilespmem:v45+s4+$0x0], $0xffff;
	v35 =	vadd.s32 v5, v17;
	vm3 =	vlt.s32 v32, v7;
	v45 =	vadd.s32 v46, v29  }
0x2c5: {  	s16 =	sand.u32 $0x70, s12;
	v46 =	vsel vm0, $0x2, v2;
	v32 =	vmovc v11;
	v22 =	vmovc v25;
	s14 =	sand.u32 $0x40, s1;
	s11 =	sadd.s32 s11, s6;
	v16 =	vadd.s32 v5, v45;
	v11 =	vor.u32 s1, v1  }
0x2c6: {  	v25 =	vor.u32 v33, v44;
	vm5 =	veq.s32 v50, v10;
	vm6 =	vlt.s32 v50, v10;
	v10 =	vmovc v27;
	s1 =	sadd.s32 s14, s11;
	s14 =	sand.u32 $0x50, s13;
	s30 =	sadd.s32 s16, s11  }
0x2c7: {  	s9 =	sadd.s32 $0x4, s9;
	v25 =	vor.u32 v43, v25;
	s16 =	sadd.s32 $0xFFFFFFF0, s12;
	vm4 =	veq.s32 v41, v24;
	vm7 =	vlt.s32 v41, v24;
	s14 =	sadd.s32 s14, s11;
	v47 =	vld.idx.msk [tilespmem:v47+s19+$0x0], $0xffff  }
0x2c8: {  	p3 =	slt.s32 s9, s24;
	v27 =	vmovc v42;
	vm6 =	vmand vm2, vm6;
	v24 =	vmovc v12;
	s15 =	sand.u32 $0x60, s16;
	vm7 =	vmand vm3, vm7;
	vm8 =	vlt.s32 v48, v26;
	v29 =	vld.idx.msk [tilespmem:v49+s4+$0x0], $0xffff  }
0x2c9: {  	v52 =	vmovc v19;
	s11 =	sadd.s32 s15, s11;
	v33 =	vsel vm7, $0x1, v2;
	v43 =	vsel vm8, $0x1, v2;
	v12 =	vld.idx.msk [tilespmem:v35+s4+$0x0], $0xffff;
	[tilespmem:v20+s26+$0x0] =	vst.idx.msk vm1, v4;
	v20 =	vsel vm6, $0x1, v2  }
0x2ca: {  	vm6 =	vlt.s32 v30, v24;
	v30 =	vsel vm1, $0x2, v2;
	vm1 =	vmand vm2, vm5;
	v19 =	vld.idx.msk [tilespmem:v15+s1+$0x0 ss:$0x1], $0xffff;
	[tilespmem:v13+s26+$0x0] =	vst.idx.msk vm0, v4  }
0x2cb: {  	v25 =	vor.u32 v51, v25;
	v35 =	vmovc v31;
	v42 =	vsel vm6, $0x1, v2;
	v13 =	vadd.s32 v43, v36;
	v41 =	vld.idx.msk [tilespmem:v15+s14+$0x0 ss:$0x1], $0xffff  }
0x2cc: {  	v25 =	vor.u32 v30, v25;
	v36 =	vadd.s32 v42, v23;
	v23 =	vadd.s32 v5, v13;
	v31 =	vld.idx.msk [tilespmem:v15+s11+$0x0 ss:$0x1], $0xffff  }
0x2cd: {  	v20 =	vor.u32 v20, v25;
	v30 =	vadd.s32 v5, v36;
	v43 =	vadd.s32 v5, v47  }
0x2ce: {  	v48 =	vadd.s32 v5, v35;
	vm0 =	vlt.s32 v29, v18;
	v29 =	vsel vm1, $0x2, v2;
	v25 =	vld.idx.msk [tilespmem:v15+s30+$0x0 ss:$0x1], $0xffff  }
0x2cf: {  	vm2 =	vlt.s32 v12, v27;
	v49 =	vsel vm0, $0x1, v2;
	v20 =	vor.u32 v29, v20  }
0x2d0: {  	v12 =	vxor.u32 v8, v19;
	v19 =	vsel vm2, $0x1, v2;
	v20 =	vor.u32 v40, v20;
	[tilespmem:v14+s26+$0x0] =	vst.idx.msk vm1, v4  }
0x2d1: {  	v40 =	vshrl.u32 v12, $0x12;
	v51 =	vxor.u32 v8, v41;
	v29 =	vadd.s32 v19, v17;
	v14 =	vmovc v45;
	v17 =	vld.idx.msk [tilespmem:v23+s4+$0x0], $0xffff  }
0x2d2: {  	v19 =	vand.u32 $0x1FFF, v40;
	v42 =	vxor.u32 v8, v31;
	v23 =	vadd.s32 v5, v29;
	v30 =	vld.idx.msk [tilespmem:v30+s4+$0x0], $0xffff  }
0x2d3: {  	v44 =	vor.u32 v46, v20;
	v19 =	vor.u32 v6, v19;
	v31 =	vshrl.u32 v42, $0x12;
	v40 =	vld.idx.msk [tilespmem:v43+s4+$0x0], $0xffff  }
0x2d4: {  	v20 =	vadd.s32 v49, v34;
	v41 =	vshrl.u32 v51, $0x12;
	v43 =	vxor.u32 v8, v25  }
0x2d5: {  	v25 =	vand.u32 $0x1FFF, v41;
	v41 =	vadd.s32 v5, v20;
	v34 =	vshrl.u32 v43, $0x12  }
0x2d6: {  	v53 =	vor.u32 s13, v1;
	v45 =	vor.u32 v6, v25;
	v25 =	vand.u32 $0x1FFF, v31  }
0x2d7: {  	v31 =	vor.u32 v6, v25;
	vm0 =	veq.s32 v17, v26;
	vm2 =	vlt.s32 v17, v26;
	v46 =	vld.idx.msk [tilespmem:v23+s4+$0x0], $0xffff  }
0x2d8: {  	v25 =	vor.u32 s16, v1;
	v34 =	vand.u32 $0x1FFF, v34;
	v26 =	vmovc v38;
	v38 =	vmovc v43;
	vm1 =	vlt.s32 v30, v24;
	v23 =	vld.idx.msk [tilespmem:v19+s19+$0x0], $0xffff  }
0x2d9: {  	v17 =	vsel vm1, $0x1, v2;
	vm1 =	vlt.s32 v40, v26;
	v30 =	vld.idx.msk [tilespmem:v48+s4+$0x0], $0xffff  }
0x2da: {  	v40 =	vor.u32 s2, v1;
	s2 =	smov.u32 s7;
	s7 =	smov.u32 s12;
	v19 =	vadd.s32 v17, v36;
	v17 =	vsel vm1, $0x1, v2;
	v48 =	vld.idx.msk [tilespmem:v41+s4+$0x0], $0xffff  }
0x2db: {  	vm5 =	vlt.s32 v40, v7;
	v41 =	vadd.s32 v5, v19;
	v36 =	vadd.s32 v17, v47  }
0x2dc: {  	vm1 =	vmand vm3, vm4;
	vm2 =	vmand vm5, vm2;
	v49 =	vadd.s32 v5, v36;
	v17 =	vld.idx.msk [tilespmem:v31+s19+$0x0], $0xffff  }
0x2dd: {  	v43 =	vsel vm1, $0x2, v2;
	vm0 =	vmand vm5, vm0;
	v40 =	vsel vm2, $0x1, v2;
	v31 =	vld.idx.msk [tilespmem:v45+s19+$0x0], $0xffff  }
.Ltmp31:
0x2de: {  	vm2 =	vlt.s32 v28, v7;
	v28 =	vmovc v22;
	vm3 =	vlt.s32 v46, v27;
	v45 =	vadd.s32 v5, v23;
	(pc) =	sbr.rel @p3 .LBB2_45-.Ltmp31, $4  }
0x2df: {  	v46 =	vsel vm3, $0x1, v2;
	vm3 =	vlt.s32 v21, v7;
	v21 =	vmovc v39;
	vm4 =	vlt.s32 v30, v37;
	v50 =	vld.idx.msk [tilespmem:v16+s4+$0x0], $0xffff  }
0x2e0: {  	v16 =	vsel vm4, $0x1, v2;
	vm4 =	veq.s32 v48, v18;
	vm5 =	vlt.s32 v48, v18;
	v18 =	vmovc v37;
	v41 =	vld.idx.msk [tilespmem:v41+s4+$0x0], $0xffff  }
0x2e1: {  	v47 =	vor.u32 v6, v34;
	v37 =	vmovc v51;
	v34 =	vadd.s32 v16, v35;
	vm5 =	vmand vm3, vm5;
	v48 =	vld.idx.msk [tilespmem:v49+s4+$0x0], $0xffff  }
0x2e2: {  	s10 =	sadd.s32 $0x200, s10;
	s12 =	sadd.s32 $0x40, s12;
	v39 =	vmovc v53;
	v49 =	vadd.s32 v5, v34;
	v51 =	vsel vm5, $0x1, v2;
	[tilespmem:v52+s26+$0x0] =	vst.idx.msk vm1, v4;
	vm1 =	vmand vm3, vm4  }
0x2e3: {  	v56 =	vmov v10;
	v55 =	vmov v32;
	v15 =	vmov v27  }
0x2e4: {  	v54 =	vmovc v24;
	v53 =	vmovc v26;
	v10 =	vmov v42;
	v30 =	vmov v19;
	v42 =	vmov v18  }
0x2e5: {  	v19 =	vmovc v38;
	s9 =	smov.u32 s7;
	v35 =	vmovc v28;
	v16 =	vmov v37;
	v37 =	vmov v21;
	v22 =	vmov v39  }
.LBB2_47:
0x2e6: {  	_ =	sdelay $0x3  }
0x2e7: {  	v21 =	vadd.s32 v5, v17;
	v24 =	vld.idx.msk [tilespmem:v47+s19+$0x0], $0xffff;
	vm3 =	vlt.s32 @p1 v55, v7;
	v26 =	vadd.s32 @p1 v46, v29  }
0x2e8: {  	v18 =	vld.idx.msk [tilespmem:v45+s4+$0x0], $0xffff;
	v28 =	vsel @p2 vm0, $0x2, v2;
	vm4 =	veq.s32 @p2 v50, v56;
	v59 =	vadd.s32 v5, v31  }
0x2e9: {  	vm5 =	vlt.s32 @p2 v50, v56;
	v29 =	vor.u32 @p2 v33, v44;
	vm6 =	vlt.s32 @p1 v48, v53  }
0x2ea: {  	v32 =	vld.idx.msk @p1 [tilespmem:v49+s4+$0x0], $0xffff;
	v15 =	vpsel p1, v15, v0;
	vm13 =	vlt.s32 v11, v7;
	v27 =	vadd.s32 @p1 v5, v26  }
0x2eb: {  	v33 =	vsel @p1 vm6, $0x1, v2;
	vm6 =	vlt.s32 @p1 v41, v54;
	v29 =	vor.u32 @p2 v43, v29  }
0x2ec: {  	vm5 =	vmand @p2 vm2, vm5;
	vm2 =	vmand @p2 vm2, vm4;
	v21 =	vld.idx.msk [tilespmem:v21+s4+$0x0], $0xffff;
	v58 =	vadd.s32 v5, v24  }
0x2ed: {  	vm4 =	veq.s32 @p1 v41, v54;
	v26 =	vpsel p1, v26, v0;
	vm14 =	vlt.s32 v18, v12;
	v62 =	vld.idx.msk [tilespmem:v59+s4+$0x0], $0xffff  }
0x2ee: {  	v33 =	vadd.s32 @p1 v33, v36;
	v43 =	vsel @p2 vm5, $0x1, v2;
	v38 =	vsel vm14, $0x1, v2  }
0x2ef: {  	vm5 =	vlt.s32 @p1 v32, v42;
	v27 =	vld.idx.msk @p1 [tilespmem:v27+s4+$0x0], $0xffff;
	v23 =	vadd.s32 v38, v23;
	v38 =	vadd.s32 @p1 v5, v33  }
0x2f0: {  	v29 =	vor.u32 @p2 v51, v29;
	v44 =	vsel @p1 vm5, $0x1, v2;
	vm5 =	vmand @p1 vm3, vm6  }
0x2f1: {  	vm3 =	vmand @p1 vm3, vm4;
	v34 =	vadd.s32 @p1 v44, v34;
	v39 =	vadd.s32 v5, v23;
	v18 =	vld.idx.msk [tilespmem:v58+s4+$0x0], $0xffff  }
0x2f2: {  	vm15 =	vlt.s32 v21, v10;
	v21 =	vsel @p2 vm1, $0x2, v2;
	vm9 =	vlt.s32 v62, v16  }
0x2f3: {  	v60 =	vsel vm15, $0x1, v2;
	v21 =	vor.u32 @p2 v21, v29;
	v46 =	vsel vm9, $0x1, v2  }
0x2f4: {  	v27 =	vpsel p1, v27, v0;
	v29 =	vld.idx.msk @p1 [tilespmem:v38+s4+$0x0], $0xffff;
	v21 =	vor.u32 @p2 v43, v21;
	v38 =	vsel @p2 vm2, $0x2, v2  }
0x2f5: {  	v61 =	vadd.s32 v60, v17;
	v43 =	vadd.s32 @p1 v5, v34;
	v21 =	vor.u32 @p2 v38, v21  }
0x2f6: {  	v63 =	vadd.s32 v5, v61;
	v39 =	vld.idx.msk [tilespmem:v39+s4+$0x0], $0xffff;
	v21 =	vor.u32 @p2 v40, v21;
	vm8 =	vlt.s32 v18, v19  }
0x2f7: {  	v38 =	vsel @p1 vm5, $0x1, v2;
	v18 =	vor.u32 @p2 v28, v21;
	v44 =	vsel vm8, $0x1, v2  }
0x2f8: {  	v28 =	vpsel p1, v34, v0;
	v21 =	vadd.s32 v44, v24;
	v24 =	vadd.s32 v46, v31  }
0x2f9: {  	vm8 =	vlt.s32 @p1 v35, v7;
	v18 =	vpsel p2, v18, v9;
	v49 =	vadd.s32 v5, v24  }
0x2fa: {  	vm6 =	veq.s32 @p1 v29, v53;
	v32 =	vld.idx.msk @p1 [tilespmem:v43+s4+$0x0], $0xffff;
	vm5 =	vlt.s32 @p1 v29, v53;
	v47 =	vadd.s32 v5, v21  }
0x2fb: {  	v31 =	vsel @p1 vm3, $0x2, v2;
	v45 =	vld.idx.msk [tilespmem:v63+s4+$0x0], $0xffff;
	vm10 =	vlt.s32 v39, v12;
	v39 =	vor.u32 @p1 s2, v1  }
0x2fc: {  	v31 =	vpsel p1, v31, v0;
	v48 =	vsel vm10, $0x1, v2;
	vm7 =	vlt.s32 @p1 v39, v7  }
0x2fd: {  	v23 =	vadd.s32 v48, v23;
	vm4 =	vmand @p1 vm7, vm5;
	vm5 =	vmand @p1 vm7, vm6  }
0x2fe: {  	vm6 =	vlt.s32 @p1 v37, v7;
	v37 =	vpsel p1, v38, v0;
	v50 =	vadd.s32 v5, v23;
	v52 =	vld.idx.msk [tilespmem:v49+s4+$0x0], $0xffff  }
0x2ff: {  	v39 =	vsel @p1 vm4, $0x1, v2;
	v18 =	vor.u32 @p1 v37, v18;
	vm7 =	vlt.s32 @p1 v32, v42;
	v51 =	vld.idx.msk [tilespmem:v47+s4+$0x0], $0xffff  }
0x300: {  	vm9 =	veq.s32 @p1 v32, v42;
	v32 =	vpsel p1, v33, v0;
	vm4 =	vlt.s32 v45, v10  }
0x301: {  	vm7 =	vmand @p1 vm6, vm7;
	vm6 =	vmand @p1 vm6, vm9;
	v53 =	vsel vm4, $0x1, v2  }
0x302: {  	v36 =	vsel @p1 vm7, $0x1, v2;
	vm4 =	vmmov @p1 vm5;
	vm7 =	vmmov @p1 vm8  }
0x303: {  	vm5 =	vmmov @p1 vm6;
	vm6 =	veq.s32 @p1 v27, v15;
	vm12 =	vlt.s32 v52, v16  }
0x304: {  	vm8 =	vlt.s32 @p1 v27, v15;
	vm11 =	vlt.s32 v51, v19;
	v55 =	vsel vm12, $0x1, v2  }
0x305: {  	v15 =	vor.u32 @p1 v31, v18;
	v54 =	vsel vm11, $0x1, v2;
	v24 =	vadd.s32 v55, v24  }
0x306: {  	v34 =	vpsel p1, v36, v0;
	v21 =	vadd.s32 v54, v21;
	v33 =	vadd.s32 v5, v24  }
0x307: {  	v17 =	vadd.s32 v53, v61;
	vm8 =	vmand @p1 vm7, vm8;
	v29 =	vld.idx.msk [tilespmem:v50+s4+$0x0], $0xffff;
	v56 =	vadd.s32 v5, v21  }
0x308: {  	v18 =	vsel @p1 vm5, $0x2, v2;
	v57 =	vadd.s32 v5, v17;
	v15 =	vor.u32 @p1 v34, v15  }
0x309: {  	vm6 =	vmand @p1 vm7, vm6;
	v27 =	vsel @p1 vm8, $0x1, v2;
	v15 =	vor.u32 @p1 v18, v15  }
0x30a: {  	v35 =	vpsel p1, v39, v0;
	v11 =	vor.u32 @p1 v27, v15;
	v15 =	vsel @p1 vm6, $0x2, v2  }
0x30b: {  	v31 =	vsel @p1 vm4, $0x2, v2;
	v61 =	vor.u32 s9, v1;
	v11 =	vor.u32 @p1 v15, v11;
	v59 =	vld.idx.msk [tilespmem:v33+s4+$0x0], $0xffff  }
0x30c: {  	vm10 =	vlt.s32 v61, v7;
	v11 =	vor.u32 @p1 v35, v11;
	vm14 =	vlt.s32 v29, v12;
	v58 =	vld.idx.msk [tilespmem:v56+s4+$0x0], $0xffff  }
0x30d: {  	vm15 =	veq.s32 v29, v12;
	v11 =	vor.u32 @p1 v31, v11;
	v62 =	vld.idx.msk [tilespmem:v57+s4+$0x0], $0xffff;
	vm8 =	vmand vm13, vm14  }
0x30e: {  	[tilespmem:v20+s26+$0x0] =	vst.idx.msk @p2 vm1, v4;
	v12 =	vmovc @p1 v30;
	vm7 =	vmand vm13, vm15;
	v9 =	vpsel p1, v11, v9;
	v60 =	vsel vm8, $0x1, v2  }
0x30f: {  	[tilespmem:v13+s26+$0x0] =	vst.idx.msk @p2 vm0, v4;
	vm11 =	vlt.s32 v25, v7;
	v63 =	vsel vm7, $0x2, v2;
	v9 =	vor.u32 v60, v9  }
0x310: {  	vm13 =	vlt.s32 v22, v7;
	v9 =	vor.u32 v63, v9;
	vm15 =	veq.s32 v59, v16  }
0x311: {  	[tilespmem:v14+s26+$0x0] =	vst.idx.msk @p2 vm2, v4;
	vm12 =	veq.s32 v58, v19;
	vm14 =	vlt.s32 v59, v16;
	vm1 =	vmand vm13, vm15  }
0x312: {  	[tilespmem:v28+s26+$0x0] =	vst.idx.msk @p1 vm5, v4;
	vm0 =	vmand vm10, vm12;
	vm9 =	vmand vm13, vm14;
	vm12 =	veq.s32 v62, v10  }
0x313: {  	[tilespmem:v12+s26+$0x0] =	vst.idx.msk @p1 vm3, v4;
	vm13 =	vlt.s32 v62, v10;
	v11 =	vsel vm9, $0x1, v2;
	vm3 =	vmand vm11, vm12  }
0x314: {  	[tilespmem:v32+s26+$0x0] =	vst.idx.msk @p1 vm4, v4;
	vm2 =	vmand vm11, vm13;
	v10 =	vsel vm1, $0x2, v2;
	v9 =	vor.u32 v11, v9  }
.Ltmp32:
0x315: {  	[tilespmem:v26+s26+$0x0] =	vst.idx.msk @p1 vm6, v4;
	vm14 =	vlt.s32 v58, v19;
	v11 =	vsel vm2, $0x1, v2;
	v9 =	vor.u32 v10, v9;
	(pc) =	sbr.rel .LBB2_29-.Ltmp32, $4  }
0x316: {  	[tilespmem:v23+s26+$0x0] =	vst.idx.msk vm7, v4;
	vm15 =	vmand vm10, vm14;
	v10 =	vsel vm3, $0x2, v2;
	v9 =	vor.u32 v11, v9  }
0x317: {  	v11 =	vsel vm15, $0x1, v2;
	v9 =	vor.u32 v10, v9;
	[tilespmem:v24+s26+$0x0] =	vst.idx.msk vm1, v4  }
0x318: {  	v10 =	vsel vm0, $0x2, v2;
	[tilespmem:v21+s26+$0x0] =	vst.idx.msk vm0, v4;
	v9 =	vor.u32 v11, v9  }
0x319: {  	[tilespmem:v17+s26+$0x0] =	vst.idx.msk vm3, v4;
	v9 =	vor.u32 v10, v9  }
.LBB2_28:
0x31a: {  	v9 =	vimm.s32 $0x0  }
.LBB2_29:
0x31b: {  	s1 =	ssub.s32 s22, s24  }
0x31c: {  	p1 =	slt.s32 s1, $0x1  }
.Ltmp33:
0x31d: {  	_ = 	snop;
	(pc) =	sbr.rel @p1 .LBB2_32-.Ltmp33, $1  }
0x31e: {  	_ =	sdelay $0x3  }
0x31f: {  	s1 =	sshra.s32 s23, $0x2  }
0x320: {  	s1 =	sor.u32 s21, s1  }
0x321: {  	s6 =	sshll.u32 s24, $0x7;
	s7 =	sshll.u32 s24, $0x4;
	s2 =	sadd.s32 $0x8080, s1  }
.LBB2_31:
0x322: {  	s1 =	sand.u32 $0xFFFFFC00, s6  }
0x323: {  	s9 =	sand.u32 $0x70, s7;
	s1 =	sadd.s32 s1, s2  }
0x324: {  	s1 =	sadd.s32 s9, s1  }
0x325: {  	v10 =	vld [tilespmem:s1+$0x0];
	_ =	sdelay $0x4  }
0x326: {  	v10 =	vxor.u32 v8, v10  }
0x327: {  	v11 =	vshrl.u32 v10, $0x12  }
0x328: {  	v11 =	vand.u32 $0x1FFF, v11  }
0x329: {  	v11 =	vor.u32 v6, v11;
	_ =	sdelay $0x4  }
0x32a: {  	v11 =	vld.idx.msk [tilespmem:v11+s19+$0x0], $0xffff;
	_ =	sdelay $0x4  }
0x32b: {  	v12 =	vadd.s32 v5, v11;
	_ =	sdelay $0x4  }
0x32c: {  	v12 =	vld.idx.msk [tilespmem:v12+s4+$0x0], $0xffff;
	_ =	sdelay $0x4  }
0x32d: {  	vm0 =	vlt.s32 v12, v10  }
0x32e: {  	v12 =	vsel vm0, $0x1, v2  }
0x32f: {  	v11 =	vadd.s32 v12, v11  }
0x330: {  	v12 =	vadd.s32 v5, v11;
	_ =	sdelay $0x4  }
0x331: {  	v12 =	vld.idx.msk [tilespmem:v12+s4+$0x0], $0xffff;
	_ =	sdelay $0x4  }
0x332: {  	vm14 =	vlt.s32 v12, v10  }
0x333: {  	v12 =	vsel vm14, $0x1, v2  }
0x334: {  	v11 =	vadd.s32 v12, v11  }
0x335: {  	v12 =	vadd.s32 v5, v11;
	_ =	sdelay $0x4  }
0x336: {  	v12 =	vld.idx.msk [tilespmem:v12+s4+$0x0], $0xffff;
	_ =	sdelay $0x3  }
0x337: {  	v13 =	vor.u32 s7, v1  }
0x338: {  	vm15 =	vlt.s32 v13, v7;
	vm1 =	veq.s32 v12, v10  }
0x339: {  	s24 =	sadd.s32 $0x1, s24;
	vm1 =	vmand vm15, vm1  }
0x33a: {  	p1 =	slt.s32 s24, s22  }
.Ltmp34:
0x33b: {  	vm2 =	vlt.s32 v12, v10;
	(pc) =	sbr.rel @p1 .LBB2_31-.Ltmp34, $4  }
0x33c: {  	vm0 =	vmand vm15, vm2  }
0x33d: {  	v10 =	vsel vm0, $0x1, v2  }
0x33e: {  	v63 =	vsel vm1, $0x2, v2;
	v9 =	vor.u32 v10, v9  }
0x33f: {  	s6 =	sadd.s32 $0x80, s6;
	s7 =	sadd.s32 $0x10, s7;
	v9 =	vor.u32 v63, v9;
	[tilespmem:v11+s26+$0x0] =	vst.idx.msk vm1, v4  }
.LBB2_32:
0x340: {  	v9 =	vxor.u32 $0x80000000, v9  }
0x341: {  	(xrf0) =	vmax.scan.msk.u32 $0xffff, v9;
	_ =	sdelay $0x5  }
0x342: {  	v9, _, _ =	vpop (xrf0)  }
0x343: {  	(v2sf) =	vpush v9, $0xF;
	_ =	sdelay $0xe  }
0x344: {  	s2 =	spop (v2sf)  }
0x345: {  	s1 =	sand.u32 $0x1, s2  }
0x346: {  	p2 =	slt.s32 s22, $0x1;
	p1 =	seq.s32 s1, $0x1  }
0x347: {  	p2 =	por p2, !p1  }
.Ltmp35:
0x348: {  	_ = 	snop;
	(pc) =	sbr.rel @p2 .LBB2_37-.Ltmp35, $1  }
0x349: {  	_ =	sdelay $0x3  }
.Ltmp36:
0x34a: {  	(pc) =	sbr.rel .LBB2_34-.Ltmp36, $4  }
0x34b: {  	_ = 	snop  }
0x34c: {  	s1 =	sshra.s32 s23, $0x2  }
0x34d: {  	s1 =	sor.u32 s21, s1  }
0x34e: {  	s7 =	simm.s32 $0x0;
	s6 =	sadd.s32 $0x8080, s1  }
.LBB2_36:
0x34f: {  	v12 =	vor.u32 s9, v1  }
0x350: {  	vm1 =	veq.s32 v11, v9;
	vm0 =	vlt.s32 v12, v7  }
0x351: {  	s7 =	sadd.s32 $0x1, s7;
	vm0 =	vmand vm0, vm1  }
0x352: {  	p2 =	sne.s32 s7, s22  }
.Ltmp37:
0x353: {  	_ = 	snop;
	(pc) =	sbr.rel @!p2 .LBB2_37-.Ltmp37, $2  }
0x354: {  	_ =	sdelay $0x2  }
0x355: {  	[tilespmem:v10+s26+$0x0] =	vst.idx.msk vm0, v4  }
.LBB2_34:
0x356: {  	s1 =	sshll.u32 s7, $0x7  }
0x357: {  	s9 =	sshll.u32 s7, $0x4;
	s1 =	sand.u32 $0xFFFFFC00, s1  }
0x358: {  	s10 =	sand.u32 $0x70, s9;
	s1 =	sadd.s32 s1, s6  }
0x359: {  	s1 =	sadd.s32 s10, s1  }
0x35a: {  	v9 =	vld [tilespmem:s1+$0x0];
	_ =	sdelay $0x4  }
0x35b: {  	v9 =	vxor.u32 v8, v9  }
0x35c: {  	v10 =	vshrl.u32 v9, $0x12  }
0x35d: {  	v10 =	vand.u32 $0x1FFF, v10  }
0x35e: {  	v10 =	vor.u32 v6, v10;
	_ =	sdelay $0x4  }
0x35f: {  	v10 =	vld.idx.msk [tilespmem:v10+s19+$0x0], $0xffff;
	_ =	sdelay $0x4  }
0x360: {  	v11 =	vadd.s32 v5, v10;
	_ =	sdelay $0x4  }
0x361: {  	v11 =	vld.idx.msk [tilespmem:v11+s4+$0x0], $0xffff;
	_ =	sdelay $0x4  }
0x362: {  	vm0 =	vlt.s32 v11, v9  }
0x363: {  	v12 =	vsel vm0, $0x3F800000, v3  }
0x364: {  	(xrf0) =	vmax.scan.msk.f32 $0xffff, v12;
	_ =	sdelay $0x5  }
0x365: {  	v12, _, _ =	vpop (xrf0)  }
0x366: {  	(v2sf) =	vpush v12, $0xF;
	_ =	sdelay $0xe  }
0x367: {  	s30 =	spop (v2sf)  }
0x368: {  	p2 =	sgt.f32 s30, $0.0e+00  }
.Ltmp38:
0x369: {  	_ = 	snop;
	(pc) =	sbr.rel @!p2 .LBB2_36-.Ltmp38, $1  }
0x36a: {  	_ =	sdelay $0x3  }
.LBB2_35:
0x36b: {  	v11 =	vsel vm0, $0x1, v2  }
0x36c: {  	v10 =	vadd.s32 v11, v10  }
0x36d: {  	v11 =	vadd.s32 v5, v10;
	_ =	sdelay $0x4  }
0x36e: {  	v11 =	vld.idx.msk [tilespmem:v11+s4+$0x0], $0xffff;
	_ =	sdelay $0x4  }
0x36f: {  	vm0 =	vlt.s32 v11, v9  }
0x370: {  	v12 =	vsel vm0, $0x3F800000, v3  }
0x371: {  	(xrf0) =	vmax.scan.msk.f32 $0xffff, v12;
	_ =	sdelay $0x5  }
0x372: {  	v12, _, _ =	vpop (xrf0)  }
0x373: {  	(v2sf) =	vpush v12, $0xF;
	_ =	sdelay $0xe  }
0x374: {  	s1 =	spop (v2sf)  }
0x375: {  	p2 =	sgt.f32 s1, $0.0e+00  }
.Ltmp39:
0x376: {  	_ = 	snop;
	(pc) =	sbr.rel @p2 .LBB2_35-.Ltmp39, $1  }
0x377: {  	_ =	sdelay $0x3  }
.Ltmp40:
0x378: {  	_ = 	snop;
	(pc) =	sbr.rel .LBB2_36-.Ltmp40, $1  }
0x379: {  	_ =	sdelay $0x3  }
.LBB2_37:
0x37a: {  	p2 =	slt.u32 s2, $0x80000002;
	p1 =	por !p1, !p1  }
0x37b: {  	p1 =	por !p2, !p1  }
0x37c: {  	p1 =	por !p1, !p1  }
.Ltmp41:
0x37d: {  	_ = 	snop;
	(pc) =	sbr.rel @p1 .LBB2_48-.Ltmp41, $1  }
0x37e: {  	_ =	sdelay $0x3  }
0x37f: {  	s2 =	smul.u32 $0x170, s20;
	_ =	sdelay $0x1  }
0x380: {  	v5 =	vld [tilespmem:s2+$0x400];
	_ =	sdelay $0x7  }
0x381: {  	v5 =	vld.idx.msk [tilespmem:v5+s26+$0x0], $0xffff;
	_ =	sdelay $0x4  }
0x382: {  	s1 =	sshra.s32 s23, $0x2;
	vm0 =	veq.s32 v5, v4  }
0x383: {  	s6 =	sor.u32 s21, s1;
	v5 =	vsel vm0, $0x3F800000, v3  }
0x384: {  	[tilespmem:s6+$0xB080] =	vst v5  }
0x385: {  	v5 =	vld [tilespmem:s2+$0x410];
	_ =	sdelay $0x7  }
0x386: {  	v5 =	vld.idx.msk [tilespmem:v5+s26+$0x0], $0xffff;
	_ =	sdelay $0x4  }
0x387: {  	vm6 =	veq.s32 v5, v4  }
0x388: {  	v5 =	vsel vm6, $0x3F800000, v3  }
0x389: {  	[tilespmem:s6+$0xB090] =	vst v5  }
0x38a: {  	v5 =	vld [tilespmem:s2+$0x420];
	_ =	sdelay $0x7  }
0x38b: {  	v5 =	vld.idx.msk [tilespmem:v5+s26+$0x0], $0xffff;
	_ =	sdelay $0x4  }
0x38c: {  	vm7 =	veq.s32 v5, v4  }
0x38d: {  	v5 =	vsel vm7, $0x3F800000, v3  }
0x38e: {  	[tilespmem:s6+$0xB0A0] =	vst v5  }
0x38f: {  	v5 =	vld [tilespmem:s2+$0x430];
	_ =	sdelay $0x7  }
0x390: {  	v5 =	vld.idx.msk [tilespmem:v5+s26+$0x0], $0xffff;
	_ =	sdelay $0x4  }
0x391: {  	vm8 =	veq.s32 v5, v4  }
0x392: {  	v5 =	vsel vm8, $0x3F800000, v3  }
0x393: {  	[tilespmem:s6+$0xB0B0] =	vst v5  }
0x394: {  	v5 =	vld [tilespmem:s2+$0x440];
	_ =	sdelay $0x7  }
0x395: {  	v5 =	vld.idx.msk [tilespmem:v5+s26+$0x0], $0xffff;
	_ =	sdelay $0x4  }
0x396: {  	vm9 =	veq.s32 v5, v4  }
0x397: {  	v5 =	vsel vm9, $0x3F800000, v3  }
0x398: {  	[tilespmem:s6+$0xB0C0] =	vst v5  }
0x399: {  	v5 =	vld [tilespmem:s2+$0x450];
	_ =	sdelay $0x7  }
0x39a: {  	v5 =	vld.idx.msk [tilespmem:v5+s26+$0x0], $0xffff;
	_ =	sdelay $0x4  }
0x39b: {  	vm10 =	veq.s32 v5, v4  }
0x39c: {  	v5 =	vsel vm10, $0x3F800000, v3  }
0x39d: {  	[tilespmem:s6+$0xB0D0] =	vst v5  }
0x39e: {  	v5 =	vld [tilespmem:s2+$0x460];
	_ =	sdelay $0x7  }
0x39f: {  	v5 =	vld.idx.msk [tilespmem:v5+s26+$0x0], $0xffff;
	_ =	sdelay $0x4  }
0x3a0: {  	vm11 =	veq.s32 v5, v4  }
0x3a1: {  	v5 =	vsel vm11, $0x3F800000, v3  }
0x3a2: {  	[tilespmem:s6+$0xB0E0] =	vst v5  }
0x3a3: {  	v5 =	vld [tilespmem:s2+$0x470];
	_ =	sdelay $0x7  }
0x3a4: {  	v5 =	vld.idx.msk [tilespmem:v5+s26+$0x0], $0xffff;
	_ =	sdelay $0x4  }
0x3a5: {  	s24 =	sadd.s32 $0x80, s2;
	vm12 =	veq.s32 v5, v4  }
0x3a6: {  	s7 =	sand.u32 $0x70, s2;
	s1 =	sand.u32 $0x380, s24;
	v5 =	vsel vm12, $0x3F800000, v3  }
0x3a7: {  	s1 =	sor.u32 s7, s1;
	[tilespmem:s6+$0xB0F0] =	vst v5  }
0x3a8: {  	v5 =	vld [tilespmem:s1+$0x400];
	_ =	sdelay $0x7  }
0x3a9: {  	v5 =	vld.idx.msk [tilespmem:v5+s26+$0x0], $0xffff;
	_ =	sdelay $0x4  }
0x3aa: {  	vm13 =	veq.s32 v5, v4  }
0x3ab: {  	v5 =	vsel vm13, $0x3F800000, v3  }
0x3ac: {  	[tilespmem:s6+$0xB480] =	vst v5  }
0x3ad: {  	v5 =	vld [tilespmem:s2+$0x490];
	_ =	sdelay $0x7  }
0x3ae: {  	v5 =	vld.idx.msk [tilespmem:v5+s26+$0x0], $0xffff;
	_ =	sdelay $0x4  }
0x3af: {  	vm14 =	veq.s32 v5, v4  }
0x3b0: {  	v5 =	vsel vm14, $0x3F800000, v3  }
0x3b1: {  	[tilespmem:s6+$0xB490] =	vst v5  }
0x3b2: {  	v5 =	vld [tilespmem:s2+$0x4A0];
	_ =	sdelay $0x7  }
0x3b3: {  	v5 =	vld.idx.msk [tilespmem:v5+s26+$0x0], $0xffff;
	_ =	sdelay $0x4  }
0x3b4: {  	vm15 =	veq.s32 v5, v4  }
0x3b5: {  	v5 =	vsel vm15, $0x3F800000, v3  }
0x3b6: {  	[tilespmem:s6+$0xB4A0] =	vst v5  }
0x3b7: {  	v5 =	vld [tilespmem:s2+$0x4B0];
	_ =	sdelay $0x7  }
0x3b8: {  	v5 =	vld.idx.msk [tilespmem:v5+s26+$0x0], $0xffff;
	_ =	sdelay $0x4  }
0x3b9: {  	vm4 =	veq.s32 v5, v4  }
0x3ba: {  	v5 =	vsel vm4, $0x3F800000, v3  }
0x3bb: {  	[tilespmem:s6+$0xB4B0] =	vst v5  }
0x3bc: {  	v5 =	vld [tilespmem:s2+$0x4C0];
	_ =	sdelay $0x7  }
0x3bd: {  	v5 =	vld.idx.msk [tilespmem:v5+s26+$0x0], $0xffff;
	_ =	sdelay $0x4  }
0x3be: {  	vm5 =	veq.s32 v5, v4  }
0x3bf: {  	v5 =	vsel vm5, $0x3F800000, v3  }
0x3c0: {  	[tilespmem:s6+$0xB4C0] =	vst v5  }
0x3c1: {  	v5 =	vld [tilespmem:s2+$0x4D0];
	_ =	sdelay $0x7  }
0x3c2: {  	v5 =	vld.idx.msk [tilespmem:v5+s26+$0x0], $0xffff;
	_ =	sdelay $0x4  }
0x3c3: {  	vm6 =	veq.s32 v5, v4  }
0x3c4: {  	v5 =	vsel vm6, $0x3F800000, v3  }
0x3c5: {  	[tilespmem:s6+$0xB4D0] =	vst v5  }
0x3c6: {  	v5 =	vld [tilespmem:s2+$0x4E0];
	_ =	sdelay $0x7  }
0x3c7: {  	v5 =	vld.idx.msk [tilespmem:v5+s26+$0x0], $0xffff;
	_ =	sdelay $0x4  }
0x3c8: {  	vm7 =	veq.s32 v5, v4  }
0x3c9: {  	v5 =	vsel vm7, $0x3F800000, v3  }
0x3ca: {  	[tilespmem:s6+$0xB4E0] =	vst v5  }
0x3cb: {  	v5 =	vld [tilespmem:s2+$0x4F0];
	_ =	sdelay $0x7  }
0x3cc: {  	v5 =	vld.idx.msk [tilespmem:v5+s26+$0x0], $0xffff;
	_ =	sdelay $0x4  }
0x3cd: {  	s30 =	sadd.s32 $0x100, s2;
	vm8 =	veq.s32 v5, v4  }
0x3ce: {  	s1 =	sand.u32 $0x380, s30;
	v5 =	vsel vm8, $0x3F800000, v3  }
0x3cf: {  	s1 =	sor.u32 s7, s1;
	[tilespmem:s6+$0xB4F0] =	vst v5  }
0x3d0: {  	v5 =	vld [tilespmem:s1+$0x400];
	_ =	sdelay $0x7  }
0x3d1: {  	v5 =	vld.idx.msk [tilespmem:v5+s26+$0x0], $0xffff;
	_ =	sdelay $0x4  }
0x3d2: {  	vm9 =	veq.s32 v5, v4  }
0x3d3: {  	v5 =	vsel vm9, $0x3F800000, v3  }
0x3d4: {  	[tilespmem:s6+$0xB880] =	vst v5  }
0x3d5: {  	v5 =	vld [tilespmem:s2+$0x510];
	_ =	sdelay $0x7  }
0x3d6: {  	v5 =	vld.idx.msk [tilespmem:v5+s26+$0x0], $0xffff;
	_ =	sdelay $0x4  }
0x3d7: {  	vm10 =	veq.s32 v5, v4  }
0x3d8: {  	v5 =	vsel vm10, $0x3F800000, v3  }
0x3d9: {  	[tilespmem:s6+$0xB890] =	vst v5  }
0x3da: {  	v5 =	vld [tilespmem:s2+$0x520];
	_ =	sdelay $0x7  }
0x3db: {  	v5 =	vld.idx.msk [tilespmem:v5+s26+$0x0], $0xffff;
	_ =	sdelay $0x4  }
0x3dc: {  	vm11 =	veq.s32 v5, v4  }
0x3dd: {  	v5 =	vsel vm11, $0x3F800000, v3  }
0x3de: {  	[tilespmem:s6+$0xB8A0] =	vst v5  }
0x3df: {  	v5 =	vld [tilespmem:s2+$0x530];
	_ =	sdelay $0x7  }
0x3e0: {  	v5 =	vld.idx.msk [tilespmem:v5+s26+$0x0], $0xffff;
	_ =	sdelay $0x4  }
0x3e1: {  	vm12 =	veq.s32 v5, v4  }
0x3e2: {  	v5 =	vsel vm12, $0x3F800000, v3  }
0x3e3: {  	[tilespmem:s6+$0xB8B0] =	vst v5  }
0x3e4: {  	v5 =	vld [tilespmem:s2+$0x540];
	_ =	sdelay $0x7  }
0x3e5: {  	v5 =	vld.idx.msk [tilespmem:v5+s26+$0x0], $0xffff;
	_ =	sdelay $0x4  }
0x3e6: {  	vm13 =	veq.s32 v5, v4  }
0x3e7: {  	v5 =	vsel vm13, $0x3F800000, v3  }
0x3e8: {  	[tilespmem:s6+$0xB8C0] =	vst v5  }
0x3e9: {  	v5 =	vld [tilespmem:s2+$0x550];
	_ =	sdelay $0x7  }
0x3ea: {  	v5 =	vld.idx.msk [tilespmem:v5+s26+$0x0], $0xffff;
	_ =	sdelay $0x4  }
0x3eb: {  	vm14 =	veq.s32 v5, v4  }
0x3ec: {  	v5 =	vsel vm14, $0x3F800000, v3  }
0x3ed: {  	[tilespmem:s6+$0xB8D0] =	vst v5  }
0x3ee: {  	v5 =	vld [tilespmem:s2+$0x560];
	_ =	sdelay $0x7  }
0x3ef: {  	v5 =	vld.idx.msk [tilespmem:v5+s26+$0x0], $0xffff;
	_ =	sdelay $0x1  }
.Ltmp42:
0x3f0: {  	_ = 	snop;
	(pc) =	sbr.rel .LBB2_49-.Ltmp42, $3  }
0x3f1: {  	_ =	sdelay $0x1  }
0x3f2: {  	vm15 =	veq.s32 v5, v4  }
0x3f3: {  	s2 =	sadd.s32 $0xB880, s6;
	v4 =	vsel vm15, $0x3F800000, v3  }
.LBB2_40:
.Ltmp43:
0x3f4: {  	(pc) =	sbr.rel .LBB2_47-.Ltmp43, $2  }
0x3f5: {  	_ =	sdelay $0x2  }
0x3f6: {  	v25 =	vmov v35;
	v44 =	vimm.s32 $0x0  }
.LBB2_42:
.Ltmp44:
0x3f7: {  	(pc) =	sbr.rel .LBB2_47-.Ltmp44, $4  }
0x3f8: {  	_ = 	snop  }
0x3f9: {  	v55 =	vmovc v11;
	v15 =	vmovc v10;
	v54 =	vmov v12;
	v53 =	vmov v19;
	v42 =	vmov v16  }
0x3fa: {  	v37 =	vmovc v22;
	v11 =	vmovc v32;
	v25 =	vmov v28;
	v44 =	vimm.s32 $0x0;
	v12 =	vmov v24  }
0x3fb: {  	v10 =	vmovc v27;
	v19 =	vmovc v26;
	s2 =	simm.s32 $0x30;
	s9 =	simm.s32 $0x70;
	v16 =	vmov v18;
	v22 =	vmov v21;
	v31 =	vmov v52  }
.LBB2_44:
.Ltmp45:
0x3fc: {  	(pc) =	sbr.rel .LBB2_47-.Ltmp45, $4  }
0x3fd: {  	_ = 	snop  }
0x3fe: {  	v56 =	vmovc v10;
	v55 =	vmov v32;
	v44 =	vimm.s32 $0x0;
	v15 =	vmov v27  }
0x3ff: {  	v54 =	vmovc v24;
	v53 =	vmovc v26;
	v10 =	vmov v42;
	v30 =	vmov v19;
	v42 =	vmov v18  }
0x400: {  	v19 =	vmovc v38;
	s9 =	simm.s32 $0xB0;
	v35 =	vmovc v28;
	v16 =	vmov v37;
	v37 =	vmov v21;
	v22 =	vmov v39  }
.LBB2_52:
0x401: {  	_ =	sfence.sel $0x180000  }
0x402: {  	[bflag:$0x0] =	sbarrier.arrive $0xFFFF  }
0x403: {  	_ =	strace $0x90000047  }
0x404: {  	s0 =	stileid.u32;
	[bflag:$0x2] =	sbarrier.arrive $0xFFFF  }
0x405: {  	p0 =	sne.s32 s0, $0x0;
	s0 =	rddreg [dreg:$0x5]  }
0x406: {  	s0 =	sadd.s32 @!p0 $0x100000, s0  }
0x407: {  	[sflag:s0] =	ssyncadd.tile.s32 @!p0 $0x1;
	_ =	shalt  }
.Lfunc_end2:
_tile_overlayer_lowered:
.L_overlay_start_2:
0x408: {  	(tag) =	ssettag $0x2  }
0x409: {  	s0 =	rddreg [dreg:$0x0];
	s2 =	stileid.u32  }
0x40a: {  	s1 =	rddreg [dreg:$0x1];
	p0 =	sne.s32 s2, $0x0  }
0x40b: {  	s3 =	rddreg [dreg:$0x2];
	[bflag:$0x3] =	sbarrier.arrive $0xFFFF;
	s2 =	simm.s32 @!p0 $0x1C03  }
0x40c: {  	[timem:s3], [sflag:s2] =	dma.local @!p0 [hbm:s0], s1  }
0x40d: {  	s0 =	simm.s32 @!p0 $0x3  }
0x40e: {  	_ =	swait.ge @!p0 [sflag:s0], s1  }
0x40f: {  	s1 =	ssub.s32 @!p0 $0x0, s1;
	[sflag:s0] =	ssyncset.done @!p0 $0x0  }
0x410: {  	[sflag:s0] =	ssyncadd.s32 @!p0 s1  }
0x411: {  	[bflag:$0x3] =	sbarrier.arrive $0xFFFF  }
0x412: {  	_ =	shalt  }

</sc_bundles>
